<compile_context>
chip_gen: v7x
topology: tpu7x:2x2x1
jax: 0.10.2.dev20260603
libtpu: 0.0.44.dev20260713+nightly
codegen_flags: <defaults>
</compile_context>

<pallas_src>
import functools

import jax
import jax.numpy as jnp
from jax import lax
from jax.experimental import pallas as pl
from jax.experimental.pallas import tpu as pltpu
from jax.experimental.pallas import tpu_sc as plsc

H = 100
L = 16
CH = 8


def kernel(input_ids, table):
    B, S = input_ids.shape
    V, D = table.shape
    assert S == 2 * H and D == 2 * L

    info = plsc.get_sparse_core_info()
    NC, NS = info.num_cores, info.num_subcores
    NW = NC * NS
    PB = B // NW
    NCHUNK = PB // CH

    ids4 = input_ids.reshape(B // CH, CH, 2, H).astype(jnp.int32)

    mesh = plsc.VectorSubcoreMesh(core_axis_name="c", subcore_axis_name="s")

    @functools.partial(
        pl.kernel,
        mesh=mesh,
        out_type=jax.ShapeDtypeStruct((B, D), jnp.float32),
        compiler_params=pltpu.CompilerParams(use_tc_tiling_on_sc=False),
        scratch_types=[
            pltpu.VMEM((2, CH, 2, H), jnp.int32),
            pltpu.VMEM((2, CH * S, D), jnp.float32),
            pltpu.VMEM((PB, D), jnp.float32),
            pltpu.SemaphoreType.DMA,
            pltpu.SemaphoreType.DMA,
        ],
    )
    def _emb_mean(ids_hbm, table_hbm, out_hbm, idx_buf, rows_buf, out_stage,
                  sem0, sem1):
        wid = lax.axis_index("s") * NC + lax.axis_index("c")
        base = wid * NCHUNK
        sems = (sem0, sem1)

        def gather_descs(buf):
            return [
                pltpu.make_async_copy(
                    table_hbm.at[idx_buf.at[buf, b, h]],
                    rows_buf.at[buf, pl.ds((b * 2 + h) * H, H)],
                    sems[buf])
                for b in range(CH) for h in range(2)
            ]

        def fetch(c, buf):
            pltpu.sync_copy(ids_hbm.at[base + c], idx_buf.at[buf])
            for d in gather_descs(buf):
                d.start()

        def drain(buf):
            for d in gather_descs(buf):
                d.wait()

        def reduce(c, buf):
            def bbody(b, carry):
                def rbody(s8, accs):
                    accs = list(accs)
                    for j in range(8):
                        r = b * S + s8 * 8 + j
                        k = j % 4
                        accs[2 * k] = (
                            accs[2 * k] + rows_buf[buf, r, pl.ds(0, L)])
                        accs[2 * k + 1] = (
                            accs[2 * k + 1] + rows_buf[buf, r, pl.ds(L, L)])
                    return tuple(accs)

                z = jnp.zeros((L,), jnp.float32)
                a = lax.fori_loop(0, S // 8, rbody, (z,) * 8)
                lo = (a[0] + a[2]) + (a[4] + a[6])
                hi = (a[1] + a[3]) + (a[5] + a[7])
                out_stage[c * CH + b, pl.ds(0, L)] = lo * (1.0 / S)
                out_stage[c * CH + b, pl.ds(L, L)] = hi * (1.0 / S)
                return carry

            lax.fori_loop(0, CH, bbody, 0)

        fetch(0, 0)

        def gbody(g, carry):
            fetch(2 * g + 1, 1)
            drain(0)
            reduce(2 * g, 0)

            @pl.when(2 * g + 2 < NCHUNK)
            def _():
                fetch(2 * g + 2, 0)

            drain(1)
            reduce(2 * g + 1, 1)
            return carry

        lax.fori_loop(0, NCHUNK // 2, gbody, 0)
        pltpu.sync_copy(out_stage, out_hbm.at[pl.ds(wid * PB, PB)])

    return _emb_mean(ids4, table)

# --- scband reference (transcript-rebuilt; emitter-appended) ---
"""Pipeline reference for scband-simple-embedding-model-19387482375088 (READ-ONLY COPY).

The authoritative reference and input builder live on the scoring server;
editing this copy changes nothing except your own understanding.
"""

import jax, jax.numpy as jnp
import numpy as np

VOCAB = 30522
EMBED_DIM = 32
BATCH = 16384
SEQ = 200

def setup_inputs(seed: int = 0) -> dict:
    key = jax.random.key(seed)
    k_idx, k_tab = jax.random.split(key)
    input_ids = jax.random.randint(k_idx, (BATCH, SEQ), 0, VOCAB, dtype=jnp.int64 if jax.config.read('jax_enable_x64') else jnp.int32)
    table = jax.random.normal(k_tab, (VOCAB, EMBED_DIM), dtype=jnp.float32)
    return {"input_ids": input_ids, "table": table}

def reference(input_ids, table):
    # embedding lookup: gather rows of the table, then mean over sequence dim
    embedding = jnp.take(table, input_ids, axis=0)  # [B, S, D]
    return jnp.mean(embedding, axis=1)  # [B, D]

if __name__ == "__main__":
    import jax
    _d = setup_inputs()
    print(jax.jit(kernel)(*tuple(_d.values())))

</pallas_src>

<mosaic_0001>
#map = affine_map<(d0, d1) -> (0, 0, 0, 0)>
#map1 = affine_map<(d0, d1) -> (0, 0)>
module attributes {stable_mosaic.version = 14 : i64} {
  func.func @_emb_mean(%arg0: i32, %arg1: i32, %arg2: memref<2048x8x2x100xi32, #tpu.memory_space<hbm>>, %arg3: memref<30522x32xf32, #tpu.memory_space<hbm>>, %arg4: memref<16384x32xf32, #tpu.memory_space<hbm>>, %arg5: memref<2x8x2x100xi32, #tpu.memory_space<vmem>>, %arg6: memref<2x1600x32xf32, #tpu.memory_space<vmem>>, %arg7: memref<512x32xf32, #tpu.memory_space<vmem>>, %arg8: memref<!tpu.dma_semaphore, #tpu.memory_space<semaphore_mem>>, %arg9: memref<!tpu.dma_semaphore, #tpu.memory_space<semaphore_mem>>) attributes {dimension_semantics = [#tpu.dimension_semantics<core_parallel>, #tpu.dimension_semantics<subcore_parallel>], iteration_bounds = array<i64: 2, 16>, scalar_prefetch = 0 : i64, scratch_operands = 5 : i64, tpu.core_type = #tpu.core_type<sc_vector_subcore>, window_params = [{transform_indices = #map}, {transform_indices = #map1}, {transform_indices = #map1}]} {
    %mul3A = arith.constant 2 : i32
    %mul3A_0 = arith.muli %arg1, %mul3A : i32
    %add3A = arith.addi %mul3A_0, %arg0 : i32
    %mul3A_1 = arith.constant 64 : i32
    %mul3A_2 = arith.muli %add3A, %mul3A_1 : i32
    %add3A_3 = arith.constant 0 : i32
    %add3A_4 = arith.addi %mul3A_2, %add3A_3 : i32
    %run_scoped3A = arith.constant 0 : i32
    "tpu.region"() ({
      %run_scoped3A_235 = tpu.sem_alloc : memref<!tpu.dma_semaphore, #tpu.memory_space<semaphore_mem>>
      %dma_start3A_236 = arith.constant 0 : i32
      %dma_start3A_237 = arith.constant 0 : i32
      %dma_start3A_238 = arith.constant 0 : i32
      %dma_start3A_239 = tpu.memref_slice %arg5[%run_scoped3A, %dma_start3A_236, %dma_start3A_237, %dma_start3A_238] : memref<2x8x2x100xi32, #tpu.memory_space<vmem>> -> memref<1x8x2x100xi32, #tpu.memory_space<vmem>>
      %dma_start3A_240 = tpu.memref_squeeze %dma_start3A_239 : memref<1x8x2x100xi32, #tpu.memory_space<vmem>> -> memref<8x2x100xi32, #tpu.memory_space<vmem>>
      %dma_start3A_241 = arith.constant 0 : i32
      %dma_start3A_242 = arith.constant 0 : i32
      %dma_start3A_243 = arith.constant 0 : i32
      %dma_start3A_244 = tpu.memref_slice %arg2[%add3A_4, %dma_start3A_241, %dma_start3A_242, %dma_start3A_243] : memref<2048x8x2x100xi32, #tpu.memory_space<hbm>> -> memref<1x8x2x100xi32, #tpu.memory_space<hbm>>
      %dma_start3A_245 = tpu.memref_squeeze %dma_start3A_244 : memref<1x8x2x100xi32, #tpu.memory_space<hbm>> -> memref<8x2x100xi32, #tpu.memory_space<hbm>>
      %dma_start3A_246 = arith.constant 0 : i32
      %dma_start3A_247 = arith.constant 0 : i32
      %dma_start3A_248 = arith.constant 0 : i32
      %dma_start3A_249 = tpu.memref_slice %arg5[%run_scoped3A, %dma_start3A_246, %dma_start3A_247, %dma_start3A_248] : memref<2x8x2x100xi32, #tpu.memory_space<vmem>> -> memref<1x8x2x100xi32, #tpu.memory_space<vmem>>
      %dma_start3A_250 = tpu.memref_squeeze %dma_start3A_249 : memref<1x8x2x100xi32, #tpu.memory_space<vmem>> -> memref<8x2x100xi32, #tpu.memory_space<vmem>>
      %dma_start3A_251 = arith.constant 0 : i32
      %dma_start3A_252 = arith.constant 0 : i32
      %dma_start3A_253 = arith.constant 0 : i32
      %dma_start3A_254 = tpu.memref_slice %arg2[%add3A_4, %dma_start3A_251, %dma_start3A_252, %dma_start3A_253] : memref<2048x8x2x100xi32, #tpu.memory_space<hbm>> -> memref<1x8x2x100xi32, #tpu.memory_space<hbm>>
      %dma_start3A_255 = tpu.memref_squeeze %dma_start3A_254 : memref<1x8x2x100xi32, #tpu.memory_space<hbm>> -> memref<8x2x100xi32, #tpu.memory_space<hbm>>
      tpu.enqueue_dma source(%dma_start3A_255 : memref<8x2x100xi32, #tpu.memory_space<hbm>>) target(%dma_start3A_250 : memref<8x2x100xi32, #tpu.memory_space<vmem>>) target_semaphore(%run_scoped3A_235 : memref<!tpu.dma_semaphore, #tpu.memory_space<semaphore_mem>>)
      %dma_wait3A = arith.constant 0 : i32
      %dma_wait3A_256 = arith.constant 0 : i32
      %dma_wait3A_257 = arith.constant 0 : i32
      %dma_wait3A_258 = tpu.memref_slice %arg5[%run_scoped3A, %dma_wait3A, %dma_wait3A_256, %dma_wait3A_257] : memref<2x8x2x100xi32, #tpu.memory_space<vmem>> -> memref<1x8x2x100xi32, #tpu.memory_space<vmem>>
      %dma_wait3A_259 = tpu.memref_squeeze %dma_wait3A_258 : memref<1x8x2x100xi32, #tpu.memory_space<vmem>> -> memref<8x2x100xi32, #tpu.memory_space<vmem>>
      %dma_wait3A_260 = arith.constant 0 : i32
      %dma_wait3A_261 = arith.constant 0 : i32
      %dma_wait3A_262 = arith.constant 0 : i32
      %dma_wait3A_263 = tpu.memref_slice %arg2[%add3A_4, %dma_wait3A_260, %dma_wait3A_261, %dma_wait3A_262] : memref<2048x8x2x100xi32, #tpu.memory_space<hbm>> -> memref<1x8x2x100xi32, #tpu.memory_space<hbm>>
      %dma_wait3A_264 = tpu.memref_squeeze %dma_wait3A_263 : memref<1x8x2x100xi32, #tpu.memory_space<hbm>> -> memref<8x2x100xi32, #tpu.memory_space<hbm>>
      %dma_wait3A_265 = arith.constant 0 : i32
      %dma_wait3A_266 = arith.constant 0 : i32
      %dma_wait3A_267 = arith.constant 0 : i32
      %dma_wait3A_268 = tpu.memref_slice %arg5[%run_scoped3A, %dma_wait3A_265, %dma_wait3A_266, %dma_wait3A_267] : memref<2x8x2x100xi32, #tpu.memory_space<vmem>> -> memref<1x8x2x100xi32, #tpu.memory_space<vmem>>
      %dma_wait3A_269 = tpu.memref_squeeze %dma_wait3A_268 : memref<1x8x2x100xi32, #tpu.memory_space<vmem>> -> memref<8x2x100xi32, #tpu.memory_space<vmem>>
      %dma_wait3A_270 = arith.constant 0 : i32
      %dma_wait3A_271 = arith.constant 0 : i32
      %dma_wait3A_272 = arith.constant 0 : i32
      %dma_wait3A_273 = tpu.memref_slice %arg2[%add3A_4, %dma_wait3A_270, %dma_wait3A_271, %dma_wait3A_272] : memref<2048x8x2x100xi32, #tpu.memory_space<hbm>> -> memref<1x8x2x100xi32, #tpu.memory_space<hbm>>
      %dma_wait3A_274 = tpu.memref_squeeze %dma_wait3A_273 : memref<1x8x2x100xi32, #tpu.memory_space<hbm>> -> memref<8x2x100xi32, #tpu.memory_space<hbm>>
      tpu.wait_dma2 semaphore(%run_scoped3A_235 : memref<!tpu.dma_semaphore, #tpu.memory_space<semaphore_mem>>) src(%dma_wait3A_274 : memref<8x2x100xi32, #tpu.memory_space<hbm>>) dst(%dma_wait3A_269 : memref<8x2x100xi32, #tpu.memory_space<vmem>>)
      tpu.yield
    }) : () -> ()
    %dma_start3A = arith.constant 0 : i32
    %dma_start3A_5 = arith.constant 0 : i32
    %dma_start3A_6 = arith.constant 0 : i32
    %dma_start3A_7 = arith.constant 0 : i32
    %dma_start3A_8 = arith.constant 0 : i32
    %dma_start3A_9 = arith.constant 0 : i32
    %dma_start3A_10 = tpu.memref_slice %arg6[%dma_start3A_7, %dma_start3A_8, %dma_start3A_9] : memref<2x1600x32xf32, #tpu.memory_space<vmem>> -> memref<1x100x32xf32, #tpu.memory_space<vmem>>
    %dma_start3A_11 = tpu.memref_squeeze %dma_start3A_10 : memref<1x100x32xf32, #tpu.memory_space<vmem>> -> memref<100x32xf32, #tpu.memory_space<vmem>>
    %dma_start3A_12 = arith.constant 0 : i32
    %dma_start3A_13 = tpu.memref_slice %arg5[%dma_start3A, %dma_start3A_5, %dma_start3A_6, %dma_start3A_12] : memref<2x8x2x100xi32, #tpu.memory_space<vmem>> -> memref<1x1x1x100xi32, #tpu.memory_space<vmem>>
    %dma_start3A_14 = tpu.memref_squeeze %dma_start3A_13 : memref<1x1x1x100xi32, #tpu.memory_space<vmem>> -> memref<100xi32, #tpu.memory_space<vmem>>
    %dma_start3A_15 = arith.constant 0 : i32
    %dma_start3A_16 = arith.constant 0 : i32
    %dma_start3A_17 = tpu.memref_slice %arg3[%dma_start3A_15, %dma_start3A_16] : memref<30522x32xf32, #tpu.memory_space<hbm>> -> memref<30522x32xf32, #tpu.memory_space<hbm>>
    tpu.enqueue_indirect_dma source(%dma_start3A_17 : memref<30522x32xf32, #tpu.memory_space<hbm>>) target(%dma_start3A_11 : memref<100x32xf32, #tpu.memory_space<vmem>>) offsets(%dma_start3A_14 : memref<100xi32, #tpu.memory_space<vmem>>) semaphore(%arg8 : memref<!tpu.dma_semaphore, #tpu.memory_space<semaphore_mem>>)
    %dma_start3A_18 = arith.constant 0 : i32
    %dma_start3A_19 = arith.constant 0 : i32
    %dma_start3A_20 = arith.constant 1 : i32
    %dma_start3A_21 = arith.constant 0 : i32
    %dma_start3A_22 = arith.constant 100 : i32
    %dma_start3A_23 = arith.constant 0 : i32
    %dma_start3A_24 = tpu.memref_slice %arg6[%dma_start3A_21, %dma_start3A_22, %dma_start3A_23] : memref<2x1600x32xf32, #tpu.memory_space<vmem>> -> memref<1x100x32xf32, #tpu.memory_space<vmem>>
    %dma_start3A_25 = tpu.memref_squeeze %dma_start3A_24 : memref<1x100x32xf32, #tpu.memory_space<vmem>> -> memref<100x32xf32, #tpu.memory_space<vmem>>
    %dma_start3A_26 = arith.constant 0 : i32
    %dma_start3A_27 = tpu.memref_slice %arg5[%dma_start3A_18, %dma_start3A_19, %dma_start3A_20, %dma_start3A_26] : memref<2x8x2x100xi32, #tpu.memory_space<vmem>> -> memref<1x1x1x100xi32, #tpu.memory_space<vmem>>
    %dma_start3A_28 = tpu.memref_squeeze %dma_start3A_27 : memref<1x1x1x100xi32, #tpu.memory_space<vmem>> -> memref<100xi32, #tpu.memory_space<vmem>>
    %dma_start3A_29 = arith.constant 0 : i32
    %dma_start3A_30 = arith.constant 0 : i32
    %dma_start3A_31 = tpu.memref_slice %arg3[%dma_start3A_29, %dma_start3A_30] : memref<30522x32xf32, #tpu.memory_space<hbm>> -> memref<30522x32xf32, #tpu.memory_space<hbm>>
    tpu.enqueue_indirect_dma source(%dma_start3A_31 : memref<30522x32xf32, #tpu.memory_space<hbm>>) target(%dma_start3A_25 : memref<100x32xf32, #tpu.memory_space<vmem>>) offsets(%dma_start3A_28 : memref<100xi32, #tpu.memory_space<vmem>>) semaphore(%arg8 : memref<!tpu.dma_semaphore, #tpu.memory_space<semaphore_mem>>)
    %dma_start3A_32 = arith.constant 0 : i32
    %dma_start3A_33 = arith.constant 1 : i32
    %dma_start3A_34 = arith.constant 0 : i32
    %dma_start3A_35 = arith.constant 0 : i32
    %dma_start3A_36 = arith.constant 200 : i32
    %dma_start3A_37 = arith.constant 0 : i32
    %dma_start3A_38 = tpu.memref_slice %arg6[%dma_start3A_35, %dma_start3A_36, %dma_start3A_37] : memref<2x1600x32xf32, #tpu.memory_space<vmem>> -> memref<1x100x32xf32, #tpu.memory_space<vmem>>
    %dma_start3A_39 = tpu.memref_squeeze %dma_start3A_38 : memref<1x100x32xf32, #tpu.memory_space<vmem>> -> memref<100x32xf32, #tpu.memory_space<vmem>>
    %dma_start3A_40 = arith.constant 0 : i32
    %dma_start3A_41 = tpu.memref_slice %arg5[%dma_start3A_32, %dma_start3A_33, %dma_start3A_34, %dma_start3A_40] : memref<2x8x2x100xi32, #tpu.memory_space<vmem>> -> memref<1x1x1x100xi32, #tpu.memory_space<vmem>>
    %dma_start3A_42 = tpu.memref_squeeze %dma_start3A_41 : memref<1x1x1x100xi32, #tpu.memory_space<vmem>> -> memref<100xi32, #tpu.memory_space<vmem>>
    %dma_start3A_43 = arith.constant 0 : i32
    %dma_start3A_44 = arith.constant 0 : i32
    %dma_start3A_45 = tpu.memref_slice %arg3[%dma_start3A_43, %dma_start3A_44] : memref<30522x32xf32, #tpu.memory_space<hbm>> -> memref<30522x32xf32, #tpu.memory_space<hbm>>
    tpu.enqueue_indirect_dma source(%dma_start3A_45 : memref<30522x32xf32, #tpu.memory_space<hbm>>) target(%dma_start3A_39 : memref<100x32xf32, #tpu.memory_space<vmem>>) offsets(%dma_start3A_42 : memref<100xi32, #tpu.memory_space<vmem>>) semaphore(%arg8 : memref<!tpu.dma_semaphore, #tpu.memory_space<semaphore_mem>>)
    %dma_start3A_46 = arith.constant 0 : i32
    %dma_start3A_47 = arith.constant 1 : i32
    %dma_start3A_48 = arith.constant 1 : i32
    %dma_start3A_49 = arith.constant 0 : i32
    %dma_start3A_50 = arith.constant 300 : i32
    %dma_start3A_51 = arith.constant 0 : i32
    %dma_start3A_52 = tpu.memref_slice %arg6[%dma_start3A_49, %dma_start3A_50, %dma_start3A_51] : memref<2x1600x32xf32, #tpu.memory_space<vmem>> -> memref<1x100x32xf32, #tpu.memory_space<vmem>>
    %dma_start3A_53 = tpu.memref_squeeze %dma_start3A_52 : memref<1x100x32xf32, #tpu.memory_space<vmem>> -> memref<100x32xf32, #tpu.memory_space<vmem>>
    %dma_start3A_54 = arith.constant 0 : i32
    %dma_start3A_55 = tpu.memref_slice %arg5[%dma_start3A_46, %dma_start3A_47, %dma_start3A_48, %dma_start3A_54] : memref<2x8x2x100xi32, #tpu.memory_space<vmem>> -> memref<1x1x1x100xi32, #tpu.memory_space<vmem>>
    %dma_start3A_56 = tpu.memref_squeeze %dma_start3A_55 : memref<1x1x1x100xi32, #tpu.memory_space<vmem>> -> memref<100xi32, #tpu.memory_space<vmem>>
    %dma_start3A_57 = arith.constant 0 : i32
    %dma_start3A_58 = arith.constant 0 : i32
    %dma_start3A_59 = tpu.memref_slice %arg3[%dma_start3A_57, %dma_start3A_58] : memref<30522x32xf32, #tpu.memory_space<hbm>> -> memref<30522x32xf32, #tpu.memory_space<hbm>>
    tpu.enqueue_indirect_dma source(%dma_start3A_59 : memref<30522x32xf32, #tpu.memory_space<hbm>>) target(%dma_start3A_53 : memref<100x32xf32, #tpu.memory_space<vmem>>) offsets(%dma_start3A_56 : memref<100xi32, #tpu.memory_space<vmem>>) semaphore(%arg8 : memref<!tpu.dma_semaphore, #tpu.memory_space<semaphore_mem>>)
    %dma_start3A_60 = arith.constant 0 : i32
    %dma_start3A_61 = arith.constant 2 : i32
    %dma_start3A_62 = arith.constant 0 : i32
    %dma_start3A_63 = arith.constant 0 : i32
    %dma_start3A_64 = arith.constant 400 : i32
    %dma_start3A_65 = arith.constant 0 : i32
    %dma_start3A_66 = tpu.memref_slice %arg6[%dma_start3A_63, %dma_start3A_64, %dma_start3A_65] : memref<2x1600x32xf32, #tpu.memory_space<vmem>> -> memref<1x100x32xf32, #tpu.memory_space<vmem>>
    %dma_start3A_67 = tpu.memref_squeeze %dma_start3A_66 : memref<1x100x32xf32, #tpu.memory_space<vmem>> -> memref<100x32xf32, #tpu.memory_space<vmem>>
    %dma_start3A_68 = arith.constant 0 : i32
    %dma_start3A_69 = tpu.memref_slice %arg5[%dma_start3A_60, %dma_start3A_61, %dma_start3A_62, %dma_start3A_68] : memref<2x8x2x100xi32, #tpu.memory_space<vmem>> -> memref<1x1x1x100xi32, #tpu.memory_space<vmem>>
    %dma_start3A_70 = tpu.memref_squeeze %dma_start3A_69 : memref<1x1x1x100xi32, #tpu.memory_space<vmem>> -> memref<100xi32, #tpu.memory_space<vmem>>
    %dma_start3A_71 = arith.constant 0 : i32
    %dma_start3A_72 = arith.constant 0 : i32
    %dma_start3A_73 = tpu.memref_slice %arg3[%dma_start3A_71, %dma_start3A_72] : memref<30522x32xf32, #tpu.memory_space<hbm>> -> memref<30522x32xf32, #tpu.memory_space<hbm>>
    tpu.enqueue_indirect_dma source(%dma_start3A_73 : memref<30522x32xf32, #tpu.memory_space<hbm>>) target(%dma_start3A_67 : memref<100x32xf32, #tpu.memory_space<vmem>>) offsets(%dma_start3A_70 : memref<100xi32, #tpu.memory_space<vmem>>) semaphore(%arg8 : memref<!tpu.dma_semaphore, #tpu.memory_space<semaphore_mem>>)
    %dma_start3A_74 = arith.constant 0 : i32
    %dma_start3A_75 = arith.constant 2 : i32
    %dma_start3A_76 = arith.constant 1 : i32
    %dma_start3A_77 = arith.constant 0 : i32
    %dma_start3A_78 = arith.constant 500 : i32
    %dma_start3A_79 = arith.constant 0 : i32
    %dma_start3A_80 = tpu.memref_slice %arg6[%dma_start3A_77, %dma_start3A_78, %dma_start3A_79] : memref<2x1600x32xf32, #tpu.memory_space<vmem>> -> memref<1x100x32xf32, #tpu.memory_space<vmem>>
    %dma_start3A_81 = tpu.memref_squeeze %dma_start3A_80 : memref<1x100x32xf32, #tpu.memory_space<vmem>> -> memref<100x32xf32, #tpu.memory_space<vmem>>
    %dma_start3A_82 = arith.constant 0 : i32
    %dma_start3A_83 = tpu.memref_slice %arg5[%dma_start3A_74, %dma_start3A_75, %dma_start3A_76, %dma_start3A_82] : memref<2x8x2x100xi32, #tpu.memory_space<vmem>> -> memref<1x1x1x100xi32, #tpu.memory_space<vmem>>
    %dma_start3A_84 = tpu.memref_squeeze %dma_start3A_83 : memref<1x1x1x100xi32, #tpu.memory_space<vmem>> -> memref<100xi32, #tpu.memory_space<vmem>>
    %dma_start3A_85 = arith.constant 0 : i32
    %dma_start3A_86 = arith.constant 0 : i32
    %dma_start3A_87 = tpu.memref_slice %arg3[%dma_start3A_85, %dma_start3A_86] : memref<30522x32xf32, #tpu.memory_space<hbm>> -> memref<30522x32xf32, #tpu.memory_space<hbm>>
    tpu.enqueue_indirect_dma source(%dma_start3A_87 : memref<30522x32xf32, #tpu.memory_space<hbm>>) target(%dma_start3A_81 : memref<100x32xf32, #tpu.memory_space<vmem>>) offsets(%dma_start3A_84 : memref<100xi32, #tpu.memory_space<vmem>>) semaphore(%arg8 : memref<!tpu.dma_semaphore, #tpu.memory_space<semaphore_mem>>)
    %dma_start3A_88 = arith.constant 0 : i32
    %dma_start3A_89 = arith.constant 3 : i32
    %dma_start3A_90 = arith.constant 0 : i32
    %dma_start3A_91 = arith.constant 0 : i32
    %dma_start3A_92 = arith.constant 600 : i32
    %dma_start3A_93 = arith.constant 0 : i32
    %dma_start3A_94 = tpu.memref_slice %arg6[%dma_start3A_91, %dma_start3A_92, %dma_start3A_93] : memref<2x1600x32xf32, #tpu.memory_space<vmem>> -> memref<1x100x32xf32, #tpu.memory_space<vmem>>
    %dma_start3A_95 = tpu.memref_squeeze %dma_start3A_94 : memref<1x100x32xf32, #tpu.memory_space<vmem>> -> memref<100x32xf32, #tpu.memory_space<vmem>>
    %dma_start3A_96 = arith.constant 0 : i32
    %dma_start3A_97 = tpu.memref_slice %arg5[%dma_start3A_88, %dma_start3A_89, %dma_start3A_90, %dma_start3A_96] : memref<2x8x2x100xi32, #tpu.memory_space<vmem>> -> memref<1x1x1x100xi32, #tpu.memory_space<vmem>>
    %dma_start3A_98 = tpu.memref_squeeze %dma_start3A_97 : memref<1x1x1x100xi32, #tpu.memory_space<vmem>> -> memref<100xi32, #tpu.memory_space<vmem>>
    %dma_start3A_99 = arith.constant 0 : i32
    %dma_start3A_100 = arith.constant 0 : i32
    %dma_start3A_101 = tpu.memref_slice %arg3[%dma_start3A_99, %dma_start3A_100] : memref<30522x32xf32, #tpu.memory_space<hbm>> -> memref<30522x32xf32, #tpu.memory_space<hbm>>
    tpu.enqueue_indirect_dma source(%dma_start3A_101 : memref<30522x32xf32, #tpu.memory_space<hbm>>) target(%dma_start3A_95 : memref<100x32xf32, #tpu.memory_space<vmem>>) offsets(%dma_start3A_98 : memref<100xi32, #tpu.memory_space<vmem>>) semaphore(%arg8 : memref<!tpu.dma_semaphore, #tpu.memory_space<semaphore_mem>>)
    %dma_start3A_102 = arith.constant 0 : i32
    %dma_start3A_103 = arith.constant 3 : i32
    %dma_start3A_104 = arith.constant 1 : i32
    %dma_start3A_105 = arith.constant 0 : i32
    %dma_start3A_106 = arith.constant 700 : i32
    %dma_start3A_107 = arith.constant 0 : i32
    %dma_start3A_108 = tpu.memref_slice %arg6[%dma_start3A_105, %dma_start3A_106, %dma_start3A_107] : memref<2x1600x32xf32, #tpu.memory_space<vmem>> -> memref<1x100x32xf32, #tpu.memory_space<vmem>>
    %dma_start3A_109 = tpu.memref_squeeze %dma_start3A_108 : memref<1x100x32xf32, #tpu.memory_space<vmem>> -> memref<100x32xf32, #tpu.memory_space<vmem>>
    %dma_start3A_110 = arith.constant 0 : i32
    %dma_start3A_111 = tpu.memref_slice %arg5[%dma_start3A_102, %dma_start3A_103, %dma_start3A_104, %dma_start3A_110] : memref<2x8x2x100xi32, #tpu.memory_space<vmem>> -> memref<1x1x1x100xi32, #tpu.memory_space<vmem>>
    %dma_start3A_112 = tpu.memref_squeeze %dma_start3A_111 : memref<1x1x1x100xi32, #tpu.memory_space<vmem>> -> memref<100xi32, #tpu.memory_space<vmem>>
    %dma_start3A_113 = arith.constant 0 : i32
    %dma_start3A_114 = arith.constant 0 : i32
    %dma_start3A_115 = tpu.memref_slice %arg3[%dma_start3A_113, %dma_start3A_114] : memref<30522x32xf32, #tpu.memory_space<hbm>> -> memref<30522x32xf32, #tpu.memory_space<hbm>>
    tpu.enqueue_indirect_dma source(%dma_start3A_115 : memref<30522x32xf32, #tpu.memory_space<hbm>>) target(%dma_start3A_109 : memref<100x32xf32, #tpu.memory_space<vmem>>) offsets(%dma_start3A_112 : memref<100xi32, #tpu.memory_space<vmem>>) semaphore(%arg8 : memref<!tpu.dma_semaphore, #tpu.memory_space<semaphore_mem>>)
    %dma_start3A_116 = arith.constant 0 : i32
    %dma_start3A_117 = arith.constant 4 : i32
    %dma_start3A_118 = arith.constant 0 : i32
    %dma_start3A_119 = arith.constant 0 : i32
    %dma_start3A_120 = arith.constant 800 : i32
    %dma_start3A_121 = arith.constant 0 : i32
    %dma_start3A_122 = tpu.memref_slice %arg6[%dma_start3A_119, %dma_start3A_120, %dma_start3A_121] : memref<2x1600x32xf32, #tpu.memory_space<vmem>> -> memref<1x100x32xf32, #tpu.memory_space<vmem>>
    %dma_start3A_123 = tpu.memref_squeeze %dma_start3A_122 : memref<1x100x32xf32, #tpu.memory_space<vmem>> -> memref<100x32xf32, #tpu.memory_space<vmem>>
    %dma_start3A_124 = arith.constant 0 : i32
    %dma_start3A_125 = tpu.memref_slice %arg5[%dma_start3A_116, %dma_start3A_117, %dma_start3A_118, %dma_start3A_124] : memref<2x8x2x100xi32, #tpu.memory_space<vmem>> -> memref<1x1x1x100xi32, #tpu.memory_space<vmem>>
    %dma_start3A_126 = tpu.memref_squeeze %dma_start3A_125 : memref<1x1x1x100xi32, #tpu.memory_space<vmem>> -> memref<100xi32, #tpu.memory_space<vmem>>
    %dma_start3A_127 = arith.constant 0 : i32
    %dma_start3A_128 = arith.constant 0 : i32
    %dma_start3A_129 = tpu.memref_slice %arg3[%dma_start3A_127, %dma_start3A_128] : memref<30522x32xf32, #tpu.memory_space<hbm>> -> memref<30522x32xf32, #tpu.memory_space<hbm>>
    tpu.enqueue_indirect_dma source(%dma_start3A_129 : memref<30522x32xf32, #tpu.memory_space<hbm>>) target(%dma_start3A_123 : memref<100x32xf32, #tpu.memory_space<vmem>>) offsets(%dma_start3A_126 : memref<100xi32, #tpu.memory_space<vmem>>) semaphore(%arg8 : memref<!tpu.dma_semaphore, #tpu.memory_space<semaphore_mem>>)
    %dma_start3A_130 = arith.constant 0 : i32
    %dma_start3A_131 = arith.constant 4 : i32
    %dma_start3A_132 = arith.constant 1 : i32
    %dma_start3A_133 = arith.constant 0 : i32
    %dma_start3A_134 = arith.constant 900 : i32
    %dma_start3A_135 = arith.constant 0 : i32
    %dma_start3A_136 = tpu.memref_slice %arg6[%dma_start3A_133, %dma_start3A_134, %dma_start3A_135] : memref<2x1600x32xf32, #tpu.memory_space<vmem>> -> memref<1x100x32xf32, #tpu.memory_space<vmem>>
    %dma_start3A_137 = tpu.memref_squeeze %dma_start3A_136 : memref<1x100x32xf32, #tpu.memory_space<vmem>> -> memref<100x32xf32, #tpu.memory_space<vmem>>
    %dma_start3A_138 = arith.constant 0 : i32
    %dma_start3A_139 = tpu.memref_slice %arg5[%dma_start3A_130, %dma_start3A_131, %dma_start3A_132, %dma_start3A_138] : memref<2x8x2x100xi32, #tpu.memory_space<vmem>> -> memref<1x1x1x100xi32, #tpu.memory_space<vmem>>
    %dma_start3A_140 = tpu.memref_squeeze %dma_start3A_139 : memref<1x1x1x100xi32, #tpu.memory_space<vmem>> -> memref<100xi32, #tpu.memory_space<vmem>>
    %dma_start3A_141 = arith.constant 0 : i32
    %dma_start3A_142 = arith.constant 0 : i32
    %dma_start3A_143 = tpu.memref_slice %arg3[%dma_start3A_141, %dma_start3A_142] : memref<30522x32xf32, #tpu.memory_space<hbm>> -> memref<30522x32xf32, #tpu.memory_space<hbm>>
    tpu.enqueue_indirect_dma source(%dma_start3A_143 : memref<30522x32xf32, #tpu.memory_space<hbm>>) target(%dma_start3A_137 : memref<100x32xf32, #tpu.memory_space<vmem>>) offsets(%dma_start3A_140 : memref<100xi32, #tpu.memory_space<vmem>>) semaphore(%arg8 : memref<!tpu.dma_semaphore, #tpu.memory_space<semaphore_mem>>)
    %dma_start3A_144 = arith.constant 0 : i32
    %dma_start3A_145 = arith.constant 5 : i32
    %dma_start3A_146 = arith.constant 0 : i32
    %dma_start3A_147 = arith.constant 0 : i32
    %dma_start3A_148 = arith.constant 1000 : i32
    %dma_start3A_149 = arith.constant 0 : i32
    %dma_start3A_150 = tpu.memref_slice %arg6[%dma_start3A_147, %dma_start3A_148, %dma_start3A_149] : memref<2x1600x32xf32, #tpu.memory_space<vmem>> -> memref<1x100x32xf32, #tpu.memory_space<vmem>>
    %dma_start3A_151 = tpu.memref_squeeze %dma_start3A_150 : memref<1x100x32xf32, #tpu.memory_space<vmem>> -> memref<100x32xf32, #tpu.memory_space<vmem>>
    %dma_start3A_152 = arith.constant 0 : i32
    %dma_start3A_153 = tpu.memref_slice %arg5[%dma_start3A_144, %dma_start3A_145, %dma_start3A_146, %dma_start3A_152] : memref<2x8x2x100xi32, #tpu.memory_space<vmem>> -> memref<1x1x1x100xi32, #tpu.memory_space<vmem>>
    %dma_start3A_154 = tpu.memref_squeeze %dma_start3A_153 : memref<1x1x1x100xi32, #tpu.memory_space<vmem>> -> memref<100xi32, #tpu.memory_space<vmem>>
    %dma_start3A_155 = arith.constant 0 : i32
    %dma_start3A_156 = arith.constant 0 : i32
    %dma_start3A_157 = tpu.memref_slice %arg3[%dma_start3A_155, %dma_start3A_156] : memref<30522x32xf32, #tpu.memory_space<hbm>> -> memref<30522x32xf32, #tpu.memory_space<hbm>>
    tpu.enqueue_indirect_dma source(%dma_start3A_157 : memref<30522x32xf32, #tpu.memory_space<hbm>>) target(%dma_start3A_151 : memref<100x32xf32, #tpu.memory_space<vmem>>) offsets(%dma_start3A_154 : memref<100xi32, #tpu.memory_space<vmem>>) semaphore(%arg8 : memref<!tpu.dma_semaphore, #tpu.memory_space<semaphore_mem>>)
    %dma_start3A_158 = arith.constant 0 : i32
    %dma_start3A_159 = arith.constant 5 : i32
    %dma_start3A_160 = arith.constant 1 : i32
    %dma_start3A_161 = arith.constant 0 : i32
    %dma_start3A_162 = arith.constant 1100 : i32
    %dma_start3A_163 = arith.constant 0 : i32
    %dma_start3A_164 = tpu.memref_slice %arg6[%dma_start3A_161, %dma_start3A_162, %dma_start3A_163] : memref<2x1600x32xf32, #tpu.memory_space<vmem>> -> memref<1x100x32xf32, #tpu.memory_space<vmem>>
    %dma_start3A_165 = tpu.memref_squeeze %dma_start3A_164 : memref<1x100x32xf32, #tpu.memory_space<vmem>> -> memref<100x32xf32, #tpu.memory_space<vmem>>
    %dma_start3A_166 = arith.constant 0 : i32
    %dma_start3A_167 = tpu.memref_slice %arg5[%dma_start3A_158, %dma_start3A_159, %dma_start3A_160, %dma_start3A_166] : memref<2x8x2x100xi32, #tpu.memory_space<vmem>> -> memref<1x1x1x100xi32, #tpu.memory_space<vmem>>
    %dma_start3A_168 = tpu.memref_squeeze %dma_start3A_167 : memref<1x1x1x100xi32, #tpu.memory_space<vmem>> -> memref<100xi32, #tpu.memory_space<vmem>>
    %dma_start3A_169 = arith.constant 0 : i32
    %dma_start3A_170 = arith.constant 0 : i32
    %dma_start3A_171 = tpu.memref_slice %arg3[%dma_start3A_169, %dma_start3A_170] : memref<30522x32xf32, #tpu.memory_space<hbm>> -> memref<30522x32xf32, #tpu.memory_space<hbm>>
    tpu.enqueue_indirect_dma source(%dma_start3A_171 : memref<30522x32xf32, #tpu.memory_space<hbm>>) target(%dma_start3A_165 : memref<100x32xf32, #tpu.memory_space<vmem>>) offsets(%dma_start3A_168 : memref<100xi32, #tpu.memory_space<vmem>>) semaphore(%arg8 : memref<!tpu.dma_semaphore, #tpu.memory_space<semaphore_mem>>)
    %dma_start3A_172 = arith.constant 0 : i32
    %dma_start3A_173 = arith.constant 6 : i32
    %dma_start3A_174 = arith.constant 0 : i32
    %dma_start3A_175 = arith.constant 0 : i32
    %dma_start3A_176 = arith.constant 1200 : i32
    %dma_start3A_177 = arith.constant 0 : i32
    %dma_start3A_178 = tpu.memref_slice %arg6[%dma_start3A_175, %dma_start3A_176, %dma_start3A_177] : memref<2x1600x32xf32, #tpu.memory_space<vmem>> -> memref<1x100x32xf32, #tpu.memory_space<vmem>>
    %dma_start3A_179 = tpu.memref_squeeze %dma_start3A_178 : memref<1x100x32xf32, #tpu.memory_space<vmem>> -> memref<100x32xf32, #tpu.memory_space<vmem>>
    %dma_start3A_180 = arith.constant 0 : i32
    %dma_start3A_181 = tpu.memref_slice %arg5[%dma_start3A_172, %dma_start3A_173, %dma_start3A_174, %dma_start3A_180] : memref<2x8x2x100xi32, #tpu.memory_space<vmem>> -> memref<1x1x1x100xi32, #tpu.memory_space<vmem>>
    %dma_start3A_182 = tpu.memref_squeeze %dma_start3A_181 : memref<1x1x1x100xi32, #tpu.memory_space<vmem>> -> memref<100xi32, #tpu.memory_space<vmem>>
    %dma_start3A_183 = arith.constant 0 : i32
    %dma_start3A_184 = arith.constant 0 : i32
    %dma_start3A_185 = tpu.memref_slice %arg3[%dma_start3A_183, %dma_start3A_184] : memref<30522x32xf32, #tpu.memory_space<hbm>> -> memref<30522x32xf32, #tpu.memory_space<hbm>>
    tpu.enqueue_indirect_dma source(%dma_start3A_185 : memref<30522x32xf32, #tpu.memory_space<hbm>>) target(%dma_start3A_179 : memref<100x32xf32, #tpu.memory_space<vmem>>) offsets(%dma_start3A_182 : memref<100xi32, #tpu.memory_space<vmem>>) semaphore(%arg8 : memref<!tpu.dma_semaphore, #tpu.memory_space<semaphore_mem>>)
    %dma_start3A_186 = arith.constant 0 : i32
    %dma_start3A_187 = arith.constant 6 : i32
    %dma_start3A_188 = arith.constant 1 : i32
    %dma_start3A_189 = arith.constant 0 : i32
    %dma_start3A_190 = arith.constant 1300 : i32
    %dma_start3A_191 = arith.constant 0 : i32
    %dma_start3A_192 = tpu.memref_slice %arg6[%dma_start3A_189, %dma_start3A_190, %dma_start3A_191] : memref<2x1600x32xf32, #tpu.memory_space<vmem>> -> memref<1x100x32xf32, #tpu.memory_space<vmem>>
    %dma_start3A_193 = tpu.memref_squeeze %dma_start3A_192 : memref<1x100x32xf32, #tpu.memory_space<vmem>> -> memref<100x32xf32, #tpu.memory_space<vmem>>
    %dma_start3A_194 = arith.constant 0 : i32
    %dma_start3A_195 = tpu.memref_slice %arg5[%dma_start3A_186, %dma_start3A_187, %dma_start3A_188, %dma_start3A_194] : memref<2x8x2x100xi32, #tpu.memory_space<vmem>> -> memref<1x1x1x100xi32, #tpu.memory_space<vmem>>
    %dma_start3A_196 = tpu.memref_squeeze %dma_start3A_195 : memref<1x1x1x100xi32, #tpu.memory_space<vmem>> -> memref<100xi32, #tpu.memory_space<vmem>>
    %dma_start3A_197 = arith.constant 0 : i32
    %dma_start3A_198 = arith.constant 0 : i32
    %dma_start3A_199 = tpu.memref_slice %arg3[%dma_start3A_197, %dma_start3A_198] : memref<30522x32xf32, #tpu.memory_space<hbm>> -> memref<30522x32xf32, #tpu.memory_space<hbm>>
    tpu.enqueue_indirect_dma source(%dma_start3A_199 : memref<30522x32xf32, #tpu.memory_space<hbm>>) target(%dma_start3A_193 : memref<100x32xf32, #tpu.memory_space<vmem>>) offsets(%dma_start3A_196 : memref<100xi32, #tpu.memory_space<vmem>>) semaphore(%arg8 : memref<!tpu.dma_semaphore, #tpu.memory_space<semaphore_mem>>)
    %dma_start3A_200 = arith.constant 0 : i32
    %dma_start3A_201 = arith.constant 7 : i32
    %dma_start3A_202 = arith.constant 0 : i32
    %dma_start3A_203 = arith.constant 0 : i32
    %dma_start3A_204 = arith.constant 1400 : i32
    %dma_start3A_205 = arith.constant 0 : i32
    %dma_start3A_206 = tpu.memref_slice %arg6[%dma_start3A_203, %dma_start3A_204, %dma_start3A_205] : memref<2x1600x32xf32, #tpu.memory_space<vmem>> -> memref<1x100x32xf32, #tpu.memory_space<vmem>>
    %dma_start3A_207 = tpu.memref_squeeze %dma_start3A_206 : memref<1x100x32xf32, #tpu.memory_space<vmem>> -> memref<100x32xf32, #tpu.memory_space<vmem>>
    %dma_start3A_208 = arith.constant 0 : i32
    %dma_start3A_209 = tpu.memref_slice %arg5[%dma_start3A_200, %dma_start3A_201, %dma_start3A_202, %dma_start3A_208] : memref<2x8x2x100xi32, #tpu.memory_space<vmem>> -> memref<1x1x1x100xi32, #tpu.memory_space<vmem>>
    %dma_start3A_210 = tpu.memref_squeeze %dma_start3A_209 : memref<1x1x1x100xi32, #tpu.memory_space<vmem>> -> memref<100xi32, #tpu.memory_space<vmem>>
    %dma_start3A_211 = arith.constant 0 : i32
    %dma_start3A_212 = arith.constant 0 : i32
    %dma_start3A_213 = tpu.memref_slice %arg3[%dma_start3A_211, %dma_start3A_212] : memref<30522x32xf32, #tpu.memory_space<hbm>> -> memref<30522x32xf32, #tpu.memory_space<hbm>>
    tpu.enqueue_indirect_dma source(%dma_start3A_213 : memref<30522x32xf32, #tpu.memory_space<hbm>>) target(%dma_start3A_207 : memref<100x32xf32, #tpu.memory_space<vmem>>) offsets(%dma_start3A_210 : memref<100xi32, #tpu.memory_space<vmem>>) semaphore(%arg8 : memref<!tpu.dma_semaphore, #tpu.memory_space<semaphore_mem>>)
    %dma_start3A_214 = arith.constant 0 : i32
    %dma_start3A_215 = arith.constant 7 : i32
    %dma_start3A_216 = arith.constant 1 : i32
    %dma_start3A_217 = arith.constant 0 : i32
    %dma_start3A_218 = arith.constant 1500 : i32
    %dma_start3A_219 = arith.constant 0 : i32
    %dma_start3A_220 = tpu.memref_slice %arg6[%dma_start3A_217, %dma_start3A_218, %dma_start3A_219] : memref<2x1600x32xf32, #tpu.memory_space<vmem>> -> memref<1x100x32xf32, #tpu.memory_space<vmem>>
    %dma_start3A_221 = tpu.memref_squeeze %dma_start3A_220 : memref<1x100x32xf32, #tpu.memory_space<vmem>> -> memref<100x32xf32, #tpu.memory_space<vmem>>
    %dma_start3A_222 = arith.constant 0 : i32
    %dma_start3A_223 = tpu.memref_slice %arg5[%dma_start3A_214, %dma_start3A_215, %dma_start3A_216, %dma_start3A_222] : memref<2x8x2x100xi32, #tpu.memory_space<vmem>> -> memref<1x1x1x100xi32, #tpu.memory_space<vmem>>
    %dma_start3A_224 = tpu.memref_squeeze %dma_start3A_223 : memref<1x1x1x100xi32, #tpu.memory_space<vmem>> -> memref<100xi32, #tpu.memory_space<vmem>>
    %dma_start3A_225 = arith.constant 0 : i32
    %dma_start3A_226 = arith.constant 0 : i32
    %dma_start3A_227 = tpu.memref_slice %arg3[%dma_start3A_225, %dma_start3A_226] : memref<30522x32xf32, #tpu.memory_space<hbm>> -> memref<30522x32xf32, #tpu.memory_space<hbm>>
    tpu.enqueue_indirect_dma source(%dma_start3A_227 : memref<30522x32xf32, #tpu.memory_space<hbm>>) target(%dma_start3A_221 : memref<100x32xf32, #tpu.memory_space<vmem>>) offsets(%dma_start3A_224 : memref<100xi32, #tpu.memory_space<vmem>>) semaphore(%arg8 : memref<!tpu.dma_semaphore, #tpu.memory_space<semaphore_mem>>)
    %scan3A = arith.constant 0 : i32
    %scan3A_228 = arith.constant 0 : i32
    %scan3A_229 = arith.constant 32 : i32
    %scan3A_230 = arith.addi %scan3A_228, %scan3A_229 : i32
    %scan3A_231 = arith.constant 1 : i32
    scf.for %scan3A_235 = %scan3A_228 to %scan3A_230 step %scan3A_231  : i32 {
      %mul3A_236 = arith.constant 2 : i32
      %mul3A_237 = arith.muli %mul3A_236, %scan3A_235 : i32
      %add3A_238 = arith.constant 1 : i32
      %add3A_239 = arith.addi %mul3A_237, %add3A_238 : i32
      %add3A_240 = arith.addi %mul3A_2, %add3A_239 : i32
      %run_scoped3A_241 = arith.constant 1 : i32
      "tpu.region"() ({
        %run_scoped3A_937 = tpu.sem_alloc : memref<!tpu.dma_semaphore, #tpu.memory_space<semaphore_mem>>
        %dma_start3A_938 = arith.constant 0 : i32
        %dma_start3A_939 = arith.constant 0 : i32
        %dma_start3A_940 = arith.constant 0 : i32
        %dma_start3A_941 = tpu.memref_slice %arg5[%run_scoped3A_241, %dma_start3A_938, %dma_start3A_939, %dma_start3A_940] : memref<2x8x2x100xi32, #tpu.memory_space<vmem>> -> memref<1x8x2x100xi32, #tpu.memory_space<vmem>>
        %dma_start3A_942 = tpu.memref_squeeze %dma_start3A_941 : memref<1x8x2x100xi32, #tpu.memory_space<vmem>> -> memref<8x2x100xi32, #tpu.memory_space<vmem>>
        %dma_start3A_943 = arith.constant 0 : i32
        %dma_start3A_944 = arith.constant 0 : i32
        %dma_start3A_945 = arith.constant 0 : i32
        %dma_start3A_946 = tpu.memref_slice %arg2[%add3A_240, %dma_start3A_943, %dma_start3A_944, %dma_start3A_945] : memref<2048x8x2x100xi32, #tpu.memory_space<hbm>> -> memref<1x8x2x100xi32, #tpu.memory_space<hbm>>
        %dma_start3A_947 = tpu.memref_squeeze %dma_start3A_946 : memref<1x8x2x100xi32, #tpu.memory_space<hbm>> -> memref<8x2x100xi32, #tpu.memory_space<hbm>>
        %dma_start3A_948 = arith.constant 0 : i32
        %dma_start3A_949 = arith.constant 0 : i32
        %dma_start3A_950 = arith.constant 0 : i32
        %dma_start3A_951 = tpu.memref_slice %arg5[%run_scoped3A_241, %dma_start3A_948, %dma_start3A_949, %dma_start3A_950] : memref<2x8x2x100xi32, #tpu.memory_space<vmem>> -> memref<1x8x2x100xi32, #tpu.memory_space<vmem>>
        %dma_start3A_952 = tpu.memref_squeeze %dma_start3A_951 : memref<1x8x2x100xi32, #tpu.memory_space<vmem>> -> memref<8x2x100xi32, #tpu.memory_space<vmem>>
        %dma_start3A_953 = arith.constant 0 : i32
        %dma_start3A_954 = arith.constant 0 : i32
        %dma_start3A_955 = arith.constant 0 : i32
        %dma_start3A_956 = tpu.memref_slice %arg2[%add3A_240, %dma_start3A_953, %dma_start3A_954, %dma_start3A_955] : memref<2048x8x2x100xi32, #tpu.memory_space<hbm>> -> memref<1x8x2x100xi32, #tpu.memory_space<hbm>>
        %dma_start3A_957 = tpu.memref_squeeze %dma_start3A_956 : memref<1x8x2x100xi32, #tpu.memory_space<hbm>> -> memref<8x2x100xi32, #tpu.memory_space<hbm>>
        tpu.enqueue_dma source(%dma_start3A_957 : memref<8x2x100xi32, #tpu.memory_space<hbm>>) target(%dma_start3A_952 : memref<8x2x100xi32, #tpu.memory_space<vmem>>) target_semaphore(%run_scoped3A_937 : memref<!tpu.dma_semaphore, #tpu.memory_space<semaphore_mem>>)
        %dma_wait3A_958 = arith.constant 0 : i32
        %dma_wait3A_959 = arith.constant 0 : i32
        %dma_wait3A_960 = arith.constant 0 : i32
        %dma_wait3A_961 = tpu.memref_slice %arg5[%run_scoped3A_241, %dma_wait3A_958, %dma_wait3A_959, %dma_wait3A_960] : memref<2x8x2x100xi32, #tpu.memory_space<vmem>> -> memref<1x8x2x100xi32, #tpu.memory_space<vmem>>
        %dma_wait3A_962 = tpu.memref_squeeze %dma_wait3A_961 : memref<1x8x2x100xi32, #tpu.memory_space<vmem>> -> memref<8x2x100xi32, #tpu.memory_space<vmem>>
        %dma_wait3A_963 = arith.constant 0 : i32
        %dma_wait3A_964 = arith.constant 0 : i32
        %dma_wait3A_965 = arith.constant 0 : i32
        %dma_wait3A_966 = tpu.memref_slice %arg2[%add3A_240, %dma_wait3A_963, %dma_wait3A_964, %dma_wait3A_965] : memref<2048x8x2x100xi32, #tpu.memory_space<hbm>> -> memref<1x8x2x100xi32, #tpu.memory_space<hbm>>
        %dma_wait3A_967 = tpu.memref_squeeze %dma_wait3A_966 : memref<1x8x2x100xi32, #tpu.memory_space<hbm>> -> memref<8x2x100xi32, #tpu.memory_space<hbm>>
        %dma_wait3A_968 = arith.constant 0 : i32
        %dma_wait3A_969 = arith.constant 0 : i32
        %dma_wait3A_970 = arith.constant 0 : i32
        %dma_wait3A_971 = tpu.memref_slice %arg5[%run_scoped3A_241, %dma_wait3A_968, %dma_wait3A_969, %dma_wait3A_970] : memref<2x8x2x100xi32, #tpu.memory_space<vmem>> -> memref<1x8x2x100xi32, #tpu.memory_space<vmem>>
        %dma_wait3A_972 = tpu.memref_squeeze %dma_wait3A_971 : memref<1x8x2x100xi32, #tpu.memory_space<vmem>> -> memref<8x2x100xi32, #tpu.memory_space<vmem>>
        %dma_wait3A_973 = arith.constant 0 : i32
        %dma_wait3A_974 = arith.constant 0 : i32
        %dma_wait3A_975 = arith.constant 0 : i32
        %dma_wait3A_976 = tpu.memref_slice %arg2[%add3A_240, %dma_wait3A_973, %dma_wait3A_974, %dma_wait3A_975] : memref<2048x8x2x100xi32, #tpu.memory_space<hbm>> -> memref<1x8x2x100xi32, #tpu.memory_space<hbm>>
        %dma_wait3A_977 = tpu.memref_squeeze %dma_wait3A_976 : memref<1x8x2x100xi32, #tpu.memory_space<hbm>> -> memref<8x2x100xi32, #tpu.memory_space<hbm>>
        tpu.wait_dma2 semaphore(%run_scoped3A_937 : memref<!tpu.dma_semaphore, #tpu.memory_space<semaphore_mem>>) src(%dma_wait3A_977 : memref<8x2x100xi32, #tpu.memory_space<hbm>>) dst(%dma_wait3A_972 : memref<8x2x100xi32, #tpu.memory_space<vmem>>)
        tpu.yield
      }) : () -> ()
      %dma_start3A_242 = arith.constant 1 : i32
      %dma_start3A_243 = arith.constant 0 : i32
      %dma_start3A_244 = arith.constant 0 : i32
      %dma_start3A_245 = arith.constant 1 : i32
      %dma_start3A_246 = arith.constant 0 : i32
      %dma_start3A_247 = arith.constant 0 : i32
      %dma_start3A_248 = tpu.memref_slice %arg6[%dma_start3A_245, %dma_start3A_246, %dma_start3A_247] : memref<2x1600x32xf32, #tpu.memory_space<vmem>> -> memref<1x100x32xf32, #tpu.memory_space<vmem>>
      %dma_start3A_249 = tpu.memref_squeeze %dma_start3A_248 : memref<1x100x32xf32, #tpu.memory_space<vmem>> -> memref<100x32xf32, #tpu.memory_space<vmem>>
      %dma_start3A_250 = arith.constant 0 : i32
      %dma_start3A_251 = tpu.memref_slice %arg5[%dma_start3A_242, %dma_start3A_243, %dma_start3A_244, %dma_start3A_250] : memref<2x8x2x100xi32, #tpu.memory_space<vmem>> -> memref<1x1x1x100xi32, #tpu.memory_space<vmem>>
      %dma_start3A_252 = tpu.memref_squeeze %dma_start3A_251 : memref<1x1x1x100xi32, #tpu.memory_space<vmem>> -> memref<100xi32, #tpu.memory_space<vmem>>
      %dma_start3A_253 = arith.constant 0 : i32
      %dma_start3A_254 = arith.constant 0 : i32
      %dma_start3A_255 = tpu.memref_slice %arg3[%dma_start3A_253, %dma_start3A_254] : memref<30522x32xf32, #tpu.memory_space<hbm>> -> memref<30522x32xf32, #tpu.memory_space<hbm>>
      tpu.enqueue_indirect_dma source(%dma_start3A_255 : memref<30522x32xf32, #tpu.memory_space<hbm>>) target(%dma_start3A_249 : memref<100x32xf32, #tpu.memory_space<vmem>>) offsets(%dma_start3A_252 : memref<100xi32, #tpu.memory_space<vmem>>) semaphore(%arg9 : memref<!tpu.dma_semaphore, #tpu.memory_space<semaphore_mem>>)
      %dma_start3A_256 = arith.constant 1 : i32
      %dma_start3A_257 = arith.constant 0 : i32
      %dma_start3A_258 = arith.constant 1 : i32
      %dma_start3A_259 = arith.constant 1 : i32
      %dma_start3A_260 = arith.constant 100 : i32
      %dma_start3A_261 = arith.constant 0 : i32
      %dma_start3A_262 = tpu.memref_slice %arg6[%dma_start3A_259, %dma_start3A_260, %dma_start3A_261] : memref<2x1600x32xf32, #tpu.memory_space<vmem>> -> memref<1x100x32xf32, #tpu.memory_space<vmem>>
      %dma_start3A_263 = tpu.memref_squeeze %dma_start3A_262 : memref<1x100x32xf32, #tpu.memory_space<vmem>> -> memref<100x32xf32, #tpu.memory_space<vmem>>
      %dma_start3A_264 = arith.constant 0 : i32
      %dma_start3A_265 = tpu.memref_slice %arg5[%dma_start3A_256, %dma_start3A_257, %dma_start3A_258, %dma_start3A_264] : memref<2x8x2x100xi32, #tpu.memory_space<vmem>> -> memref<1x1x1x100xi32, #tpu.memory_space<vmem>>
      %dma_start3A_266 = tpu.memref_squeeze %dma_start3A_265 : memref<1x1x1x100xi32, #tpu.memory_space<vmem>> -> memref<100xi32, #tpu.memory_space<vmem>>
      %dma_start3A_267 = arith.constant 0 : i32
      %dma_start3A_268 = arith.constant 0 : i32
      %dma_start3A_269 = tpu.memref_slice %arg3[%dma_start3A_267, %dma_start3A_268] : memref<30522x32xf32, #tpu.memory_space<hbm>> -> memref<30522x32xf32, #tpu.memory_space<hbm>>
      tpu.enqueue_indirect_dma source(%dma_start3A_269 : memref<30522x32xf32, #tpu.memory_space<hbm>>) target(%dma_start3A_263 : memref<100x32xf32, #tpu.memory_space<vmem>>) offsets(%dma_start3A_266 : memref<100xi32, #tpu.memory_space<vmem>>) semaphore(%arg9 : memref<!tpu.dma_semaphore, #tpu.memory_space<semaphore_mem>>)
      %dma_start3A_270 = arith.constant 1 : i32
      %dma_start3A_271 = arith.constant 1 : i32
      %dma_start3A_272 = arith.constant 0 : i32
      %dma_start3A_273 = arith.constant 1 : i32
      %dma_start3A_274 = arith.constant 200 : i32
      %dma_start3A_275 = arith.constant 0 : i32
      %dma_start3A_276 = tpu.memref_slice %arg6[%dma_start3A_273, %dma_start3A_274, %dma_start3A_275] : memref<2x1600x32xf32, #tpu.memory_space<vmem>> -> memref<1x100x32xf32, #tpu.memory_space<vmem>>
      %dma_start3A_277 = tpu.memref_squeeze %dma_start3A_276 : memref<1x100x32xf32, #tpu.memory_space<vmem>> -> memref<100x32xf32, #tpu.memory_space<vmem>>
      %dma_start3A_278 = arith.constant 0 : i32
      %dma_start3A_279 = tpu.memref_slice %arg5[%dma_start3A_270, %dma_start3A_271, %dma_start3A_272, %dma_start3A_278] : memref<2x8x2x100xi32, #tpu.memory_space<vmem>> -> memref<1x1x1x100xi32, #tpu.memory_space<vmem>>
      %dma_start3A_280 = tpu.memref_squeeze %dma_start3A_279 : memref<1x1x1x100xi32, #tpu.memory_space<vmem>> -> memref<100xi32, #tpu.memory_space<vmem>>
      %dma_start3A_281 = arith.constant 0 : i32
      %dma_start3A_282 = arith.constant 0 : i32
      %dma_start3A_283 = tpu.memref_slice %arg3[%dma_start3A_281, %dma_start3A_282] : memref<30522x32xf32, #tpu.memory_space<hbm>> -> memref<30522x32xf32, #tpu.memory_space<hbm>>
      tpu.enqueue_indirect_dma source(%dma_start3A_283 : memref<30522x32xf32, #tpu.memory_space<hbm>>) target(%dma_start3A_277 : memref<100x32xf32, #tpu.memory_space<vmem>>) offsets(%dma_start3A_280 : memref<100xi32, #tpu.memory_space<vmem>>) semaphore(%arg9 : memref<!tpu.dma_semaphore, #tpu.memory_space<semaphore_mem>>)
      %dma_start3A_284 = arith.constant 1 : i32
      %dma_start3A_285 = arith.constant 1 : i32
      %dma_start3A_286 = arith.constant 1 : i32
      %dma_start3A_287 = arith.constant 1 : i32
      %dma_start3A_288 = arith.constant 300 : i32
      %dma_start3A_289 = arith.constant 0 : i32
      %dma_start3A_290 = tpu.memref_slice %arg6[%dma_start3A_287, %dma_start3A_288, %dma_start3A_289] : memref<2x1600x32xf32, #tpu.memory_space<vmem>> -> memref<1x100x32xf32, #tpu.memory_space<vmem>>
      %dma_start3A_291 = tpu.memref_squeeze %dma_start3A_290 : memref<1x100x32xf32, #tpu.memory_space<vmem>> -> memref<100x32xf32, #tpu.memory_space<vmem>>
      %dma_start3A_292 = arith.constant 0 : i32
      %dma_start3A_293 = tpu.memref_slice %arg5[%dma_start3A_284, %dma_start3A_285, %dma_start3A_286, %dma_start3A_292] : memref<2x8x2x100xi32, #tpu.memory_space<vmem>> -> memref<1x1x1x100xi32, #tpu.memory_space<vmem>>
      %dma_start3A_294 = tpu.memref_squeeze %dma_start3A_293 : memref<1x1x1x100xi32, #tpu.memory_space<vmem>> -> memref<100xi32, #tpu.memory_space<vmem>>
      %dma_start3A_295 = arith.constant 0 : i32
      %dma_start3A_296 = arith.constant 0 : i32
      %dma_start3A_297 = tpu.memref_slice %arg3[%dma_start3A_295, %dma_start3A_296] : memref<30522x32xf32, #tpu.memory_space<hbm>> -> memref<30522x32xf32, #tpu.memory_space<hbm>>
      tpu.enqueue_indirect_dma source(%dma_start3A_297 : memref<30522x32xf32, #tpu.memory_space<hbm>>) target(%dma_start3A_291 : memref<100x32xf32, #tpu.memory_space<vmem>>) offsets(%dma_start3A_294 : memref<100xi32, #tpu.memory_space<vmem>>) semaphore(%arg9 : memref<!tpu.dma_semaphore, #tpu.memory_space<semaphore_mem>>)
      %dma_start3A_298 = arith.constant 1 : i32
      %dma_start3A_299 = arith.constant 2 : i32
      %dma_start3A_300 = arith.constant 0 : i32
      %dma_start3A_301 = arith.constant 1 : i32
      %dma_start3A_302 = arith.constant 400 : i32
      %dma_start3A_303 = arith.constant 0 : i32
      %dma_start3A_304 = tpu.memref_slice %arg6[%dma_start3A_301, %dma_start3A_302, %dma_start3A_303] : memref<2x1600x32xf32, #tpu.memory_space<vmem>> -> memref<1x100x32xf32, #tpu.memory_space<vmem>>
      %dma_start3A_305 = tpu.memref_squeeze %dma_start3A_304 : memref<1x100x32xf32, #tpu.memory_space<vmem>> -> memref<100x32xf32, #tpu.memory_space<vmem>>
      %dma_start3A_306 = arith.constant 0 : i32
      %dma_start3A_307 = tpu.memref_slice %arg5[%dma_start3A_298, %dma_start3A_299, %dma_start3A_300, %dma_start3A_306] : memref<2x8x2x100xi32, #tpu.memory_space<vmem>> -> memref<1x1x1x100xi32, #tpu.memory_space<vmem>>
      %dma_start3A_308 = tpu.memref_squeeze %dma_start3A_307 : memref<1x1x1x100xi32, #tpu.memory_space<vmem>> -> memref<100xi32, #tpu.memory_space<vmem>>
      %dma_start3A_309 = arith.constant 0 : i32
      %dma_start3A_310 = arith.constant 0 : i32
      %dma_start3A_311 = tpu.memref_slice %arg3[%dma_start3A_309, %dma_start3A_310] : memref<30522x32xf32, #tpu.memory_space<hbm>> -> memref<30522x32xf32, #tpu.memory_space<hbm>>
      tpu.enqueue_indirect_dma source(%dma_start3A_311 : memref<30522x32xf32, #tpu.memory_space<hbm>>) target(%dma_start3A_305 : memref<100x32xf32, #tpu.memory_space<vmem>>) offsets(%dma_start3A_308 : memref<100xi32, #tpu.memory_space<vmem>>) semaphore(%arg9 : memref<!tpu.dma_semaphore, #tpu.memory_space<semaphore_mem>>)
      %dma_start3A_312 = arith.constant 1 : i32
      %dma_start3A_313 = arith.constant 2 : i32
      %dma_start3A_314 = arith.constant 1 : i32
      %dma_start3A_315 = arith.constant 1 : i32
      %dma_start3A_316 = arith.constant 500 : i32
      %dma_start3A_317 = arith.constant 0 : i32
      %dma_start3A_318 = tpu.memref_slice %arg6[%dma_start3A_315, %dma_start3A_316, %dma_start3A_317] : memref<2x1600x32xf32, #tpu.memory_space<vmem>> -> memref<1x100x32xf32, #tpu.memory_space<vmem>>
      %dma_start3A_319 = tpu.memref_squeeze %dma_start3A_318 : memref<1x100x32xf32, #tpu.memory_space<vmem>> -> memref<100x32xf32, #tpu.memory_space<vmem>>
      %dma_start3A_320 = arith.constant 0 : i32
      %dma_start3A_321 = tpu.memref_slice %arg5[%dma_start3A_312, %dma_start3A_313, %dma_start3A_314, %dma_start3A_320] : memref<2x8x2x100xi32, #tpu.memory_space<vmem>> -> memref<1x1x1x100xi32, #tpu.memory_space<vmem>>
      %dma_start3A_322 = tpu.memref_squeeze %dma_start3A_321 : memref<1x1x1x100xi32, #tpu.memory_space<vmem>> -> memref<100xi32, #tpu.memory_space<vmem>>
      %dma_start3A_323 = arith.constant 0 : i32
      %dma_start3A_324 = arith.constant 0 : i32
      %dma_start3A_325 = tpu.memref_slice %arg3[%dma_start3A_323, %dma_start3A_324] : memref<30522x32xf32, #tpu.memory_space<hbm>> -> memref<30522x32xf32, #tpu.memory_space<hbm>>
      tpu.enqueue_indirect_dma source(%dma_start3A_325 : memref<30522x32xf32, #tpu.memory_space<hbm>>) target(%dma_start3A_319 : memref<100x32xf32, #tpu.memory_space<vmem>>) offsets(%dma_start3A_322 : memref<100xi32, #tpu.memory_space<vmem>>) semaphore(%arg9 : memref<!tpu.dma_semaphore, #tpu.memory_space<semaphore_mem>>)
      %dma_start3A_326 = arith.constant 1 : i32
      %dma_start3A_327 = arith.constant 3 : i32
      %dma_start3A_328 = arith.constant 0 : i32
      %dma_start3A_329 = arith.constant 1 : i32
      %dma_start3A_330 = arith.constant 600 : i32
      %dma_start3A_331 = arith.constant 0 : i32
      %dma_start3A_332 = tpu.memref_slice %arg6[%dma_start3A_329, %dma_start3A_330, %dma_start3A_331] : memref<2x1600x32xf32, #tpu.memory_space<vmem>> -> memref<1x100x32xf32, #tpu.memory_space<vmem>>
      %dma_start3A_333 = tpu.memref_squeeze %dma_start3A_332 : memref<1x100x32xf32, #tpu.memory_space<vmem>> -> memref<100x32xf32, #tpu.memory_space<vmem>>
      %dma_start3A_334 = arith.constant 0 : i32
      %dma_start3A_335 = tpu.memref_slice %arg5[%dma_start3A_326, %dma_start3A_327, %dma_start3A_328, %dma_start3A_334] : memref<2x8x2x100xi32, #tpu.memory_space<vmem>> -> memref<1x1x1x100xi32, #tpu.memory_space<vmem>>
      %dma_start3A_336 = tpu.memref_squeeze %dma_start3A_335 : memref<1x1x1x100xi32, #tpu.memory_space<vmem>> -> memref<100xi32, #tpu.memory_space<vmem>>
      %dma_start3A_337 = arith.constant 0 : i32
      %dma_start3A_338 = arith.constant 0 : i32
      %dma_start3A_339 = tpu.memref_slice %arg3[%dma_start3A_337, %dma_start3A_338] : memref<30522x32xf32, #tpu.memory_space<hbm>> -> memref<30522x32xf32, #tpu.memory_space<hbm>>
      tpu.enqueue_indirect_dma source(%dma_start3A_339 : memref<30522x32xf32, #tpu.memory_space<hbm>>) target(%dma_start3A_333 : memref<100x32xf32, #tpu.memory_space<vmem>>) offsets(%dma_start3A_336 : memref<100xi32, #tpu.memory_space<vmem>>) semaphore(%arg9 : memref<!tpu.dma_semaphore, #tpu.memory_space<semaphore_mem>>)
      %dma_start3A_340 = arith.constant 1 : i32
      %dma_start3A_341 = arith.constant 3 : i32
      %dma_start3A_342 = arith.constant 1 : i32
      %dma_start3A_343 = arith.constant 1 : i32
      %dma_start3A_344 = arith.constant 700 : i32
      %dma_start3A_345 = arith.constant 0 : i32
      %dma_start3A_346 = tpu.memref_slice %arg6[%dma_start3A_343, %dma_start3A_344, %dma_start3A_345] : memref<2x1600x32xf32, #tpu.memory_space<vmem>> -> memref<1x100x32xf32, #tpu.memory_space<vmem>>
      %dma_start3A_347 = tpu.memref_squeeze %dma_start3A_346 : memref<1x100x32xf32, #tpu.memory_space<vmem>> -> memref<100x32xf32, #tpu.memory_space<vmem>>
      %dma_start3A_348 = arith.constant 0 : i32
      %dma_start3A_349 = tpu.memref_slice %arg5[%dma_start3A_340, %dma_start3A_341, %dma_start3A_342, %dma_start3A_348] : memref<2x8x2x100xi32, #tpu.memory_space<vmem>> -> memref<1x1x1x100xi32, #tpu.memory_space<vmem>>
      %dma_start3A_350 = tpu.memref_squeeze %dma_start3A_349 : memref<1x1x1x100xi32, #tpu.memory_space<vmem>> -> memref<100xi32, #tpu.memory_space<vmem>>
      %dma_start3A_351 = arith.constant 0 : i32
      %dma_start3A_352 = arith.constant 0 : i32
      %dma_start3A_353 = tpu.memref_slice %arg3[%dma_start3A_351, %dma_start3A_352] : memref<30522x32xf32, #tpu.memory_space<hbm>> -> memref<30522x32xf32, #tpu.memory_space<hbm>>
      tpu.enqueue_indirect_dma source(%dma_start3A_353 : memref<30522x32xf32, #tpu.memory_space<hbm>>) target(%dma_start3A_347 : memref<100x32xf32, #tpu.memory_space<vmem>>) offsets(%dma_start3A_350 : memref<100xi32, #tpu.memory_space<vmem>>) semaphore(%arg9 : memref<!tpu.dma_semaphore, #tpu.memory_space<semaphore_mem>>)
      %dma_start3A_354 = arith.constant 1 : i32
      %dma_start3A_355 = arith.constant 4 : i32
      %dma_start3A_356 = arith.constant 0 : i32
      %dma_start3A_357 = arith.constant 1 : i32
      %dma_start3A_358 = arith.constant 800 : i32
      %dma_start3A_359 = arith.constant 0 : i32
      %dma_start3A_360 = tpu.memref_slice %arg6[%dma_start3A_357, %dma_start3A_358, %dma_start3A_359] : memref<2x1600x32xf32, #tpu.memory_space<vmem>> -> memref<1x100x32xf32, #tpu.memory_space<vmem>>
      %dma_start3A_361 = tpu.memref_squeeze %dma_start3A_360 : memref<1x100x32xf32, #tpu.memory_space<vmem>> -> memref<100x32xf32, #tpu.memory_space<vmem>>
      %dma_start3A_362 = arith.constant 0 : i32
      %dma_start3A_363 = tpu.memref_slice %arg5[%dma_start3A_354, %dma_start3A_355, %dma_start3A_356, %dma_start3A_362] : memref<2x8x2x100xi32, #tpu.memory_space<vmem>> -> memref<1x1x1x100xi32, #tpu.memory_space<vmem>>
      %dma_start3A_364 = tpu.memref_squeeze %dma_start3A_363 : memref<1x1x1x100xi32, #tpu.memory_space<vmem>> -> memref<100xi32, #tpu.memory_space<vmem>>
      %dma_start3A_365 = arith.constant 0 : i32
      %dma_start3A_366 = arith.constant 0 : i32
      %dma_start3A_367 = tpu.memref_slice %arg3[%dma_start3A_365, %dma_start3A_366] : memref<30522x32xf32, #tpu.memory_space<hbm>> -> memref<30522x32xf32, #tpu.memory_space<hbm>>
      tpu.enqueue_indirect_dma source(%dma_start3A_367 : memref<30522x32xf32, #tpu.memory_space<hbm>>) target(%dma_start3A_361 : memref<100x32xf32, #tpu.memory_space<vmem>>) offsets(%dma_start3A_364 : memref<100xi32, #tpu.memory_space<vmem>>) semaphore(%arg9 : memref<!tpu.dma_semaphore, #tpu.memory_space<semaphore_mem>>)
      %dma_start3A_368 = arith.constant 1 : i32
      %dma_start3A_369 = arith.constant 4 : i32
      %dma_start3A_370 = arith.constant 1 : i32
      %dma_start3A_371 = arith.constant 1 : i32
      %dma_start3A_372 = arith.constant 900 : i32
      %dma_start3A_373 = arith.constant 0 : i32
      %dma_start3A_374 = tpu.memref_slice %arg6[%dma_start3A_371, %dma_start3A_372, %dma_start3A_373] : memref<2x1600x32xf32, #tpu.memory_space<vmem>> -> memref<1x100x32xf32, #tpu.memory_space<vmem>>
      %dma_start3A_375 = tpu.memref_squeeze %dma_start3A_374 : memref<1x100x32xf32, #tpu.memory_space<vmem>> -> memref<100x32xf32, #tpu.memory_space<vmem>>
      %dma_start3A_376 = arith.constant 0 : i32
      %dma_start3A_377 = tpu.memref_slice %arg5[%dma_start3A_368, %dma_start3A_369, %dma_start3A_370, %dma_start3A_376] : memref<2x8x2x100xi32, #tpu.memory_space<vmem>> -> memref<1x1x1x100xi32, #tpu.memory_space<vmem>>
      %dma_start3A_378 = tpu.memref_squeeze %dma_start3A_377 : memref<1x1x1x100xi32, #tpu.memory_space<vmem>> -> memref<100xi32, #tpu.memory_space<vmem>>
      %dma_start3A_379 = arith.constant 0 : i32
      %dma_start3A_380 = arith.constant 0 : i32
      %dma_start3A_381 = tpu.memref_slice %arg3[%dma_start3A_379, %dma_start3A_380] : memref<30522x32xf32, #tpu.memory_space<hbm>> -> memref<30522x32xf32, #tpu.memory_space<hbm>>
      tpu.enqueue_indirect_dma source(%dma_start3A_381 : memref<30522x32xf32, #tpu.memory_space<hbm>>) target(%dma_start3A_375 : memref<100x32xf32, #tpu.memory_space<vmem>>) offsets(%dma_start3A_378 : memref<100xi32, #tpu.memory_space<vmem>>) semaphore(%arg9 : memref<!tpu.dma_semaphore, #tpu.memory_space<semaphore_mem>>)
      %dma_start3A_382 = arith.constant 1 : i32
      %dma_start3A_383 = arith.constant 5 : i32
      %dma_start3A_384 = arith.constant 0 : i32
      %dma_start3A_385 = arith.constant 1 : i32
      %dma_start3A_386 = arith.constant 1000 : i32
      %dma_start3A_387 = arith.constant 0 : i32
      %dma_start3A_388 = tpu.memref_slice %arg6[%dma_start3A_385, %dma_start3A_386, %dma_start3A_387] : memref<2x1600x32xf32, #tpu.memory_space<vmem>> -> memref<1x100x32xf32, #tpu.memory_space<vmem>>
      %dma_start3A_389 = tpu.memref_squeeze %dma_start3A_388 : memref<1x100x32xf32, #tpu.memory_space<vmem>> -> memref<100x32xf32, #tpu.memory_space<vmem>>
      %dma_start3A_390 = arith.constant 0 : i32
      %dma_start3A_391 = tpu.memref_slice %arg5[%dma_start3A_382, %dma_start3A_383, %dma_start3A_384, %dma_start3A_390] : memref<2x8x2x100xi32, #tpu.memory_space<vmem>> -> memref<1x1x1x100xi32, #tpu.memory_space<vmem>>
      %dma_start3A_392 = tpu.memref_squeeze %dma_start3A_391 : memref<1x1x1x100xi32, #tpu.memory_space<vmem>> -> memref<100xi32, #tpu.memory_space<vmem>>
      %dma_start3A_393 = arith.constant 0 : i32
      %dma_start3A_394 = arith.constant 0 : i32
      %dma_start3A_395 = tpu.memref_slice %arg3[%dma_start3A_393, %dma_start3A_394] : memref<30522x32xf32, #tpu.memory_space<hbm>> -> memref<30522x32xf32, #tpu.memory_space<hbm>>
      tpu.enqueue_indirect_dma source(%dma_start3A_395 : memref<30522x32xf32, #tpu.memory_space<hbm>>) target(%dma_start3A_389 : memref<100x32xf32, #tpu.memory_space<vmem>>) offsets(%dma_start3A_392 : memref<100xi32, #tpu.memory_space<vmem>>) semaphore(%arg9 : memref<!tpu.dma_semaphore, #tpu.memory_space<semaphore_mem>>)
      %dma_start3A_396 = arith.constant 1 : i32
      %dma_start3A_397 = arith.constant 5 : i32
      %dma_start3A_398 = arith.constant 1 : i32
      %dma_start3A_399 = arith.constant 1 : i32
      %dma_start3A_400 = arith.constant 1100 : i32
      %dma_start3A_401 = arith.constant 0 : i32
      %dma_start3A_402 = tpu.memref_slice %arg6[%dma_start3A_399, %dma_start3A_400, %dma_start3A_401] : memref<2x1600x32xf32, #tpu.memory_space<vmem>> -> memref<1x100x32xf32, #tpu.memory_space<vmem>>
      %dma_start3A_403 = tpu.memref_squeeze %dma_start3A_402 : memref<1x100x32xf32, #tpu.memory_space<vmem>> -> memref<100x32xf32, #tpu.memory_space<vmem>>
      %dma_start3A_404 = arith.constant 0 : i32
      %dma_start3A_405 = tpu.memref_slice %arg5[%dma_start3A_396, %dma_start3A_397, %dma_start3A_398, %dma_start3A_404] : memref<2x8x2x100xi32, #tpu.memory_space<vmem>> -> memref<1x1x1x100xi32, #tpu.memory_space<vmem>>
      %dma_start3A_406 = tpu.memref_squeeze %dma_start3A_405 : memref<1x1x1x100xi32, #tpu.memory_space<vmem>> -> memref<100xi32, #tpu.memory_space<vmem>>
      %dma_start3A_407 = arith.constant 0 : i32
      %dma_start3A_408 = arith.constant 0 : i32
      %dma_start3A_409 = tpu.memref_slice %arg3[%dma_start3A_407, %dma_start3A_408] : memref<30522x32xf32, #tpu.memory_space<hbm>> -> memref<30522x32xf32, #tpu.memory_space<hbm>>
      tpu.enqueue_indirect_dma source(%dma_start3A_409 : memref<30522x32xf32, #tpu.memory_space<hbm>>) target(%dma_start3A_403 : memref<100x32xf32, #tpu.memory_space<vmem>>) offsets(%dma_start3A_406 : memref<100xi32, #tpu.memory_space<vmem>>) semaphore(%arg9 : memref<!tpu.dma_semaphore, #tpu.memory_space<semaphore_mem>>)
      %dma_start3A_410 = arith.constant 1 : i32
      %dma_start3A_411 = arith.constant 6 : i32
      %dma_start3A_412 = arith.constant 0 : i32
      %dma_start3A_413 = arith.constant 1 : i32
      %dma_start3A_414 = arith.constant 1200 : i32
      %dma_start3A_415 = arith.constant 0 : i32
      %dma_start3A_416 = tpu.memref_slice %arg6[%dma_start3A_413, %dma_start3A_414, %dma_start3A_415] : memref<2x1600x32xf32, #tpu.memory_space<vmem>> -> memref<1x100x32xf32, #tpu.memory_space<vmem>>
      %dma_start3A_417 = tpu.memref_squeeze %dma_start3A_416 : memref<1x100x32xf32, #tpu.memory_space<vmem>> -> memref<100x32xf32, #tpu.memory_space<vmem>>
      %dma_start3A_418 = arith.constant 0 : i32
      %dma_start3A_419 = tpu.memref_slice %arg5[%dma_start3A_410, %dma_start3A_411, %dma_start3A_412, %dma_start3A_418] : memref<2x8x2x100xi32, #tpu.memory_space<vmem>> -> memref<1x1x1x100xi32, #tpu.memory_space<vmem>>
      %dma_start3A_420 = tpu.memref_squeeze %dma_start3A_419 : memref<1x1x1x100xi32, #tpu.memory_space<vmem>> -> memref<100xi32, #tpu.memory_space<vmem>>
      %dma_start3A_421 = arith.constant 0 : i32
      %dma_start3A_422 = arith.constant 0 : i32
      %dma_start3A_423 = tpu.memref_slice %arg3[%dma_start3A_421, %dma_start3A_422] : memref<30522x32xf32, #tpu.memory_space<hbm>> -> memref<30522x32xf32, #tpu.memory_space<hbm>>
      tpu.enqueue_indirect_dma source(%dma_start3A_423 : memref<30522x32xf32, #tpu.memory_space<hbm>>) target(%dma_start3A_417 : memref<100x32xf32, #tpu.memory_space<vmem>>) offsets(%dma_start3A_420 : memref<100xi32, #tpu.memory_space<vmem>>) semaphore(%arg9 : memref<!tpu.dma_semaphore, #tpu.memory_space<semaphore_mem>>)
      %dma_start3A_424 = arith.constant 1 : i32
      %dma_start3A_425 = arith.constant 6 : i32
      %dma_start3A_426 = arith.constant 1 : i32
      %dma_start3A_427 = arith.constant 1 : i32
      %dma_start3A_428 = arith.constant 1300 : i32
      %dma_start3A_429 = arith.constant 0 : i32
      %dma_start3A_430 = tpu.memref_slice %arg6[%dma_start3A_427, %dma_start3A_428, %dma_start3A_429] : memref<2x1600x32xf32, #tpu.memory_space<vmem>> -> memref<1x100x32xf32, #tpu.memory_space<vmem>>
      %dma_start3A_431 = tpu.memref_squeeze %dma_start3A_430 : memref<1x100x32xf32, #tpu.memory_space<vmem>> -> memref<100x32xf32, #tpu.memory_space<vmem>>
      %dma_start3A_432 = arith.constant 0 : i32
      %dma_start3A_433 = tpu.memref_slice %arg5[%dma_start3A_424, %dma_start3A_425, %dma_start3A_426, %dma_start3A_432] : memref<2x8x2x100xi32, #tpu.memory_space<vmem>> -> memref<1x1x1x100xi32, #tpu.memory_space<vmem>>
      %dma_start3A_434 = tpu.memref_squeeze %dma_start3A_433 : memref<1x1x1x100xi32, #tpu.memory_space<vmem>> -> memref<100xi32, #tpu.memory_space<vmem>>
      %dma_start3A_435 = arith.constant 0 : i32
      %dma_start3A_436 = arith.constant 0 : i32
      %dma_start3A_437 = tpu.memref_slice %arg3[%dma_start3A_435, %dma_start3A_436] : memref<30522x32xf32, #tpu.memory_space<hbm>> -> memref<30522x32xf32, #tpu.memory_space<hbm>>
      tpu.enqueue_indirect_dma source(%dma_start3A_437 : memref<30522x32xf32, #tpu.memory_space<hbm>>) target(%dma_start3A_431 : memref<100x32xf32, #tpu.memory_space<vmem>>) offsets(%dma_start3A_434 : memref<100xi32, #tpu.memory_space<vmem>>) semaphore(%arg9 : memref<!tpu.dma_semaphore, #tpu.memory_space<semaphore_mem>>)
      %dma_start3A_438 = arith.constant 1 : i32
      %dma_start3A_439 = arith.constant 7 : i32
      %dma_start3A_440 = arith.constant 0 : i32
      %dma_start3A_441 = arith.constant 1 : i32
      %dma_start3A_442 = arith.constant 1400 : i32
      %dma_start3A_443 = arith.constant 0 : i32
      %dma_start3A_444 = tpu.memref_slice %arg6[%dma_start3A_441, %dma_start3A_442, %dma_start3A_443] : memref<2x1600x32xf32, #tpu.memory_space<vmem>> -> memref<1x100x32xf32, #tpu.memory_space<vmem>>
      %dma_start3A_445 = tpu.memref_squeeze %dma_start3A_444 : memref<1x100x32xf32, #tpu.memory_space<vmem>> -> memref<100x32xf32, #tpu.memory_space<vmem>>
      %dma_start3A_446 = arith.constant 0 : i32
      %dma_start3A_447 = tpu.memref_slice %arg5[%dma_start3A_438, %dma_start3A_439, %dma_start3A_440, %dma_start3A_446] : memref<2x8x2x100xi32, #tpu.memory_space<vmem>> -> memref<1x1x1x100xi32, #tpu.memory_space<vmem>>
      %dma_start3A_448 = tpu.memref_squeeze %dma_start3A_447 : memref<1x1x1x100xi32, #tpu.memory_space<vmem>> -> memref<100xi32, #tpu.memory_space<vmem>>
      %dma_start3A_449 = arith.constant 0 : i32
      %dma_start3A_450 = arith.constant 0 : i32
      %dma_start3A_451 = tpu.memref_slice %arg3[%dma_start3A_449, %dma_start3A_450] : memref<30522x32xf32, #tpu.memory_space<hbm>> -> memref<30522x32xf32, #tpu.memory_space<hbm>>
      tpu.enqueue_indirect_dma source(%dma_start3A_451 : memref<30522x32xf32, #tpu.memory_space<hbm>>) target(%dma_start3A_445 : memref<100x32xf32, #tpu.memory_space<vmem>>) offsets(%dma_start3A_448 : memref<100xi32, #tpu.memory_space<vmem>>) semaphore(%arg9 : memref<!tpu.dma_semaphore, #tpu.memory_space<semaphore_mem>>)
      %dma_start3A_452 = arith.constant 1 : i32
      %dma_start3A_453 = arith.constant 7 : i32
      %dma_start3A_454 = arith.constant 1 : i32
      %dma_start3A_455 = arith.constant 1 : i32
      %dma_start3A_456 = arith.constant 1500 : i32
      %dma_start3A_457 = arith.constant 0 : i32
      %dma_start3A_458 = tpu.memref_slice %arg6[%dma_start3A_455, %dma_start3A_456, %dma_start3A_457] : memref<2x1600x32xf32, #tpu.memory_space<vmem>> -> memref<1x100x32xf32, #tpu.memory_space<vmem>>
      %dma_start3A_459 = tpu.memref_squeeze %dma_start3A_458 : memref<1x100x32xf32, #tpu.memory_space<vmem>> -> memref<100x32xf32, #tpu.memory_space<vmem>>
      %dma_start3A_460 = arith.constant 0 : i32
      %dma_start3A_461 = tpu.memref_slice %arg5[%dma_start3A_452, %dma_start3A_453, %dma_start3A_454, %dma_start3A_460] : memref<2x8x2x100xi32, #tpu.memory_space<vmem>> -> memref<1x1x1x100xi32, #tpu.memory_space<vmem>>
      %dma_start3A_462 = tpu.memref_squeeze %dma_start3A_461 : memref<1x1x1x100xi32, #tpu.memory_space<vmem>> -> memref<100xi32, #tpu.memory_space<vmem>>
      %dma_start3A_463 = arith.constant 0 : i32
      %dma_start3A_464 = arith.constant 0 : i32
      %dma_start3A_465 = tpu.memref_slice %arg3[%dma_start3A_463, %dma_start3A_464] : memref<30522x32xf32, #tpu.memory_space<hbm>> -> memref<30522x32xf32, #tpu.memory_space<hbm>>
      tpu.enqueue_indirect_dma source(%dma_start3A_465 : memref<30522x32xf32, #tpu.memory_space<hbm>>) target(%dma_start3A_459 : memref<100x32xf32, #tpu.memory_space<vmem>>) offsets(%dma_start3A_462 : memref<100xi32, #tpu.memory_space<vmem>>) semaphore(%arg9 : memref<!tpu.dma_semaphore, #tpu.memory_space<semaphore_mem>>)
      %dma_wait3A = arith.constant 0 : i32
      %dma_wait3A_466 = arith.constant 0 : i32
      %dma_wait3A_467 = arith.constant 0 : i32
      %dma_wait3A_468 = arith.constant 0 : i32
      %dma_wait3A_469 = arith.constant 0 : i32
      %dma_wait3A_470 = arith.constant 0 : i32
      %dma_wait3A_471 = tpu.memref_slice %arg6[%dma_wait3A_468, %dma_wait3A_469, %dma_wait3A_470] : memref<2x1600x32xf32, #tpu.memory_space<vmem>> -> memref<1x100x32xf32, #tpu.memory_space<vmem>>
      %dma_wait3A_472 = tpu.memref_squeeze %dma_wait3A_471 : memref<1x100x32xf32, #tpu.memory_space<vmem>> -> memref<100x32xf32, #tpu.memory_space<vmem>>
      %dma_wait3A_473 = arith.constant 0 : i32
      %dma_wait3A_474 = tpu.memref_slice %arg5[%dma_wait3A, %dma_wait3A_466, %dma_wait3A_467, %dma_wait3A_473] : memref<2x8x2x100xi32, #tpu.memory_space<vmem>> -> memref<1x1x1x100xi32, #tpu.memory_space<vmem>>
      %dma_wait3A_475 = tpu.memref_squeeze %dma_wait3A_474 : memref<1x1x1x100xi32, #tpu.memory_space<vmem>> -> memref<100xi32, #tpu.memory_space<vmem>>
      %dma_wait3A_476 = arith.constant 0 : i32
      %dma_wait3A_477 = arith.constant 0 : i32
      %dma_wait3A_478 = tpu.memref_slice %arg3[%dma_wait3A_476, %dma_wait3A_477] : memref<30522x32xf32, #tpu.memory_space<hbm>> -> memref<30522x32xf32, #tpu.memory_space<hbm>>
      tpu.wait_indirect_dma semaphore(%arg8 : memref<!tpu.dma_semaphore, #tpu.memory_space<semaphore_mem>>) src(%dma_wait3A_478 : memref<30522x32xf32, #tpu.memory_space<hbm>>) dst(%dma_wait3A_472 : memref<100x32xf32, #tpu.memory_space<vmem>>)
      %dma_wait3A_479 = arith.constant 0 : i32
      %dma_wait3A_480 = arith.constant 0 : i32
      %dma_wait3A_481 = arith.constant 1 : i32
      %dma_wait3A_482 = arith.constant 0 : i32
      %dma_wait3A_483 = arith.constant 100 : i32
      %dma_wait3A_484 = arith.constant 0 : i32
      %dma_wait3A_485 = tpu.memref_slice %arg6[%dma_wait3A_482, %dma_wait3A_483, %dma_wait3A_484] : memref<2x1600x32xf32, #tpu.memory_space<vmem>> -> memref<1x100x32xf32, #tpu.memory_space<vmem>>
      %dma_wait3A_486 = tpu.memref_squeeze %dma_wait3A_485 : memref<1x100x32xf32, #tpu.memory_space<vmem>> -> memref<100x32xf32, #tpu.memory_space<vmem>>
      %dma_wait3A_487 = arith.constant 0 : i32
      %dma_wait3A_488 = tpu.memref_slice %arg5[%dma_wait3A_479, %dma_wait3A_480, %dma_wait3A_481, %dma_wait3A_487] : memref<2x8x2x100xi32, #tpu.memory_space<vmem>> -> memref<1x1x1x100xi32, #tpu.memory_space<vmem>>
      %dma_wait3A_489 = tpu.memref_squeeze %dma_wait3A_488 : memref<1x1x1x100xi32, #tpu.memory_space<vmem>> -> memref<100xi32, #tpu.memory_space<vmem>>
      %dma_wait3A_490 = arith.constant 0 : i32
      %dma_wait3A_491 = arith.constant 0 : i32
      %dma_wait3A_492 = tpu.memref_slice %arg3[%dma_wait3A_490, %dma_wait3A_491] : memref<30522x32xf32, #tpu.memory_space<hbm>> -> memref<30522x32xf32, #tpu.memory_space<hbm>>
      tpu.wait_indirect_dma semaphore(%arg8 : memref<!tpu.dma_semaphore, #tpu.memory_space<semaphore_mem>>) src(%dma_wait3A_492 : memref<30522x32xf32, #tpu.memory_space<hbm>>) dst(%dma_wait3A_486 : memref<100x32xf32, #tpu.memory_space<vmem>>)
      %dma_wait3A_493 = arith.constant 0 : i32
      %dma_wait3A_494 = arith.constant 1 : i32
      %dma_wait3A_495 = arith.constant 0 : i32
      %dma_wait3A_496 = arith.constant 0 : i32
      %dma_wait3A_497 = arith.constant 200 : i32
      %dma_wait3A_498 = arith.constant 0 : i32
      %dma_wait3A_499 = tpu.memref_slice %arg6[%dma_wait3A_496, %dma_wait3A_497, %dma_wait3A_498] : memref<2x1600x32xf32, #tpu.memory_space<vmem>> -> memref<1x100x32xf32, #tpu.memory_space<vmem>>
      %dma_wait3A_500 = tpu.memref_squeeze %dma_wait3A_499 : memref<1x100x32xf32, #tpu.memory_space<vmem>> -> memref<100x32xf32, #tpu.memory_space<vmem>>
      %dma_wait3A_501 = arith.constant 0 : i32
      %dma_wait3A_502 = tpu.memref_slice %arg5[%dma_wait3A_493, %dma_wait3A_494, %dma_wait3A_495, %dma_wait3A_501] : memref<2x8x2x100xi32, #tpu.memory_space<vmem>> -> memref<1x1x1x100xi32, #tpu.memory_space<vmem>>
      %dma_wait3A_503 = tpu.memref_squeeze %dma_wait3A_502 : memref<1x1x1x100xi32, #tpu.memory_space<vmem>> -> memref<100xi32, #tpu.memory_space<vmem>>
      %dma_wait3A_504 = arith.constant 0 : i32
      %dma_wait3A_505 = arith.constant 0 : i32
      %dma_wait3A_506 = tpu.memref_slice %arg3[%dma_wait3A_504, %dma_wait3A_505] : memref<30522x32xf32, #tpu.memory_space<hbm>> -> memref<30522x32xf32, #tpu.memory_space<hbm>>
      tpu.wait_indirect_dma semaphore(%arg8 : memref<!tpu.dma_semaphore, #tpu.memory_space<semaphore_mem>>) src(%dma_wait3A_506 : memref<30522x32xf32, #tpu.memory_space<hbm>>) dst(%dma_wait3A_500 : memref<100x32xf32, #tpu.memory_space<vmem>>)
      %dma_wait3A_507 = arith.constant 0 : i32
      %dma_wait3A_508 = arith.constant 1 : i32
      %dma_wait3A_509 = arith.constant 1 : i32
      %dma_wait3A_510 = arith.constant 0 : i32
      %dma_wait3A_511 = arith.constant 300 : i32
      %dma_wait3A_512 = arith.constant 0 : i32
      %dma_wait3A_513 = tpu.memref_slice %arg6[%dma_wait3A_510, %dma_wait3A_511, %dma_wait3A_512] : memref<2x1600x32xf32, #tpu.memory_space<vmem>> -> memref<1x100x32xf32, #tpu.memory_space<vmem>>
      %dma_wait3A_514 = tpu.memref_squeeze %dma_wait3A_513 : memref<1x100x32xf32, #tpu.memory_space<vmem>> -> memref<100x32xf32, #tpu.memory_space<vmem>>
      %dma_wait3A_515 = arith.constant 0 : i32
      %dma_wait3A_516 = tpu.memref_slice %arg5[%dma_wait3A_507, %dma_wait3A_508, %dma_wait3A_509, %dma_wait3A_515] : memref<2x8x2x100xi32, #tpu.memory_space<vmem>> -> memref<1x1x1x100xi32, #tpu.memory_space<vmem>>
      %dma_wait3A_517 = tpu.memref_squeeze %dma_wait3A_516 : memref<1x1x1x100xi32, #tpu.memory_space<vmem>> -> memref<100xi32, #tpu.memory_space<vmem>>
      %dma_wait3A_518 = arith.constant 0 : i32
      %dma_wait3A_519 = arith.constant 0 : i32
      %dma_wait3A_520 = tpu.memref_slice %arg3[%dma_wait3A_518, %dma_wait3A_519] : memref<30522x32xf32, #tpu.memory_space<hbm>> -> memref<30522x32xf32, #tpu.memory_space<hbm>>
      tpu.wait_indirect_dma semaphore(%arg8 : memref<!tpu.dma_semaphore, #tpu.memory_space<semaphore_mem>>) src(%dma_wait3A_520 : memref<30522x32xf32, #tpu.memory_space<hbm>>) dst(%dma_wait3A_514 : memref<100x32xf32, #tpu.memory_space<vmem>>)
      %dma_wait3A_521 = arith.constant 0 : i32
      %dma_wait3A_522 = arith.constant 2 : i32
      %dma_wait3A_523 = arith.constant 0 : i32
      %dma_wait3A_524 = arith.constant 0 : i32
      %dma_wait3A_525 = arith.constant 400 : i32
      %dma_wait3A_526 = arith.constant 0 : i32
      %dma_wait3A_527 = tpu.memref_slice %arg6[%dma_wait3A_524, %dma_wait3A_525, %dma_wait3A_526] : memref<2x1600x32xf32, #tpu.memory_space<vmem>> -> memref<1x100x32xf32, #tpu.memory_space<vmem>>
      %dma_wait3A_528 = tpu.memref_squeeze %dma_wait3A_527 : memref<1x100x32xf32, #tpu.memory_space<vmem>> -> memref<100x32xf32, #tpu.memory_space<vmem>>
      %dma_wait3A_529 = arith.constant 0 : i32
      %dma_wait3A_530 = tpu.memref_slice %arg5[%dma_wait3A_521, %dma_wait3A_522, %dma_wait3A_523, %dma_wait3A_529] : memref<2x8x2x100xi32, #tpu.memory_space<vmem>> -> memref<1x1x1x100xi32, #tpu.memory_space<vmem>>
      %dma_wait3A_531 = tpu.memref_squeeze %dma_wait3A_530 : memref<1x1x1x100xi32, #tpu.memory_space<vmem>> -> memref<100xi32, #tpu.memory_space<vmem>>
      %dma_wait3A_532 = arith.constant 0 : i32
      %dma_wait3A_533 = arith.constant 0 : i32
      %dma_wait3A_534 = tpu.memref_slice %arg3[%dma_wait3A_532, %dma_wait3A_533] : memref<30522x32xf32, #tpu.memory_space<hbm>> -> memref<30522x32xf32, #tpu.memory_space<hbm>>
      tpu.wait_indirect_dma semaphore(%arg8 : memref<!tpu.dma_semaphore, #tpu.memory_space<semaphore_mem>>) src(%dma_wait3A_534 : memref<30522x32xf32, #tpu.memory_space<hbm>>) dst(%dma_wait3A_528 : memref<100x32xf32, #tpu.memory_space<vmem>>)
      %dma_wait3A_535 = arith.constant 0 : i32
      %dma_wait3A_536 = arith.constant 2 : i32
      %dma_wait3A_537 = arith.constant 1 : i32
      %dma_wait3A_538 = arith.constant 0 : i32
      %dma_wait3A_539 = arith.constant 500 : i32
      %dma_wait3A_540 = arith.constant 0 : i32
      %dma_wait3A_541 = tpu.memref_slice %arg6[%dma_wait3A_538, %dma_wait3A_539, %dma_wait3A_540] : memref<2x1600x32xf32, #tpu.memory_space<vmem>> -> memref<1x100x32xf32, #tpu.memory_space<vmem>>
      %dma_wait3A_542 = tpu.memref_squeeze %dma_wait3A_541 : memref<1x100x32xf32, #tpu.memory_space<vmem>> -> memref<100x32xf32, #tpu.memory_space<vmem>>
      %dma_wait3A_543 = arith.constant 0 : i32
      %dma_wait3A_544 = tpu.memref_slice %arg5[%dma_wait3A_535, %dma_wait3A_536, %dma_wait3A_537, %dma_wait3A_543] : memref<2x8x2x100xi32, #tpu.memory_space<vmem>> -> memref<1x1x1x100xi32, #tpu.memory_space<vmem>>
      %dma_wait3A_545 = tpu.memref_squeeze %dma_wait3A_544 : memref<1x1x1x100xi32, #tpu.memory_space<vmem>> -> memref<100xi32, #tpu.memory_space<vmem>>
      %dma_wait3A_546 = arith.constant 0 : i32
      %dma_wait3A_547 = arith.constant 0 : i32
      %dma_wait3A_548 = tpu.memref_slice %arg3[%dma_wait3A_546, %dma_wait3A_547] : memref<30522x32xf32, #tpu.memory_space<hbm>> -> memref<30522x32xf32, #tpu.memory_space<hbm>>
      tpu.wait_indirect_dma semaphore(%arg8 : memref<!tpu.dma_semaphore, #tpu.memory_space<semaphore_mem>>) src(%dma_wait3A_548 : memref<30522x32xf32, #tpu.memory_space<hbm>>) dst(%dma_wait3A_542 : memref<100x32xf32, #tpu.memory_space<vmem>>)
      %dma_wait3A_549 = arith.constant 0 : i32
      %dma_wait3A_550 = arith.constant 3 : i32
      %dma_wait3A_551 = arith.constant 0 : i32
      %dma_wait3A_552 = arith.constant 0 : i32
      %dma_wait3A_553 = arith.constant 600 : i32
      %dma_wait3A_554 = arith.constant 0 : i32
      %dma_wait3A_555 = tpu.memref_slice %arg6[%dma_wait3A_552, %dma_wait3A_553, %dma_wait3A_554] : memref<2x1600x32xf32, #tpu.memory_space<vmem>> -> memref<1x100x32xf32, #tpu.memory_space<vmem>>
      %dma_wait3A_556 = tpu.memref_squeeze %dma_wait3A_555 : memref<1x100x32xf32, #tpu.memory_space<vmem>> -> memref<100x32xf32, #tpu.memory_space<vmem>>
      %dma_wait3A_557 = arith.constant 0 : i32
      %dma_wait3A_558 = tpu.memref_slice %arg5[%dma_wait3A_549, %dma_wait3A_550, %dma_wait3A_551, %dma_wait3A_557] : memref<2x8x2x100xi32, #tpu.memory_space<vmem>> -> memref<1x1x1x100xi32, #tpu.memory_space<vmem>>
      %dma_wait3A_559 = tpu.memref_squeeze %dma_wait3A_558 : memref<1x1x1x100xi32, #tpu.memory_space<vmem>> -> memref<100xi32, #tpu.memory_space<vmem>>
      %dma_wait3A_560 = arith.constant 0 : i32
      %dma_wait3A_561 = arith.constant 0 : i32
      %dma_wait3A_562 = tpu.memref_slice %arg3[%dma_wait3A_560, %dma_wait3A_561] : memref<30522x32xf32, #tpu.memory_space<hbm>> -> memref<30522x32xf32, #tpu.memory_space<hbm>>
      tpu.wait_indirect_dma semaphore(%arg8 : memref<!tpu.dma_semaphore, #tpu.memory_space<semaphore_mem>>) src(%dma_wait3A_562 : memref<30522x32xf32, #tpu.memory_space<hbm>>) dst(%dma_wait3A_556 : memref<100x32xf32, #tpu.memory_space<vmem>>)
      %dma_wait3A_563 = arith.constant 0 : i32
      %dma_wait3A_564 = arith.constant 3 : i32
      %dma_wait3A_565 = arith.constant 1 : i32
      %dma_wait3A_566 = arith.constant 0 : i32
      %dma_wait3A_567 = arith.constant 700 : i32
      %dma_wait3A_568 = arith.constant 0 : i32
      %dma_wait3A_569 = tpu.memref_slice %arg6[%dma_wait3A_566, %dma_wait3A_567, %dma_wait3A_568] : memref<2x1600x32xf32, #tpu.memory_space<vmem>> -> memref<1x100x32xf32, #tpu.memory_space<vmem>>
      %dma_wait3A_570 = tpu.memref_squeeze %dma_wait3A_569 : memref<1x100x32xf32, #tpu.memory_space<vmem>> -> memref<100x32xf32, #tpu.memory_space<vmem>>
      %dma_wait3A_571 = arith.constant 0 : i32
      %dma_wait3A_572 = tpu.memref_slice %arg5[%dma_wait3A_563, %dma_wait3A_564, %dma_wait3A_565, %dma_wait3A_571] : memref<2x8x2x100xi32, #tpu.memory_space<vmem>> -> memref<1x1x1x100xi32, #tpu.memory_space<vmem>>
      %dma_wait3A_573 = tpu.memref_squeeze %dma_wait3A_572 : memref<1x1x1x100xi32, #tpu.memory_space<vmem>> -> memref<100xi32, #tpu.memory_space<vmem>>
      %dma_wait3A_574 = arith.constant 0 : i32
      %dma_wait3A_575 = arith.constant 0 : i32
      %dma_wait3A_576 = tpu.memref_slice %arg3[%dma_wait3A_574, %dma_wait3A_575] : memref<30522x32xf32, #tpu.memory_space<hbm>> -> memref<30522x32xf32, #tpu.memory_space<hbm>>
      tpu.wait_indirect_dma semaphore(%arg8 : memref<!tpu.dma_semaphore, #tpu.memory_space<semaphore_mem>>) src(%dma_wait3A_576 : memref<30522x32xf32, #tpu.memory_space<hbm>>) dst(%dma_wait3A_570 : memref<100x32xf32, #tpu.memory_space<vmem>>)
      %dma_wait3A_577 = arith.constant 0 : i32
      %dma_wait3A_578 = arith.constant 4 : i32
      %dma_wait3A_579 = arith.constant 0 : i32
      %dma_wait3A_580 = arith.constant 0 : i32
      %dma_wait3A_581 = arith.constant 800 : i32
      %dma_wait3A_582 = arith.constant 0 : i32
      %dma_wait3A_583 = tpu.memref_slice %arg6[%dma_wait3A_580, %dma_wait3A_581, %dma_wait3A_582] : memref<2x1600x32xf32, #tpu.memory_space<vmem>> -> memref<1x100x32xf32, #tpu.memory_space<vmem>>
      %dma_wait3A_584 = tpu.memref_squeeze %dma_wait3A_583 : memref<1x100x32xf32, #tpu.memory_space<vmem>> -> memref<100x32xf32, #tpu.memory_space<vmem>>
      %dma_wait3A_585 = arith.constant 0 : i32
      %dma_wait3A_586 = tpu.memref_slice %arg5[%dma_wait3A_577, %dma_wait3A_578, %dma_wait3A_579, %dma_wait3A_585] : memref<2x8x2x100xi32, #tpu.memory_space<vmem>> -> memref<1x1x1x100xi32, #tpu.memory_space<vmem>>
      %dma_wait3A_587 = tpu.memref_squeeze %dma_wait3A_586 : memref<1x1x1x100xi32, #tpu.memory_space<vmem>> -> memref<100xi32, #tpu.memory_space<vmem>>
      %dma_wait3A_588 = arith.constant 0 : i32
      %dma_wait3A_589 = arith.constant 0 : i32
      %dma_wait3A_590 = tpu.memref_slice %arg3[%dma_wait3A_588, %dma_wait3A_589] : memref<30522x32xf32, #tpu.memory_space<hbm>> -> memref<30522x32xf32, #tpu.memory_space<hbm>>
      tpu.wait_indirect_dma semaphore(%arg8 : memref<!tpu.dma_semaphore, #tpu.memory_space<semaphore_mem>>) src(%dma_wait3A_590 : memref<30522x32xf32, #tpu.memory_space<hbm>>) dst(%dma_wait3A_584 : memref<100x32xf32, #tpu.memory_space<vmem>>)
      %dma_wait3A_591 = arith.constant 0 : i32
      %dma_wait3A_592 = arith.constant 4 : i32
      %dma_wait3A_593 = arith.constant 1 : i32
      %dma_wait3A_594 = arith.constant 0 : i32
      %dma_wait3A_595 = arith.constant 900 : i32
      %dma_wait3A_596 = arith.constant 0 : i32
      %dma_wait3A_597 = tpu.memref_slice %arg6[%dma_wait3A_594, %dma_wait3A_595, %dma_wait3A_596] : memref<2x1600x32xf32, #tpu.memory_space<vmem>> -> memref<1x100x32xf32, #tpu.memory_space<vmem>>
      %dma_wait3A_598 = tpu.memref_squeeze %dma_wait3A_597 : memref<1x100x32xf32, #tpu.memory_space<vmem>> -> memref<100x32xf32, #tpu.memory_space<vmem>>
      %dma_wait3A_599 = arith.constant 0 : i32
      %dma_wait3A_600 = tpu.memref_slice %arg5[%dma_wait3A_591, %dma_wait3A_592, %dma_wait3A_593, %dma_wait3A_599] : memref<2x8x2x100xi32, #tpu.memory_space<vmem>> -> memref<1x1x1x100xi32, #tpu.memory_space<vmem>>
      %dma_wait3A_601 = tpu.memref_squeeze %dma_wait3A_600 : memref<1x1x1x100xi32, #tpu.memory_space<vmem>> -> memref<100xi32, #tpu.memory_space<vmem>>
      %dma_wait3A_602 = arith.constant 0 : i32
      %dma_wait3A_603 = arith.constant 0 : i32
      %dma_wait3A_604 = tpu.memref_slice %arg3[%dma_wait3A_602, %dma_wait3A_603] : memref<30522x32xf32, #tpu.memory_space<hbm>> -> memref<30522x32xf32, #tpu.memory_space<hbm>>
      tpu.wait_indirect_dma semaphore(%arg8 : memref<!tpu.dma_semaphore, #tpu.memory_space<semaphore_mem>>) src(%dma_wait3A_604 : memref<30522x32xf32, #tpu.memory_space<hbm>>) dst(%dma_wait3A_598 : memref<100x32xf32, #tpu.memory_space<vmem>>)
      %dma_wait3A_605 = arith.constant 0 : i32
      %dma_wait3A_606 = arith.constant 5 : i32
      %dma_wait3A_607 = arith.constant 0 : i32
      %dma_wait3A_608 = arith.constant 0 : i32
      %dma_wait3A_609 = arith.constant 1000 : i32
      %dma_wait3A_610 = arith.constant 0 : i32
      %dma_wait3A_611 = tpu.memref_slice %arg6[%dma_wait3A_608, %dma_wait3A_609, %dma_wait3A_610] : memref<2x1600x32xf32, #tpu.memory_space<vmem>> -> memref<1x100x32xf32, #tpu.memory_space<vmem>>
      %dma_wait3A_612 = tpu.memref_squeeze %dma_wait3A_611 : memref<1x100x32xf32, #tpu.memory_space<vmem>> -> memref<100x32xf32, #tpu.memory_space<vmem>>
      %dma_wait3A_613 = arith.constant 0 : i32
      %dma_wait3A_614 = tpu.memref_slice %arg5[%dma_wait3A_605, %dma_wait3A_606, %dma_wait3A_607, %dma_wait3A_613] : memref<2x8x2x100xi32, #tpu.memory_space<vmem>> -> memref<1x1x1x100xi32, #tpu.memory_space<vmem>>
      %dma_wait3A_615 = tpu.memref_squeeze %dma_wait3A_614 : memref<1x1x1x100xi32, #tpu.memory_space<vmem>> -> memref<100xi32, #tpu.memory_space<vmem>>
      %dma_wait3A_616 = arith.constant 0 : i32
      %dma_wait3A_617 = arith.constant 0 : i32
      %dma_wait3A_618 = tpu.memref_slice %arg3[%dma_wait3A_616, %dma_wait3A_617] : memref<30522x32xf32, #tpu.memory_space<hbm>> -> memref<30522x32xf32, #tpu.memory_space<hbm>>
      tpu.wait_indirect_dma semaphore(%arg8 : memref<!tpu.dma_semaphore, #tpu.memory_space<semaphore_mem>>) src(%dma_wait3A_618 : memref<30522x32xf32, #tpu.memory_space<hbm>>) dst(%dma_wait3A_612 : memref<100x32xf32, #tpu.memory_space<vmem>>)
      %dma_wait3A_619 = arith.constant 0 : i32
      %dma_wait3A_620 = arith.constant 5 : i32
      %dma_wait3A_621 = arith.constant 1 : i32
      %dma_wait3A_622 = arith.constant 0 : i32
      %dma_wait3A_623 = arith.constant 1100 : i32
      %dma_wait3A_624 = arith.constant 0 : i32
      %dma_wait3A_625 = tpu.memref_slice %arg6[%dma_wait3A_622, %dma_wait3A_623, %dma_wait3A_624] : memref<2x1600x32xf32, #tpu.memory_space<vmem>> -> memref<1x100x32xf32, #tpu.memory_space<vmem>>
      %dma_wait3A_626 = tpu.memref_squeeze %dma_wait3A_625 : memref<1x100x32xf32, #tpu.memory_space<vmem>> -> memref<100x32xf32, #tpu.memory_space<vmem>>
      %dma_wait3A_627 = arith.constant 0 : i32
      %dma_wait3A_628 = tpu.memref_slice %arg5[%dma_wait3A_619, %dma_wait3A_620, %dma_wait3A_621, %dma_wait3A_627] : memref<2x8x2x100xi32, #tpu.memory_space<vmem>> -> memref<1x1x1x100xi32, #tpu.memory_space<vmem>>
      %dma_wait3A_629 = tpu.memref_squeeze %dma_wait3A_628 : memref<1x1x1x100xi32, #tpu.memory_space<vmem>> -> memref<100xi32, #tpu.memory_space<vmem>>
      %dma_wait3A_630 = arith.constant 0 : i32
      %dma_wait3A_631 = arith.constant 0 : i32
      %dma_wait3A_632 = tpu.memref_slice %arg3[%dma_wait3A_630, %dma_wait3A_631] : memref<30522x32xf32, #tpu.memory_space<hbm>> -> memref<30522x32xf32, #tpu.memory_space<hbm>>
      tpu.wait_indirect_dma semaphore(%arg8 : memref<!tpu.dma_semaphore, #tpu.memory_space<semaphore_mem>>) src(%dma_wait3A_632 : memref<30522x32xf32, #tpu.memory_space<hbm>>) dst(%dma_wait3A_626 : memref<100x32xf32, #tpu.memory_space<vmem>>)
      %dma_wait3A_633 = arith.constant 0 : i32
      %dma_wait3A_634 = arith.constant 6 : i32
      %dma_wait3A_635 = arith.constant 0 : i32
      %dma_wait3A_636 = arith.constant 0 : i32
      %dma_wait3A_637 = arith.constant 1200 : i32
      %dma_wait3A_638 = arith.constant 0 : i32
      %dma_wait3A_639 = tpu.memref_slice %arg6[%dma_wait3A_636, %dma_wait3A_637, %dma_wait3A_638] : memref<2x1600x32xf32, #tpu.memory_space<vmem>> -> memref<1x100x32xf32, #tpu.memory_space<vmem>>
      %dma_wait3A_640 = tpu.memref_squeeze %dma_wait3A_639 : memref<1x100x32xf32, #tpu.memory_space<vmem>> -> memref<100x32xf32, #tpu.memory_space<vmem>>
      %dma_wait3A_641 = arith.constant 0 : i32
      %dma_wait3A_642 = tpu.memref_slice %arg5[%dma_wait3A_633, %dma_wait3A_634, %dma_wait3A_635, %dma_wait3A_641] : memref<2x8x2x100xi32, #tpu.memory_space<vmem>> -> memref<1x1x1x100xi32, #tpu.memory_space<vmem>>
      %dma_wait3A_643 = tpu.memref_squeeze %dma_wait3A_642 : memref<1x1x1x100xi32, #tpu.memory_space<vmem>> -> memref<100xi32, #tpu.memory_space<vmem>>
      %dma_wait3A_644 = arith.constant 0 : i32
      %dma_wait3A_645 = arith.constant 0 : i32
      %dma_wait3A_646 = tpu.memref_slice %arg3[%dma_wait3A_644, %dma_wait3A_645] : memref<30522x32xf32, #tpu.memory_space<hbm>> -> memref<30522x32xf32, #tpu.memory_space<hbm>>
      tpu.wait_indirect_dma semaphore(%arg8 : memref<!tpu.dma_semaphore, #tpu.memory_space<semaphore_mem>>) src(%dma_wait3A_646 : memref<30522x32xf32, #tpu.memory_space<hbm>>) dst(%dma_wait3A_640 : memref<100x32xf32, #tpu.memory_space<vmem>>)
      %dma_wait3A_647 = arith.constant 0 : i32
      %dma_wait3A_648 = arith.constant 6 : i32
      %dma_wait3A_649 = arith.constant 1 : i32
      %dma_wait3A_650 = arith.constant 0 : i32
      %dma_wait3A_651 = arith.constant 1300 : i32
      %dma_wait3A_652 = arith.constant 0 : i32
      %dma_wait3A_653 = tpu.memref_slice %arg6[%dma_wait3A_650, %dma_wait3A_651, %dma_wait3A_652] : memref<2x1600x32xf32, #tpu.memory_space<vmem>> -> memref<1x100x32xf32, #tpu.memory_space<vmem>>
      %dma_wait3A_654 = tpu.memref_squeeze %dma_wait3A_653 : memref<1x100x32xf32, #tpu.memory_space<vmem>> -> memref<100x32xf32, #tpu.memory_space<vmem>>
      %dma_wait3A_655 = arith.constant 0 : i32
      %dma_wait3A_656 = tpu.memref_slice %arg5[%dma_wait3A_647, %dma_wait3A_648, %dma_wait3A_649, %dma_wait3A_655] : memref<2x8x2x100xi32, #tpu.memory_space<vmem>> -> memref<1x1x1x100xi32, #tpu.memory_space<vmem>>
      %dma_wait3A_657 = tpu.memref_squeeze %dma_wait3A_656 : memref<1x1x1x100xi32, #tpu.memory_space<vmem>> -> memref<100xi32, #tpu.memory_space<vmem>>
      %dma_wait3A_658 = arith.constant 0 : i32
      %dma_wait3A_659 = arith.constant 0 : i32
      %dma_wait3A_660 = tpu.memref_slice %arg3[%dma_wait3A_658, %dma_wait3A_659] : memref<30522x32xf32, #tpu.memory_space<hbm>> -> memref<30522x32xf32, #tpu.memory_space<hbm>>
      tpu.wait_indirect_dma semaphore(%arg8 : memref<!tpu.dma_semaphore, #tpu.memory_space<semaphore_mem>>) src(%dma_wait3A_660 : memref<30522x32xf32, #tpu.memory_space<hbm>>) dst(%dma_wait3A_654 : memref<100x32xf32, #tpu.memory_space<vmem>>)
      %dma_wait3A_661 = arith.constant 0 : i32
      %dma_wait3A_662 = arith.constant 7 : i32
      %dma_wait3A_663 = arith.constant 0 : i32
      %dma_wait3A_664 = arith.constant 0 : i32
      %dma_wait3A_665 = arith.constant 1400 : i32
      %dma_wait3A_666 = arith.constant 0 : i32
      %dma_wait3A_667 = tpu.memref_slice %arg6[%dma_wait3A_664, %dma_wait3A_665, %dma_wait3A_666] : memref<2x1600x32xf32, #tpu.memory_space<vmem>> -> memref<1x100x32xf32, #tpu.memory_space<vmem>>
      %dma_wait3A_668 = tpu.memref_squeeze %dma_wait3A_667 : memref<1x100x32xf32, #tpu.memory_space<vmem>> -> memref<100x32xf32, #tpu.memory_space<vmem>>
      %dma_wait3A_669 = arith.constant 0 : i32
      %dma_wait3A_670 = tpu.memref_slice %arg5[%dma_wait3A_661, %dma_wait3A_662, %dma_wait3A_663, %dma_wait3A_669] : memref<2x8x2x100xi32, #tpu.memory_space<vmem>> -> memref<1x1x1x100xi32, #tpu.memory_space<vmem>>
      %dma_wait3A_671 = tpu.memref_squeeze %dma_wait3A_670 : memref<1x1x1x100xi32, #tpu.memory_space<vmem>> -> memref<100xi32, #tpu.memory_space<vmem>>
      %dma_wait3A_672 = arith.constant 0 : i32
      %dma_wait3A_673 = arith.constant 0 : i32
      %dma_wait3A_674 = tpu.memref_slice %arg3[%dma_wait3A_672, %dma_wait3A_673] : memref<30522x32xf32, #tpu.memory_space<hbm>> -> memref<30522x32xf32, #tpu.memory_space<hbm>>
      tpu.wait_indirect_dma semaphore(%arg8 : memref<!tpu.dma_semaphore, #tpu.memory_space<semaphore_mem>>) src(%dma_wait3A_674 : memref<30522x32xf32, #tpu.memory_space<hbm>>) dst(%dma_wait3A_668 : memref<100x32xf32, #tpu.memory_space<vmem>>)
      %dma_wait3A_675 = arith.constant 0 : i32
      %dma_wait3A_676 = arith.constant 7 : i32
      %dma_wait3A_677 = arith.constant 1 : i32
      %dma_wait3A_678 = arith.constant 0 : i32
      %dma_wait3A_679 = arith.constant 1500 : i32
      %dma_wait3A_680 = arith.constant 0 : i32
      %dma_wait3A_681 = tpu.memref_slice %arg6[%dma_wait3A_678, %dma_wait3A_679, %dma_wait3A_680] : memref<2x1600x32xf32, #tpu.memory_space<vmem>> -> memref<1x100x32xf32, #tpu.memory_space<vmem>>
      %dma_wait3A_682 = tpu.memref_squeeze %dma_wait3A_681 : memref<1x100x32xf32, #tpu.memory_space<vmem>> -> memref<100x32xf32, #tpu.memory_space<vmem>>
      %dma_wait3A_683 = arith.constant 0 : i32
      %dma_wait3A_684 = tpu.memref_slice %arg5[%dma_wait3A_675, %dma_wait3A_676, %dma_wait3A_677, %dma_wait3A_683] : memref<2x8x2x100xi32, #tpu.memory_space<vmem>> -> memref<1x1x1x100xi32, #tpu.memory_space<vmem>>
      %dma_wait3A_685 = tpu.memref_squeeze %dma_wait3A_684 : memref<1x1x1x100xi32, #tpu.memory_space<vmem>> -> memref<100xi32, #tpu.memory_space<vmem>>
      %dma_wait3A_686 = arith.constant 0 : i32
      %dma_wait3A_687 = arith.constant 0 : i32
      %dma_wait3A_688 = tpu.memref_slice %arg3[%dma_wait3A_686, %dma_wait3A_687] : memref<30522x32xf32, #tpu.memory_space<hbm>> -> memref<30522x32xf32, #tpu.memory_space<hbm>>
      tpu.wait_indirect_dma semaphore(%arg8 : memref<!tpu.dma_semaphore, #tpu.memory_space<semaphore_mem>>) src(%dma_wait3A_688 : memref<30522x32xf32, #tpu.memory_space<hbm>>) dst(%dma_wait3A_682 : memref<100x32xf32, #tpu.memory_space<vmem>>)
      %mul3A_689 = arith.constant 2 : i32
      %mul3A_690 = arith.muli %mul3A_689, %scan3A_235 : i32
      %scan3A_691 = arith.constant 0 : i32
      %scan3A_692 = arith.constant 0 : i32
      %scan3A_693 = arith.constant 8 : i32
      %scan3A_694 = arith.addi %scan3A_692, %scan3A_693 : i32
      %scan3A_695 = arith.constant 1 : i32
      scf.for %scan3A_937 = %scan3A_692 to %scan3A_694 step %scan3A_695  : i32 {
        %broadcast_in_dim3A = arith.constant 0.000000e+00 : f32
        %broadcast_in_dim3A_938 = vector.broadcast %broadcast_in_dim3A : f32 to vector<16xf32>
        %scan3A_939 = arith.constant 0 : i32
        %scan3A_940 = arith.constant 25 : i32
        %scan3A_941 = arith.addi %scan3A_939, %scan3A_940 : i32
        %scan3A_942 = arith.constant 1 : i32
        %scan3A_943:8 = scf.for %scan3A_972 = %scan3A_939 to %scan3A_941 step %scan3A_942 iter_args(%scan3A_973 = %broadcast_in_dim3A_938, %scan3A_974 = %broadcast_in_dim3A_938, %scan3A_975 = %broadcast_in_dim3A_938, %scan3A_976 = %broadcast_in_dim3A_938, %scan3A_977 = %broadcast_in_dim3A_938, %scan3A_978 = %broadcast_in_dim3A_938, %scan3A_979 = %broadcast_in_dim3A_938, %scan3A_980 = %broadcast_in_dim3A_938) -> (vector<16xf32>, vector<16xf32>, vector<16xf32>, vector<16xf32>, vector<16xf32>, vector<16xf32>, vector<16xf32>, vector<16xf32>)  : i32 {
          %mul3A_981 = arith.constant 200 : i32
          %mul3A_982 = arith.muli %scan3A_937, %mul3A_981 : i32
          %mul3A_983 = arith.constant 8 : i32
          %mul3A_984 = arith.muli %scan3A_972, %mul3A_983 : i32
          %add3A_985 = arith.addi %mul3A_982, %mul3A_984 : i32
          %add3A_986 = arith.constant 0 : i32
          %add3A_987 = arith.addi %add3A_985, %add3A_986 : i32
          %get3A = arith.constant 0 : i32
          %get3A_988 = arith.index_cast %get3A : i32 to index
          %get3A_989 = arith.index_cast %add3A_987 : i32 to index
          %get3A_990 = arith.constant 0 : index
          %get3A_991 = tpu.vector_load %arg6[%get3A_988, %get3A_989, %get3A_990] {strides = array<i32>} : memref<2x1600x32xf32, #tpu.memory_space<vmem>>, vector<1x1x16xf32>,
          %get3A_992 = vector.shape_cast %get3A_991 : vector<1x1x16xf32> to vector<16xf32>
          %add3A_993 = arith.addf %scan3A_973, %get3A_992 : vector<16xf32>
          %get3A_994 = arith.constant 0 : i32
          %get3A_995 = arith.index_cast %get3A_994 : i32 to index
          %get3A_996 = arith.index_cast %add3A_987 : i32 to index
          %get3A_997 = arith.constant 16 : index
          %get3A_998 = tpu.vector_load %arg6[%get3A_995, %get3A_996, %get3A_997] {strides = array<i32>} : memref<2x1600x32xf32, #tpu.memory_space<vmem>>, vector<1x1x16xf32>,
          %get3A_999 = vector.shape_cast %get3A_998 : vector<1x1x16xf32> to vector<16xf32>
          %add3A_1000 = arith.addf %scan3A_974, %get3A_999 : vector<16xf32>
          %mul3A_1001 = arith.constant 200 : i32
          %mul3A_1002 = arith.muli %scan3A_937, %mul3A_1001 : i32
          %mul3A_1003 = arith.constant 8 : i32
          %mul3A_1004 = arith.muli %scan3A_972, %mul3A_1003 : i32
          %add3A_1005 = arith.addi %mul3A_1002, %mul3A_1004 : i32
          %add3A_1006 = arith.constant 1 : i32
          %add3A_1007 = arith.addi %add3A_1005, %add3A_1006 : i32
          %get3A_1008 = arith.constant 0 : i32
          %get3A_1009 = arith.index_cast %get3A_1008 : i32 to index
          %get3A_1010 = arith.index_cast %add3A_1007 : i32 to index
          %get3A_1011 = arith.constant 0 : index
          %get3A_1012 = tpu.vector_load %arg6[%get3A_1009, %get3A_1010, %get3A_1011] {strides = array<i32>} : memref<2x1600x32xf32, #tpu.memory_space<vmem>>, vector<1x1x16xf32>,
          %get3A_1013 = vector.shape_cast %get3A_1012 : vector<1x1x16xf32> to vector<16xf32>
          %add3A_1014 = arith.addf %scan3A_975, %get3A_1013 : vector<16xf32>
          %get3A_1015 = arith.constant 0 : i32
          %get3A_1016 = arith.index_cast %get3A_1015 : i32 to index
          %get3A_1017 = arith.index_cast %add3A_1007 : i32 to index
          %get3A_1018 = arith.constant 16 : index
          %get3A_1019 = tpu.vector_load %arg6[%get3A_1016, %get3A_1017, %get3A_1018] {strides = array<i32>} : memref<2x1600x32xf32, #tpu.memory_space<vmem>>, vector<1x1x16xf32>,
          %get3A_1020 = vector.shape_cast %get3A_1019 : vector<1x1x16xf32> to vector<16xf32>
          %add3A_1021 = arith.addf %scan3A_976, %get3A_1020 : vector<16xf32>
          %mul3A_1022 = arith.constant 200 : i32
          %mul3A_1023 = arith.muli %scan3A_937, %mul3A_1022 : i32
          %mul3A_1024 = arith.constant 8 : i32
          %mul3A_1025 = arith.muli %scan3A_972, %mul3A_1024 : i32
          %add3A_1026 = arith.addi %mul3A_1023, %mul3A_1025 : i32
          %add3A_1027 = arith.constant 2 : i32
          %add3A_1028 = arith.addi %add3A_1026, %add3A_1027 : i32
          %get3A_1029 = arith.constant 0 : i32
          %get3A_1030 = arith.index_cast %get3A_1029 : i32 to index
          %get3A_1031 = arith.index_cast %add3A_1028 : i32 to index
          %get3A_1032 = arith.constant 0 : index
          %get3A_1033 = tpu.vector_load %arg6[%get3A_1030, %get3A_1031, %get3A_1032] {strides = array<i32>} : memref<2x1600x32xf32, #tpu.memory_space<vmem>>, vector<1x1x16xf32>,
          %get3A_1034 = vector.shape_cast %get3A_1033 : vector<1x1x16xf32> to vector<16xf32>
          %add3A_1035 = arith.addf %scan3A_977, %get3A_1034 : vector<16xf32>
          %get3A_1036 = arith.constant 0 : i32
          %get3A_1037 = arith.index_cast %get3A_1036 : i32 to index
          %get3A_1038 = arith.index_cast %add3A_1028 : i32 to index
          %get3A_1039 = arith.constant 16 : index
          %get3A_1040 = tpu.vector_load %arg6[%get3A_1037, %get3A_1038, %get3A_1039] {strides = array<i32>} : memref<2x1600x32xf32, #tpu.memory_space<vmem>>, vector<1x1x16xf32>,
          %get3A_1041 = vector.shape_cast %get3A_1040 : vector<1x1x16xf32> to vector<16xf32>
          %add3A_1042 = arith.addf %scan3A_978, %get3A_1041 : vector<16xf32>
          %mul3A_1043 = arith.constant 200 : i32
          %mul3A_1044 = arith.muli %scan3A_937, %mul3A_1043 : i32
          %mul3A_1045 = arith.constant 8 : i32
          %mul3A_1046 = arith.muli %scan3A_972, %mul3A_1045 : i32
          %add3A_1047 = arith.addi %mul3A_1044, %mul3A_1046 : i32
          %add3A_1048 = arith.constant 3 : i32
          %add3A_1049 = arith.addi %add3A_1047, %add3A_1048 : i32
          %get3A_1050 = arith.constant 0 : i32
          %get3A_1051 = arith.index_cast %get3A_1050 : i32 to index
          %get3A_1052 = arith.index_cast %add3A_1049 : i32 to index
          %get3A_1053 = arith.constant 0 : index
          %get3A_1054 = tpu.vector_load %arg6[%get3A_1051, %get3A_1052, %get3A_1053] {strides = array<i32>} : memref<2x1600x32xf32, #tpu.memory_space<vmem>>, vector<1x1x16xf32>,
          %get3A_1055 = vector.shape_cast %get3A_1054 : vector<1x1x16xf32> to vector<16xf32>
          %add3A_1056 = arith.addf %scan3A_979, %get3A_1055 : vector<16xf32>
          %get3A_1057 = arith.constant 0 : i32
          %get3A_1058 = arith.index_cast %get3A_1057 : i32 to index
          %get3A_1059 = arith.index_cast %add3A_1049 : i32 to index
          %get3A_1060 = arith.constant 16 : index
          %get3A_1061 = tpu.vector_load %arg6[%get3A_1058, %get3A_1059, %get3A_1060] {strides = array<i32>} : memref<2x1600x32xf32, #tpu.memory_space<vmem>>, vector<1x1x16xf32>,
          %get3A_1062 = vector.shape_cast %get3A_1061 : vector<1x1x16xf32> to vector<16xf32>
          %add3A_1063 = arith.addf %scan3A_980, %get3A_1062 : vector<16xf32>
          %mul3A_1064 = arith.constant 200 : i32
          %mul3A_1065 = arith.muli %scan3A_937, %mul3A_1064 : i32
          %mul3A_1066 = arith.constant 8 : i32
          %mul3A_1067 = arith.muli %scan3A_972, %mul3A_1066 : i32
          %add3A_1068 = arith.addi %mul3A_1065, %mul3A_1067 : i32
          %add3A_1069 = arith.constant 4 : i32
          %add3A_1070 = arith.addi %add3A_1068, %add3A_1069 : i32
          %get3A_1071 = arith.constant 0 : i32
          %get3A_1072 = arith.index_cast %get3A_1071 : i32 to index
          %get3A_1073 = arith.index_cast %add3A_1070 : i32 to index
          %get3A_1074 = arith.constant 0 : index
          %get3A_1075 = tpu.vector_load %arg6[%get3A_1072, %get3A_1073, %get3A_1074] {strides = array<i32>} : memref<2x1600x32xf32, #tpu.memory_space<vmem>>, vector<1x1x16xf32>,
          %get3A_1076 = vector.shape_cast %get3A_1075 : vector<1x1x16xf32> to vector<16xf32>
          %add3A_1077 = arith.addf %add3A_993, %get3A_1076 : vector<16xf32>
          %get3A_1078 = arith.constant 0 : i32
          %get3A_1079 = arith.index_cast %get3A_1078 : i32 to index
          %get3A_1080 = arith.index_cast %add3A_1070 : i32 to index
          %get3A_1081 = arith.constant 16 : index
          %get3A_1082 = tpu.vector_load %arg6[%get3A_1079, %get3A_1080, %get3A_1081] {strides = array<i32>} : memref<2x1600x32xf32, #tpu.memory_space<vmem>>, vector<1x1x16xf32>,
          %get3A_1083 = vector.shape_cast %get3A_1082 : vector<1x1x16xf32> to vector<16xf32>
          %add3A_1084 = arith.addf %add3A_1000, %get3A_1083 : vector<16xf32>
          %mul3A_1085 = arith.constant 200 : i32
          %mul3A_1086 = arith.muli %scan3A_937, %mul3A_1085 : i32
          %mul3A_1087 = arith.constant 8 : i32
          %mul3A_1088 = arith.muli %scan3A_972, %mul3A_1087 : i32
          %add3A_1089 = arith.addi %mul3A_1086, %mul3A_1088 : i32
          %add3A_1090 = arith.constant 5 : i32
          %add3A_1091 = arith.addi %add3A_1089, %add3A_1090 : i32
          %get3A_1092 = arith.constant 0 : i32
          %get3A_1093 = arith.index_cast %get3A_1092 : i32 to index
          %get3A_1094 = arith.index_cast %add3A_1091 : i32 to index
          %get3A_1095 = arith.constant 0 : index
          %get3A_1096 = tpu.vector_load %arg6[%get3A_1093, %get3A_1094, %get3A_1095] {strides = array<i32>} : memref<2x1600x32xf32, #tpu.memory_space<vmem>>, vector<1x1x16xf32>,
          %get3A_1097 = vector.shape_cast %get3A_1096 : vector<1x1x16xf32> to vector<16xf32>
          %add3A_1098 = arith.addf %add3A_1014, %get3A_1097 : vector<16xf32>
          %get3A_1099 = arith.constant 0 : i32
          %get3A_1100 = arith.index_cast %get3A_1099 : i32 to index
          %get3A_1101 = arith.index_cast %add3A_1091 : i32 to index
          %get3A_1102 = arith.constant 16 : index
          %get3A_1103 = tpu.vector_load %arg6[%get3A_1100, %get3A_1101, %get3A_1102] {strides = array<i32>} : memref<2x1600x32xf32, #tpu.memory_space<vmem>>, vector<1x1x16xf32>,
          %get3A_1104 = vector.shape_cast %get3A_1103 : vector<1x1x16xf32> to vector<16xf32>
          %add3A_1105 = arith.addf %add3A_1021, %get3A_1104 : vector<16xf32>
          %mul3A_1106 = arith.constant 200 : i32
          %mul3A_1107 = arith.muli %scan3A_937, %mul3A_1106 : i32
          %mul3A_1108 = arith.constant 8 : i32
          %mul3A_1109 = arith.muli %scan3A_972, %mul3A_1108 : i32
          %add3A_1110 = arith.addi %mul3A_1107, %mul3A_1109 : i32
          %add3A_1111 = arith.constant 6 : i32
          %add3A_1112 = arith.addi %add3A_1110, %add3A_1111 : i32
          %get3A_1113 = arith.constant 0 : i32
          %get3A_1114 = arith.index_cast %get3A_1113 : i32 to index
          %get3A_1115 = arith.index_cast %add3A_1112 : i32 to index
          %get3A_1116 = arith.constant 0 : index
          %get3A_1117 = tpu.vector_load %arg6[%get3A_1114, %get3A_1115, %get3A_1116] {strides = array<i32>} : memref<2x1600x32xf32, #tpu.memory_space<vmem>>, vector<1x1x16xf32>,
          %get3A_1118 = vector.shape_cast %get3A_1117 : vector<1x1x16xf32> to vector<16xf32>
          %add3A_1119 = arith.addf %add3A_1035, %get3A_1118 : vector<16xf32>
          %get3A_1120 = arith.constant 0 : i32
          %get3A_1121 = arith.index_cast %get3A_1120 : i32 to index
          %get3A_1122 = arith.index_cast %add3A_1112 : i32 to index
          %get3A_1123 = arith.constant 16 : index
          %get3A_1124 = tpu.vector_load %arg6[%get3A_1121, %get3A_1122, %get3A_1123] {strides = array<i32>} : memref<2x1600x32xf32, #tpu.memory_space<vmem>>, vector<1x1x16xf32>,
          %get3A_1125 = vector.shape_cast %get3A_1124 : vector<1x1x16xf32> to vector<16xf32>
          %add3A_1126 = arith.addf %add3A_1042, %get3A_1125 : vector<16xf32>
          %mul3A_1127 = arith.constant 200 : i32
          %mul3A_1128 = arith.muli %scan3A_937, %mul3A_1127 : i32
          %mul3A_1129 = arith.constant 8 : i32
          %mul3A_1130 = arith.muli %scan3A_972, %mul3A_1129 : i32
          %add3A_1131 = arith.addi %mul3A_1128, %mul3A_1130 : i32
          %add3A_1132 = arith.constant 7 : i32
          %add3A_1133 = arith.addi %add3A_1131, %add3A_1132 : i32
          %get3A_1134 = arith.constant 0 : i32
          %get3A_1135 = arith.index_cast %get3A_1134 : i32 to index
          %get3A_1136 = arith.index_cast %add3A_1133 : i32 to index
          %get3A_1137 = arith.constant 0 : index
          %get3A_1138 = tpu.vector_load %arg6[%get3A_1135, %get3A_1136, %get3A_1137] {strides = array<i32>} : memref<2x1600x32xf32, #tpu.memory_space<vmem>>, vector<1x1x16xf32>,
          %get3A_1139 = vector.shape_cast %get3A_1138 : vector<1x1x16xf32> to vector<16xf32>
          %add3A_1140 = arith.addf %add3A_1056, %get3A_1139 : vector<16xf32>
          %get3A_1141 = arith.constant 0 : i32
          %get3A_1142 = arith.index_cast %get3A_1141 : i32 to index
          %get3A_1143 = arith.index_cast %add3A_1133 : i32 to index
          %get3A_1144 = arith.constant 16 : index
          %get3A_1145 = tpu.vector_load %arg6[%get3A_1142, %get3A_1143, %get3A_1144] {strides = array<i32>} : memref<2x1600x32xf32, #tpu.memory_space<vmem>>, vector<1x1x16xf32>,
          %get3A_1146 = vector.shape_cast %get3A_1145 : vector<1x1x16xf32> to vector<16xf32>
          %add3A_1147 = arith.addf %add3A_1063, %get3A_1146 : vector<16xf32>
          scf.yield %add3A_1077, %add3A_1084, %add3A_1098, %add3A_1105, %add3A_1119, %add3A_1126, %add3A_1140, %add3A_1147 : vector<16xf32>, vector<16xf32>, vector<16xf32>, vector<16xf32>, vector<16xf32>, vector<16xf32>, vector<16xf32>, vector<16xf32>
        }
        %scan3A_944 = arith.constant 25 : i32
        %add3A_945 = arith.addf %scan3A_943#0, %scan3A_943#2 : vector<16xf32>
        %add3A_946 = arith.addf %scan3A_943#4, %scan3A_943#6 : vector<16xf32>
        %add3A_947 = arith.addf %add3A_945, %add3A_946 : vector<16xf32>
        %add3A_948 = arith.addf %scan3A_943#1, %scan3A_943#3 : vector<16xf32>
        %add3A_949 = arith.addf %scan3A_943#5, %scan3A_943#7 : vector<16xf32>
        %add3A_950 = arith.addf %add3A_948, %add3A_949 : vector<16xf32>
        %mul3A_951 = arith.constant 5.000000e-03 : f32
        %mul3A_952 = vector.broadcast %mul3A_951 : f32 to vector<16xf32>
        %mul3A_953 = arith.mulf %add3A_947, %mul3A_952 : vector<16xf32>
        %mul3A_954 = arith.constant 8 : i32
        %mul3A_955 = arith.muli %mul3A_690, %mul3A_954 : i32
        %add3A_956 = arith.addi %mul3A_955, %scan3A_937 : i32
        %swap3A = arith.index_cast %add3A_956 : i32 to index
        %swap3A_957 = arith.constant 0 : index
        %swap3A_958 = tpu.vector_load %arg7[%swap3A, %swap3A_957] {strides = array<i32>} : memref<512x32xf32, #tpu.memory_space<vmem>>, vector<1x16xf32>,
        %swap3A_959 = vector.shape_cast %swap3A_958 : vector<1x16xf32> to vector<16xf32>
        %swap3A_960 = vector.shape_cast %mul3A_953 : vector<16xf32> to vector<1x16xf32>
        tpu.vector_store %arg7[%swap3A, %swap3A_957], %swap3A_960 {strides = array<i32>} : memref<512x32xf32, #tpu.memory_space<vmem>>, vector<1x16xf32>,
        %mul3A_961 = arith.constant 5.000000e-03 : f32
        %mul3A_962 = vector.broadcast %mul3A_961 : f32 to vector<16xf32>
        %mul3A_963 = arith.mulf %add3A_950, %mul3A_962 : vector<16xf32>
        %mul3A_964 = arith.constant 8 : i32
        %mul3A_965 = arith.muli %mul3A_690, %mul3A_964 : i32
        %add3A_966 = arith.addi %mul3A_965, %scan3A_937 : i32
        %swap3A_967 = arith.index_cast %add3A_966 : i32 to index
        %swap3A_968 = arith.constant 16 : index
        %swap3A_969 = tpu.vector_load %arg7[%swap3A_967, %swap3A_968] {strides = array<i32>} : memref<512x32xf32, #tpu.memory_space<vmem>>, vector<1x16xf32>,
        %swap3A_970 = vector.shape_cast %swap3A_969 : vector<1x16xf32> to vector<16xf32>
        %swap3A_971 = vector.shape_cast %mul3A_963 : vector<16xf32> to vector<1x16xf32>
        tpu.vector_store %arg7[%swap3A_967, %swap3A_968], %swap3A_971 {strides = array<i32>} : memref<512x32xf32, #tpu.memory_space<vmem>>, vector<1x16xf32>,
      }
      %scan3A_696 = arith.constant 8 : i32
      %mul3A_697 = arith.constant 2 : i32
      %mul3A_698 = arith.muli %mul3A_697, %scan3A_235 : i32
      %add3A_699 = arith.constant 2 : i32
      %add3A_700 = arith.addi %mul3A_698, %add3A_699 : i32
      %lt3A = arith.constant 64 : i32
      %lt3A_701 = arith.cmpi slt, %add3A_700, %lt3A : i32
      %convert_element_type3A = arith.extui %lt3A_701 : i1 to i32
      %cond3A = arith.constant 0 : i32
      %cond3A_702 = arith.cmpi ne, %convert_element_type3A, %cond3A : i32
      scf.if %cond3A_702 {
        %mul3A_937 = arith.constant 2 : i32
        %mul3A_938 = arith.muli %mul3A_937, %scan3A_235 : i32
        %add3A_939 = arith.constant 2 : i32
        %add3A_940 = arith.addi %mul3A_938, %add3A_939 : i32
        %add3A_941 = arith.addi %mul3A_2, %add3A_940 : i32
        %run_scoped3A_942 = arith.constant 0 : i32
        "tpu.region"() ({
          %run_scoped3A_1167 = tpu.sem_alloc : memref<!tpu.dma_semaphore, #tpu.memory_space<semaphore_mem>>
          %dma_start3A_1168 = arith.constant 0 : i32
          %dma_start3A_1169 = arith.constant 0 : i32
          %dma_start3A_1170 = arith.constant 0 : i32
          %dma_start3A_1171 = tpu.memref_slice %arg5[%run_scoped3A_942, %dma_start3A_1168, %dma_start3A_1169, %dma_start3A_1170] : memref<2x8x2x100xi32, #tpu.memory_space<vmem>> -> memref<1x8x2x100xi32, #tpu.memory_space<vmem>>
          %dma_start3A_1172 = tpu.memref_squeeze %dma_start3A_1171 : memref<1x8x2x100xi32, #tpu.memory_space<vmem>> -> memref<8x2x100xi32, #tpu.memory_space<vmem>>
          %dma_start3A_1173 = arith.constant 0 : i32
          %dma_start3A_1174 = arith.constant 0 : i32
          %dma_start3A_1175 = arith.constant 0 : i32
          %dma_start3A_1176 = tpu.memref_slice %arg2[%add3A_941, %dma_start3A_1173, %dma_start3A_1174, %dma_start3A_1175] : memref<2048x8x2x100xi32, #tpu.memory_space<hbm>> -> memref<1x8x2x100xi32, #tpu.memory_space<hbm>>
          %dma_start3A_1177 = tpu.memref_squeeze %dma_start3A_1176 : memref<1x8x2x100xi32, #tpu.memory_space<hbm>> -> memref<8x2x100xi32, #tpu.memory_space<hbm>>
          %dma_start3A_1178 = arith.constant 0 : i32
          %dma_start3A_1179 = arith.constant 0 : i32
          %dma_start3A_1180 = arith.constant 0 : i32
          %dma_start3A_1181 = tpu.memref_slice %arg5[%run_scoped3A_942, %dma_start3A_1178, %dma_start3A_1179, %dma_start3A_1180] : memref<2x8x2x100xi32, #tpu.memory_space<vmem>> -> memref<1x8x2x100xi32, #tpu.memory_space<vmem>>
          %dma_start3A_1182 = tpu.memref_squeeze %dma_start3A_1181 : memref<1x8x2x100xi32, #tpu.memory_space<vmem>> -> memref<8x2x100xi32, #tpu.memory_space<vmem>>
          %dma_start3A_1183 = arith.constant 0 : i32
          %dma_start3A_1184 = arith.constant 0 : i32
          %dma_start3A_1185 = arith.constant 0 : i32
          %dma_start3A_1186 = tpu.memref_slice %arg2[%add3A_941, %dma_start3A_1183, %dma_start3A_1184, %dma_start3A_1185] : memref<2048x8x2x100xi32, #tpu.memory_space<hbm>> -> memref<1x8x2x100xi32, #tpu.memory_space<hbm>>
          %dma_start3A_1187 = tpu.memref_squeeze %dma_start3A_1186 : memref<1x8x2x100xi32, #tpu.memory_space<hbm>> -> memref<8x2x100xi32, #tpu.memory_space<hbm>>
          tpu.enqueue_dma source(%dma_start3A_1187 : memref<8x2x100xi32, #tpu.memory_space<hbm>>) target(%dma_start3A_1182 : memref<8x2x100xi32, #tpu.memory_space<vmem>>) target_semaphore(%run_scoped3A_1167 : memref<!tpu.dma_semaphore, #tpu.memory_space<semaphore_mem>>)
          %dma_wait3A_1188 = arith.constant 0 : i32
          %dma_wait3A_1189 = arith.constant 0 : i32
          %dma_wait3A_1190 = arith.constant 0 : i32
          %dma_wait3A_1191 = tpu.memref_slice %arg5[%run_scoped3A_942, %dma_wait3A_1188, %dma_wait3A_1189, %dma_wait3A_1190] : memref<2x8x2x100xi32, #tpu.memory_space<vmem>> -> memref<1x8x2x100xi32, #tpu.memory_space<vmem>>
          %dma_wait3A_1192 = tpu.memref_squeeze %dma_wait3A_1191 : memref<1x8x2x100xi32, #tpu.memory_space<vmem>> -> memref<8x2x100xi32, #tpu.memory_space<vmem>>
          %dma_wait3A_1193 = arith.constant 0 : i32
          %dma_wait3A_1194 = arith.constant 0 : i32
          %dma_wait3A_1195 = arith.constant 0 : i32
          %dma_wait3A_1196 = tpu.memref_slice %arg2[%add3A_941, %dma_wait3A_1193, %dma_wait3A_1194, %dma_wait3A_1195] : memref<2048x8x2x100xi32, #tpu.memory_space<hbm>> -> memref<1x8x2x100xi32, #tpu.memory_space<hbm>>
          %dma_wait3A_1197 = tpu.memref_squeeze %dma_wait3A_1196 : memref<1x8x2x100xi32, #tpu.memory_space<hbm>> -> memref<8x2x100xi32, #tpu.memory_space<hbm>>
          %dma_wait3A_1198 = arith.constant 0 : i32
          %dma_wait3A_1199 = arith.constant 0 : i32
          %dma_wait3A_1200 = arith.constant 0 : i32
          %dma_wait3A_1201 = tpu.memref_slice %arg5[%run_scoped3A_942, %dma_wait3A_1198, %dma_wait3A_1199, %dma_wait3A_1200] : memref<2x8x2x100xi32, #tpu.memory_space<vmem>> -> memref<1x8x2x100xi32, #tpu.memory_space<vmem>>
          %dma_wait3A_1202 = tpu.memref_squeeze %dma_wait3A_1201 : memref<1x8x2x100xi32, #tpu.memory_space<vmem>> -> memref<8x2x100xi32, #tpu.memory_space<vmem>>
          %dma_wait3A_1203 = arith.constant 0 : i32
          %dma_wait3A_1204 = arith.constant 0 : i32
          %dma_wait3A_1205 = arith.constant 0 : i32
          %dma_wait3A_1206 = tpu.memref_slice %arg2[%add3A_941, %dma_wait3A_1203, %dma_wait3A_1204, %dma_wait3A_1205] : memref<2048x8x2x100xi32, #tpu.memory_space<hbm>> -> memref<1x8x2x100xi32, #tpu.memory_space<hbm>>
          %dma_wait3A_1207 = tpu.memref_squeeze %dma_wait3A_1206 : memref<1x8x2x100xi32, #tpu.memory_space<hbm>> -> memref<8x2x100xi32, #tpu.memory_space<hbm>>
          tpu.wait_dma2 semaphore(%run_scoped3A_1167 : memref<!tpu.dma_semaphore, #tpu.memory_space<semaphore_mem>>) src(%dma_wait3A_1207 : memref<8x2x100xi32, #tpu.memory_space<hbm>>) dst(%dma_wait3A_1202 : memref<8x2x100xi32, #tpu.memory_space<vmem>>)
          tpu.yield
        }) : () -> ()
        %dma_start3A_943 = arith.constant 0 : i32
        %dma_start3A_944 = arith.constant 0 : i32
        %dma_start3A_945 = arith.constant 0 : i32
        %dma_start3A_946 = arith.constant 0 : i32
        %dma_start3A_947 = arith.constant 0 : i32
        %dma_start3A_948 = arith.constant 0 : i32
        %dma_start3A_949 = tpu.memref_slice %arg6[%dma_start3A_946, %dma_start3A_947, %dma_start3A_948] : memref<2x1600x32xf32, #tpu.memory_space<vmem>> -> memref<1x100x32xf32, #tpu.memory_space<vmem>>
        %dma_start3A_950 = tpu.memref_squeeze %dma_start3A_949 : memref<1x100x32xf32, #tpu.memory_space<vmem>> -> memref<100x32xf32, #tpu.memory_space<vmem>>
        %dma_start3A_951 = arith.constant 0 : i32
        %dma_start3A_952 = tpu.memref_slice %arg5[%dma_start3A_943, %dma_start3A_944, %dma_start3A_945, %dma_start3A_951] : memref<2x8x2x100xi32, #tpu.memory_space<vmem>> -> memref<1x1x1x100xi32, #tpu.memory_space<vmem>>
        %dma_start3A_953 = tpu.memref_squeeze %dma_start3A_952 : memref<1x1x1x100xi32, #tpu.memory_space<vmem>> -> memref<100xi32, #tpu.memory_space<vmem>>
        %dma_start3A_954 = arith.constant 0 : i32
        %dma_start3A_955 = arith.constant 0 : i32
        %dma_start3A_956 = tpu.memref_slice %arg3[%dma_start3A_954, %dma_start3A_955] : memref<30522x32xf32, #tpu.memory_space<hbm>> -> memref<30522x32xf32, #tpu.memory_space<hbm>>
        tpu.enqueue_indirect_dma source(%dma_start3A_956 : memref<30522x32xf32, #tpu.memory_space<hbm>>) target(%dma_start3A_950 : memref<100x32xf32, #tpu.memory_space<vmem>>) offsets(%dma_start3A_953 : memref<100xi32, #tpu.memory_space<vmem>>) semaphore(%arg8 : memref<!tpu.dma_semaphore, #tpu.memory_space<semaphore_mem>>)
        %dma_start3A_957 = arith.constant 0 : i32
        %dma_start3A_958 = arith.constant 0 : i32
        %dma_start3A_959 = arith.constant 1 : i32
        %dma_start3A_960 = arith.constant 0 : i32
        %dma_start3A_961 = arith.constant 100 : i32
        %dma_start3A_962 = arith.constant 0 : i32
        %dma_start3A_963 = tpu.memref_slice %arg6[%dma_start3A_960, %dma_start3A_961, %dma_start3A_962] : memref<2x1600x32xf32, #tpu.memory_space<vmem>> -> memref<1x100x32xf32, #tpu.memory_space<vmem>>
        %dma_start3A_964 = tpu.memref_squeeze %dma_start3A_963 : memref<1x100x32xf32, #tpu.memory_space<vmem>> -> memref<100x32xf32, #tpu.memory_space<vmem>>
        %dma_start3A_965 = arith.constant 0 : i32
        %dma_start3A_966 = tpu.memref_slice %arg5[%dma_start3A_957, %dma_start3A_958, %dma_start3A_959, %dma_start3A_965] : memref<2x8x2x100xi32, #tpu.memory_space<vmem>> -> memref<1x1x1x100xi32, #tpu.memory_space<vmem>>
        %dma_start3A_967 = tpu.memref_squeeze %dma_start3A_966 : memref<1x1x1x100xi32, #tpu.memory_space<vmem>> -> memref<100xi32, #tpu.memory_space<vmem>>
        %dma_start3A_968 = arith.constant 0 : i32
        %dma_start3A_969 = arith.constant 0 : i32
        %dma_start3A_970 = tpu.memref_slice %arg3[%dma_start3A_968, %dma_start3A_969] : memref<30522x32xf32, #tpu.memory_space<hbm>> -> memref<30522x32xf32, #tpu.memory_space<hbm>>
        tpu.enqueue_indirect_dma source(%dma_start3A_970 : memref<30522x32xf32, #tpu.memory_space<hbm>>) target(%dma_start3A_964 : memref<100x32xf32, #tpu.memory_space<vmem>>) offsets(%dma_start3A_967 : memref<100xi32, #tpu.memory_space<vmem>>) semaphore(%arg8 : memref<!tpu.dma_semaphore, #tpu.memory_space<semaphore_mem>>)
        %dma_start3A_971 = arith.constant 0 : i32
        %dma_start3A_972 = arith.constant 1 : i32
        %dma_start3A_973 = arith.constant 0 : i32
        %dma_start3A_974 = arith.constant 0 : i32
        %dma_start3A_975 = arith.constant 200 : i32
        %dma_start3A_976 = arith.constant 0 : i32
        %dma_start3A_977 = tpu.memref_slice %arg6[%dma_start3A_974, %dma_start3A_975, %dma_start3A_976] : memref<2x1600x32xf32, #tpu.memory_space<vmem>> -> memref<1x100x32xf32, #tpu.memory_space<vmem>>
        %dma_start3A_978 = tpu.memref_squeeze %dma_start3A_977 : memref<1x100x32xf32, #tpu.memory_space<vmem>> -> memref<100x32xf32, #tpu.memory_space<vmem>>
        %dma_start3A_979 = arith.constant 0 : i32
        %dma_start3A_980 = tpu.memref_slice %arg5[%dma_start3A_971, %dma_start3A_972, %dma_start3A_973, %dma_start3A_979] : memref<2x8x2x100xi32, #tpu.memory_space<vmem>> -> memref<1x1x1x100xi32, #tpu.memory_space<vmem>>
        %dma_start3A_981 = tpu.memref_squeeze %dma_start3A_980 : memref<1x1x1x100xi32, #tpu.memory_space<vmem>> -> memref<100xi32, #tpu.memory_space<vmem>>
        %dma_start3A_982 = arith.constant 0 : i32
        %dma_start3A_983 = arith.constant 0 : i32
        %dma_start3A_984 = tpu.memref_slice %arg3[%dma_start3A_982, %dma_start3A_983] : memref<30522x32xf32, #tpu.memory_space<hbm>> -> memref<30522x32xf32, #tpu.memory_space<hbm>>
        tpu.enqueue_indirect_dma source(%dma_start3A_984 : memref<30522x32xf32, #tpu.memory_space<hbm>>) target(%dma_start3A_978 : memref<100x32xf32, #tpu.memory_space<vmem>>) offsets(%dma_start3A_981 : memref<100xi32, #tpu.memory_space<vmem>>) semaphore(%arg8 : memref<!tpu.dma_semaphore, #tpu.memory_space<semaphore_mem>>)
        %dma_start3A_985 = arith.constant 0 : i32
        %dma_start3A_986 = arith.constant 1 : i32
        %dma_start3A_987 = arith.constant 1 : i32
        %dma_start3A_988 = arith.constant 0 : i32
        %dma_start3A_989 = arith.constant 300 : i32
        %dma_start3A_990 = arith.constant 0 : i32
        %dma_start3A_991 = tpu.memref_slice %arg6[%dma_start3A_988, %dma_start3A_989, %dma_start3A_990] : memref<2x1600x32xf32, #tpu.memory_space<vmem>> -> memref<1x100x32xf32, #tpu.memory_space<vmem>>
        %dma_start3A_992 = tpu.memref_squeeze %dma_start3A_991 : memref<1x100x32xf32, #tpu.memory_space<vmem>> -> memref<100x32xf32, #tpu.memory_space<vmem>>
        %dma_start3A_993 = arith.constant 0 : i32
        %dma_start3A_994 = tpu.memref_slice %arg5[%dma_start3A_985, %dma_start3A_986, %dma_start3A_987, %dma_start3A_993] : memref<2x8x2x100xi32, #tpu.memory_space<vmem>> -> memref<1x1x1x100xi32, #tpu.memory_space<vmem>>
        %dma_start3A_995 = tpu.memref_squeeze %dma_start3A_994 : memref<1x1x1x100xi32, #tpu.memory_space<vmem>> -> memref<100xi32, #tpu.memory_space<vmem>>
        %dma_start3A_996 = arith.constant 0 : i32
        %dma_start3A_997 = arith.constant 0 : i32
        %dma_start3A_998 = tpu.memref_slice %arg3[%dma_start3A_996, %dma_start3A_997] : memref<30522x32xf32, #tpu.memory_space<hbm>> -> memref<30522x32xf32, #tpu.memory_space<hbm>>
        tpu.enqueue_indirect_dma source(%dma_start3A_998 : memref<30522x32xf32, #tpu.memory_space<hbm>>) target(%dma_start3A_992 : memref<100x32xf32, #tpu.memory_space<vmem>>) offsets(%dma_start3A_995 : memref<100xi32, #tpu.memory_space<vmem>>) semaphore(%arg8 : memref<!tpu.dma_semaphore, #tpu.memory_space<semaphore_mem>>)
        %dma_start3A_999 = arith.constant 0 : i32
        %dma_start3A_1000 = arith.constant 2 : i32
        %dma_start3A_1001 = arith.constant 0 : i32
        %dma_start3A_1002 = arith.constant 0 : i32
        %dma_start3A_1003 = arith.constant 400 : i32
        %dma_start3A_1004 = arith.constant 0 : i32
        %dma_start3A_1005 = tpu.memref_slice %arg6[%dma_start3A_1002, %dma_start3A_1003, %dma_start3A_1004] : memref<2x1600x32xf32, #tpu.memory_space<vmem>> -> memref<1x100x32xf32, #tpu.memory_space<vmem>>
        %dma_start3A_1006 = tpu.memref_squeeze %dma_start3A_1005 : memref<1x100x32xf32, #tpu.memory_space<vmem>> -> memref<100x32xf32, #tpu.memory_space<vmem>>
        %dma_start3A_1007 = arith.constant 0 : i32
        %dma_start3A_1008 = tpu.memref_slice %arg5[%dma_start3A_999, %dma_start3A_1000, %dma_start3A_1001, %dma_start3A_1007] : memref<2x8x2x100xi32, #tpu.memory_space<vmem>> -> memref<1x1x1x100xi32, #tpu.memory_space<vmem>>
        %dma_start3A_1009 = tpu.memref_squeeze %dma_start3A_1008 : memref<1x1x1x100xi32, #tpu.memory_space<vmem>> -> memref<100xi32, #tpu.memory_space<vmem>>
        %dma_start3A_1010 = arith.constant 0 : i32
        %dma_start3A_1011 = arith.constant 0 : i32
        %dma_start3A_1012 = tpu.memref_slice %arg3[%dma_start3A_1010, %dma_start3A_1011] : memref<30522x32xf32, #tpu.memory_space<hbm>> -> memref<30522x32xf32, #tpu.memory_space<hbm>>
        tpu.enqueue_indirect_dma source(%dma_start3A_1012 : memref<30522x32xf32, #tpu.memory_space<hbm>>) target(%dma_start3A_1006 : memref<100x32xf32, #tpu.memory_space<vmem>>) offsets(%dma_start3A_1009 : memref<100xi32, #tpu.memory_space<vmem>>) semaphore(%arg8 : memref<!tpu.dma_semaphore, #tpu.memory_space<semaphore_mem>>)
        %dma_start3A_1013 = arith.constant 0 : i32
        %dma_start3A_1014 = arith.constant 2 : i32
        %dma_start3A_1015 = arith.constant 1 : i32
        %dma_start3A_1016 = arith.constant 0 : i32
        %dma_start3A_1017 = arith.constant 500 : i32
        %dma_start3A_1018 = arith.constant 0 : i32
        %dma_start3A_1019 = tpu.memref_slice %arg6[%dma_start3A_1016, %dma_start3A_1017, %dma_start3A_1018] : memref<2x1600x32xf32, #tpu.memory_space<vmem>> -> memref<1x100x32xf32, #tpu.memory_space<vmem>>
        %dma_start3A_1020 = tpu.memref_squeeze %dma_start3A_1019 : memref<1x100x32xf32, #tpu.memory_space<vmem>> -> memref<100x32xf32, #tpu.memory_space<vmem>>
        %dma_start3A_1021 = arith.constant 0 : i32
        %dma_start3A_1022 = tpu.memref_slice %arg5[%dma_start3A_1013, %dma_start3A_1014, %dma_start3A_1015, %dma_start3A_1021] : memref<2x8x2x100xi32, #tpu.memory_space<vmem>> -> memref<1x1x1x100xi32, #tpu.memory_space<vmem>>
        %dma_start3A_1023 = tpu.memref_squeeze %dma_start3A_1022 : memref<1x1x1x100xi32, #tpu.memory_space<vmem>> -> memref<100xi32, #tpu.memory_space<vmem>>
        %dma_start3A_1024 = arith.constant 0 : i32
        %dma_start3A_1025 = arith.constant 0 : i32
        %dma_start3A_1026 = tpu.memref_slice %arg3[%dma_start3A_1024, %dma_start3A_1025] : memref<30522x32xf32, #tpu.memory_space<hbm>> -> memref<30522x32xf32, #tpu.memory_space<hbm>>
        tpu.enqueue_indirect_dma source(%dma_start3A_1026 : memref<30522x32xf32, #tpu.memory_space<hbm>>) target(%dma_start3A_1020 : memref<100x32xf32, #tpu.memory_space<vmem>>) offsets(%dma_start3A_1023 : memref<100xi32, #tpu.memory_space<vmem>>) semaphore(%arg8 : memref<!tpu.dma_semaphore, #tpu.memory_space<semaphore_mem>>)
        %dma_start3A_1027 = arith.constant 0 : i32
        %dma_start3A_1028 = arith.constant 3 : i32
        %dma_start3A_1029 = arith.constant 0 : i32
        %dma_start3A_1030 = arith.constant 0 : i32
        %dma_start3A_1031 = arith.constant 600 : i32
        %dma_start3A_1032 = arith.constant 0 : i32
        %dma_start3A_1033 = tpu.memref_slice %arg6[%dma_start3A_1030, %dma_start3A_1031, %dma_start3A_1032] : memref<2x1600x32xf32, #tpu.memory_space<vmem>> -> memref<1x100x32xf32, #tpu.memory_space<vmem>>
        %dma_start3A_1034 = tpu.memref_squeeze %dma_start3A_1033 : memref<1x100x32xf32, #tpu.memory_space<vmem>> -> memref<100x32xf32, #tpu.memory_space<vmem>>
        %dma_start3A_1035 = arith.constant 0 : i32
        %dma_start3A_1036 = tpu.memref_slice %arg5[%dma_start3A_1027, %dma_start3A_1028, %dma_start3A_1029, %dma_start3A_1035] : memref<2x8x2x100xi32, #tpu.memory_space<vmem>> -> memref<1x1x1x100xi32, #tpu.memory_space<vmem>>
        %dma_start3A_1037 = tpu.memref_squeeze %dma_start3A_1036 : memref<1x1x1x100xi32, #tpu.memory_space<vmem>> -> memref<100xi32, #tpu.memory_space<vmem>>
        %dma_start3A_1038 = arith.constant 0 : i32
        %dma_start3A_1039 = arith.constant 0 : i32
        %dma_start3A_1040 = tpu.memref_slice %arg3[%dma_start3A_1038, %dma_start3A_1039] : memref<30522x32xf32, #tpu.memory_space<hbm>> -> memref<30522x32xf32, #tpu.memory_space<hbm>>
        tpu.enqueue_indirect_dma source(%dma_start3A_1040 : memref<30522x32xf32, #tpu.memory_space<hbm>>) target(%dma_start3A_1034 : memref<100x32xf32, #tpu.memory_space<vmem>>) offsets(%dma_start3A_1037 : memref<100xi32, #tpu.memory_space<vmem>>) semaphore(%arg8 : memref<!tpu.dma_semaphore, #tpu.memory_space<semaphore_mem>>)
        %dma_start3A_1041 = arith.constant 0 : i32
        %dma_start3A_1042 = arith.constant 3 : i32
        %dma_start3A_1043 = arith.constant 1 : i32
        %dma_start3A_1044 = arith.constant 0 : i32
        %dma_start3A_1045 = arith.constant 700 : i32
        %dma_start3A_1046 = arith.constant 0 : i32
        %dma_start3A_1047 = tpu.memref_slice %arg6[%dma_start3A_1044, %dma_start3A_1045, %dma_start3A_1046] : memref<2x1600x32xf32, #tpu.memory_space<vmem>> -> memref<1x100x32xf32, #tpu.memory_space<vmem>>
        %dma_start3A_1048 = tpu.memref_squeeze %dma_start3A_1047 : memref<1x100x32xf32, #tpu.memory_space<vmem>> -> memref<100x32xf32, #tpu.memory_space<vmem>>
        %dma_start3A_1049 = arith.constant 0 : i32
        %dma_start3A_1050 = tpu.memref_slice %arg5[%dma_start3A_1041, %dma_start3A_1042, %dma_start3A_1043, %dma_start3A_1049] : memref<2x8x2x100xi32, #tpu.memory_space<vmem>> -> memref<1x1x1x100xi32, #tpu.memory_space<vmem>>
        %dma_start3A_1051 = tpu.memref_squeeze %dma_start3A_1050 : memref<1x1x1x100xi32, #tpu.memory_space<vmem>> -> memref<100xi32, #tpu.memory_space<vmem>>
        %dma_start3A_1052 = arith.constant 0 : i32
        %dma_start3A_1053 = arith.constant 0 : i32
        %dma_start3A_1054 = tpu.memref_slice %arg3[%dma_start3A_1052, %dma_start3A_1053] : memref<30522x32xf32, #tpu.memory_space<hbm>> -> memref<30522x32xf32, #tpu.memory_space<hbm>>
        tpu.enqueue_indirect_dma source(%dma_start3A_1054 : memref<30522x32xf32, #tpu.memory_space<hbm>>) target(%dma_start3A_1048 : memref<100x32xf32, #tpu.memory_space<vmem>>) offsets(%dma_start3A_1051 : memref<100xi32, #tpu.memory_space<vmem>>) semaphore(%arg8 : memref<!tpu.dma_semaphore, #tpu.memory_space<semaphore_mem>>)
        %dma_start3A_1055 = arith.constant 0 : i32
        %dma_start3A_1056 = arith.constant 4 : i32
        %dma_start3A_1057 = arith.constant 0 : i32
        %dma_start3A_1058 = arith.constant 0 : i32
        %dma_start3A_1059 = arith.constant 800 : i32
        %dma_start3A_1060 = arith.constant 0 : i32
        %dma_start3A_1061 = tpu.memref_slice %arg6[%dma_start3A_1058, %dma_start3A_1059, %dma_start3A_1060] : memref<2x1600x32xf32, #tpu.memory_space<vmem>> -> memref<1x100x32xf32, #tpu.memory_space<vmem>>
        %dma_start3A_1062 = tpu.memref_squeeze %dma_start3A_1061 : memref<1x100x32xf32, #tpu.memory_space<vmem>> -> memref<100x32xf32, #tpu.memory_space<vmem>>
        %dma_start3A_1063 = arith.constant 0 : i32
        %dma_start3A_1064 = tpu.memref_slice %arg5[%dma_start3A_1055, %dma_start3A_1056, %dma_start3A_1057, %dma_start3A_1063] : memref<2x8x2x100xi32, #tpu.memory_space<vmem>> -> memref<1x1x1x100xi32, #tpu.memory_space<vmem>>
        %dma_start3A_1065 = tpu.memref_squeeze %dma_start3A_1064 : memref<1x1x1x100xi32, #tpu.memory_space<vmem>> -> memref<100xi32, #tpu.memory_space<vmem>>
        %dma_start3A_1066 = arith.constant 0 : i32
        %dma_start3A_1067 = arith.constant 0 : i32
        %dma_start3A_1068 = tpu.memref_slice %arg3[%dma_start3A_1066, %dma_start3A_1067] : memref<30522x32xf32, #tpu.memory_space<hbm>> -> memref<30522x32xf32, #tpu.memory_space<hbm>>
        tpu.enqueue_indirect_dma source(%dma_start3A_1068 : memref<30522x32xf32, #tpu.memory_space<hbm>>) target(%dma_start3A_1062 : memref<100x32xf32, #tpu.memory_space<vmem>>) offsets(%dma_start3A_1065 : memref<100xi32, #tpu.memory_space<vmem>>) semaphore(%arg8 : memref<!tpu.dma_semaphore, #tpu.memory_space<semaphore_mem>>)
        %dma_start3A_1069 = arith.constant 0 : i32
        %dma_start3A_1070 = arith.constant 4 : i32
        %dma_start3A_1071 = arith.constant 1 : i32
        %dma_start3A_1072 = arith.constant 0 : i32
        %dma_start3A_1073 = arith.constant 900 : i32
        %dma_start3A_1074 = arith.constant 0 : i32
        %dma_start3A_1075 = tpu.memref_slice %arg6[%dma_start3A_1072, %dma_start3A_1073, %dma_start3A_1074] : memref<2x1600x32xf32, #tpu.memory_space<vmem>> -> memref<1x100x32xf32, #tpu.memory_space<vmem>>
        %dma_start3A_1076 = tpu.memref_squeeze %dma_start3A_1075 : memref<1x100x32xf32, #tpu.memory_space<vmem>> -> memref<100x32xf32, #tpu.memory_space<vmem>>
        %dma_start3A_1077 = arith.constant 0 : i32
        %dma_start3A_1078 = tpu.memref_slice %arg5[%dma_start3A_1069, %dma_start3A_1070, %dma_start3A_1071, %dma_start3A_1077] : memref<2x8x2x100xi32, #tpu.memory_space<vmem>> -> memref<1x1x1x100xi32, #tpu.memory_space<vmem>>
        %dma_start3A_1079 = tpu.memref_squeeze %dma_start3A_1078 : memref<1x1x1x100xi32, #tpu.memory_space<vmem>> -> memref<100xi32, #tpu.memory_space<vmem>>
        %dma_start3A_1080 = arith.constant 0 : i32
        %dma_start3A_1081 = arith.constant 0 : i32
        %dma_start3A_1082 = tpu.memref_slice %arg3[%dma_start3A_1080, %dma_start3A_1081] : memref<30522x32xf32, #tpu.memory_space<hbm>> -> memref<30522x32xf32, #tpu.memory_space<hbm>>
        tpu.enqueue_indirect_dma source(%dma_start3A_1082 : memref<30522x32xf32, #tpu.memory_space<hbm>>) target(%dma_start3A_1076 : memref<100x32xf32, #tpu.memory_space<vmem>>) offsets(%dma_start3A_1079 : memref<100xi32, #tpu.memory_space<vmem>>) semaphore(%arg8 : memref<!tpu.dma_semaphore, #tpu.memory_space<semaphore_mem>>)
        %dma_start3A_1083 = arith.constant 0 : i32
        %dma_start3A_1084 = arith.constant 5 : i32
        %dma_start3A_1085 = arith.constant 0 : i32
        %dma_start3A_1086 = arith.constant 0 : i32
        %dma_start3A_1087 = arith.constant 1000 : i32
        %dma_start3A_1088 = arith.constant 0 : i32
        %dma_start3A_1089 = tpu.memref_slice %arg6[%dma_start3A_1086, %dma_start3A_1087, %dma_start3A_1088] : memref<2x1600x32xf32, #tpu.memory_space<vmem>> -> memref<1x100x32xf32, #tpu.memory_space<vmem>>
        %dma_start3A_1090 = tpu.memref_squeeze %dma_start3A_1089 : memref<1x100x32xf32, #tpu.memory_space<vmem>> -> memref<100x32xf32, #tpu.memory_space<vmem>>
        %dma_start3A_1091 = arith.constant 0 : i32
        %dma_start3A_1092 = tpu.memref_slice %arg5[%dma_start3A_1083, %dma_start3A_1084, %dma_start3A_1085, %dma_start3A_1091] : memref<2x8x2x100xi32, #tpu.memory_space<vmem>> -> memref<1x1x1x100xi32, #tpu.memory_space<vmem>>
        %dma_start3A_1093 = tpu.memref_squeeze %dma_start3A_1092 : memref<1x1x1x100xi32, #tpu.memory_space<vmem>> -> memref<100xi32, #tpu.memory_space<vmem>>
        %dma_start3A_1094 = arith.constant 0 : i32
        %dma_start3A_1095 = arith.constant 0 : i32
        %dma_start3A_1096 = tpu.memref_slice %arg3[%dma_start3A_1094, %dma_start3A_1095] : memref<30522x32xf32, #tpu.memory_space<hbm>> -> memref<30522x32xf32, #tpu.memory_space<hbm>>
        tpu.enqueue_indirect_dma source(%dma_start3A_1096 : memref<30522x32xf32, #tpu.memory_space<hbm>>) target(%dma_start3A_1090 : memref<100x32xf32, #tpu.memory_space<vmem>>) offsets(%dma_start3A_1093 : memref<100xi32, #tpu.memory_space<vmem>>) semaphore(%arg8 : memref<!tpu.dma_semaphore, #tpu.memory_space<semaphore_mem>>)
        %dma_start3A_1097 = arith.constant 0 : i32
        %dma_start3A_1098 = arith.constant 5 : i32
        %dma_start3A_1099 = arith.constant 1 : i32
        %dma_start3A_1100 = arith.constant 0 : i32
        %dma_start3A_1101 = arith.constant 1100 : i32
        %dma_start3A_1102 = arith.constant 0 : i32
        %dma_start3A_1103 = tpu.memref_slice %arg6[%dma_start3A_1100, %dma_start3A_1101, %dma_start3A_1102] : memref<2x1600x32xf32, #tpu.memory_space<vmem>> -> memref<1x100x32xf32, #tpu.memory_space<vmem>>
        %dma_start3A_1104 = tpu.memref_squeeze %dma_start3A_1103 : memref<1x100x32xf32, #tpu.memory_space<vmem>> -> memref<100x32xf32, #tpu.memory_space<vmem>>
        %dma_start3A_1105 = arith.constant 0 : i32
        %dma_start3A_1106 = tpu.memref_slice %arg5[%dma_start3A_1097, %dma_start3A_1098, %dma_start3A_1099, %dma_start3A_1105] : memref<2x8x2x100xi32, #tpu.memory_space<vmem>> -> memref<1x1x1x100xi32, #tpu.memory_space<vmem>>
        %dma_start3A_1107 = tpu.memref_squeeze %dma_start3A_1106 : memref<1x1x1x100xi32, #tpu.memory_space<vmem>> -> memref<100xi32, #tpu.memory_space<vmem>>
        %dma_start3A_1108 = arith.constant 0 : i32
        %dma_start3A_1109 = arith.constant 0 : i32
        %dma_start3A_1110 = tpu.memref_slice %arg3[%dma_start3A_1108, %dma_start3A_1109] : memref<30522x32xf32, #tpu.memory_space<hbm>> -> memref<30522x32xf32, #tpu.memory_space<hbm>>
        tpu.enqueue_indirect_dma source(%dma_start3A_1110 : memref<30522x32xf32, #tpu.memory_space<hbm>>) target(%dma_start3A_1104 : memref<100x32xf32, #tpu.memory_space<vmem>>) offsets(%dma_start3A_1107 : memref<100xi32, #tpu.memory_space<vmem>>) semaphore(%arg8 : memref<!tpu.dma_semaphore, #tpu.memory_space<semaphore_mem>>)
        %dma_start3A_1111 = arith.constant 0 : i32
        %dma_start3A_1112 = arith.constant 6 : i32
        %dma_start3A_1113 = arith.constant 0 : i32
        %dma_start3A_1114 = arith.constant 0 : i32
        %dma_start3A_1115 = arith.constant 1200 : i32
        %dma_start3A_1116 = arith.constant 0 : i32
        %dma_start3A_1117 = tpu.memref_slice %arg6[%dma_start3A_1114, %dma_start3A_1115, %dma_start3A_1116] : memref<2x1600x32xf32, #tpu.memory_space<vmem>> -> memref<1x100x32xf32, #tpu.memory_space<vmem>>
        %dma_start3A_1118 = tpu.memref_squeeze %dma_start3A_1117 : memref<1x100x32xf32, #tpu.memory_space<vmem>> -> memref<100x32xf32, #tpu.memory_space<vmem>>
        %dma_start3A_1119 = arith.constant 0 : i32
        %dma_start3A_1120 = tpu.memref_slice %arg5[%dma_start3A_1111, %dma_start3A_1112, %dma_start3A_1113, %dma_start3A_1119] : memref<2x8x2x100xi32, #tpu.memory_space<vmem>> -> memref<1x1x1x100xi32, #tpu.memory_space<vmem>>
        %dma_start3A_1121 = tpu.memref_squeeze %dma_start3A_1120 : memref<1x1x1x100xi32, #tpu.memory_space<vmem>> -> memref<100xi32, #tpu.memory_space<vmem>>
        %dma_start3A_1122 = arith.constant 0 : i32
        %dma_start3A_1123 = arith.constant 0 : i32
        %dma_start3A_1124 = tpu.memref_slice %arg3[%dma_start3A_1122, %dma_start3A_1123] : memref<30522x32xf32, #tpu.memory_space<hbm>> -> memref<30522x32xf32, #tpu.memory_space<hbm>>
        tpu.enqueue_indirect_dma source(%dma_start3A_1124 : memref<30522x32xf32, #tpu.memory_space<hbm>>) target(%dma_start3A_1118 : memref<100x32xf32, #tpu.memory_space<vmem>>) offsets(%dma_start3A_1121 : memref<100xi32, #tpu.memory_space<vmem>>) semaphore(%arg8 : memref<!tpu.dma_semaphore, #tpu.memory_space<semaphore_mem>>)
        %dma_start3A_1125 = arith.constant 0 : i32
        %dma_start3A_1126 = arith.constant 6 : i32
        %dma_start3A_1127 = arith.constant 1 : i32
        %dma_start3A_1128 = arith.constant 0 : i32
        %dma_start3A_1129 = arith.constant 1300 : i32
        %dma_start3A_1130 = arith.constant 0 : i32
        %dma_start3A_1131 = tpu.memref_slice %arg6[%dma_start3A_1128, %dma_start3A_1129, %dma_start3A_1130] : memref<2x1600x32xf32, #tpu.memory_space<vmem>> -> memref<1x100x32xf32, #tpu.memory_space<vmem>>
        %dma_start3A_1132 = tpu.memref_squeeze %dma_start3A_1131 : memref<1x100x32xf32, #tpu.memory_space<vmem>> -> memref<100x32xf32, #tpu.memory_space<vmem>>
        %dma_start3A_1133 = arith.constant 0 : i32
        %dma_start3A_1134 = tpu.memref_slice %arg5[%dma_start3A_1125, %dma_start3A_1126, %dma_start3A_1127, %dma_start3A_1133] : memref<2x8x2x100xi32, #tpu.memory_space<vmem>> -> memref<1x1x1x100xi32, #tpu.memory_space<vmem>>
        %dma_start3A_1135 = tpu.memref_squeeze %dma_start3A_1134 : memref<1x1x1x100xi32, #tpu.memory_space<vmem>> -> memref<100xi32, #tpu.memory_space<vmem>>
        %dma_start3A_1136 = arith.constant 0 : i32
        %dma_start3A_1137 = arith.constant 0 : i32
        %dma_start3A_1138 = tpu.memref_slice %arg3[%dma_start3A_1136, %dma_start3A_1137] : memref<30522x32xf32, #tpu.memory_space<hbm>> -> memref<30522x32xf32, #tpu.memory_space<hbm>>
        tpu.enqueue_indirect_dma source(%dma_start3A_1138 : memref<30522x32xf32, #tpu.memory_space<hbm>>) target(%dma_start3A_1132 : memref<100x32xf32, #tpu.memory_space<vmem>>) offsets(%dma_start3A_1135 : memref<100xi32, #tpu.memory_space<vmem>>) semaphore(%arg8 : memref<!tpu.dma_semaphore, #tpu.memory_space<semaphore_mem>>)
        %dma_start3A_1139 = arith.constant 0 : i32
        %dma_start3A_1140 = arith.constant 7 : i32
        %dma_start3A_1141 = arith.constant 0 : i32
        %dma_start3A_1142 = arith.constant 0 : i32
        %dma_start3A_1143 = arith.constant 1400 : i32
        %dma_start3A_1144 = arith.constant 0 : i32
        %dma_start3A_1145 = tpu.memref_slice %arg6[%dma_start3A_1142, %dma_start3A_1143, %dma_start3A_1144] : memref<2x1600x32xf32, #tpu.memory_space<vmem>> -> memref<1x100x32xf32, #tpu.memory_space<vmem>>
        %dma_start3A_1146 = tpu.memref_squeeze %dma_start3A_1145 : memref<1x100x32xf32, #tpu.memory_space<vmem>> -> memref<100x32xf32, #tpu.memory_space<vmem>>
        %dma_start3A_1147 = arith.constant 0 : i32
        %dma_start3A_1148 = tpu.memref_slice %arg5[%dma_start3A_1139, %dma_start3A_1140, %dma_start3A_1141, %dma_start3A_1147] : memref<2x8x2x100xi32, #tpu.memory_space<vmem>> -> memref<1x1x1x100xi32, #tpu.memory_space<vmem>>
        %dma_start3A_1149 = tpu.memref_squeeze %dma_start3A_1148 : memref<1x1x1x100xi32, #tpu.memory_space<vmem>> -> memref<100xi32, #tpu.memory_space<vmem>>
        %dma_start3A_1150 = arith.constant 0 : i32
        %dma_start3A_1151 = arith.constant 0 : i32
        %dma_start3A_1152 = tpu.memref_slice %arg3[%dma_start3A_1150, %dma_start3A_1151] : memref<30522x32xf32, #tpu.memory_space<hbm>> -> memref<30522x32xf32, #tpu.memory_space<hbm>>
        tpu.enqueue_indirect_dma source(%dma_start3A_1152 : memref<30522x32xf32, #tpu.memory_space<hbm>>) target(%dma_start3A_1146 : memref<100x32xf32, #tpu.memory_space<vmem>>) offsets(%dma_start3A_1149 : memref<100xi32, #tpu.memory_space<vmem>>) semaphore(%arg8 : memref<!tpu.dma_semaphore, #tpu.memory_space<semaphore_mem>>)
        %dma_start3A_1153 = arith.constant 0 : i32
        %dma_start3A_1154 = arith.constant 7 : i32
        %dma_start3A_1155 = arith.constant 1 : i32
        %dma_start3A_1156 = arith.constant 0 : i32
        %dma_start3A_1157 = arith.constant 1500 : i32
        %dma_start3A_1158 = arith.constant 0 : i32
        %dma_start3A_1159 = tpu.memref_slice %arg6[%dma_start3A_1156, %dma_start3A_1157, %dma_start3A_1158] : memref<2x1600x32xf32, #tpu.memory_space<vmem>> -> memref<1x100x32xf32, #tpu.memory_space<vmem>>
        %dma_start3A_1160 = tpu.memref_squeeze %dma_start3A_1159 : memref<1x100x32xf32, #tpu.memory_space<vmem>> -> memref<100x32xf32, #tpu.memory_space<vmem>>
        %dma_start3A_1161 = arith.constant 0 : i32
        %dma_start3A_1162 = tpu.memref_slice %arg5[%dma_start3A_1153, %dma_start3A_1154, %dma_start3A_1155, %dma_start3A_1161] : memref<2x8x2x100xi32, #tpu.memory_space<vmem>> -> memref<1x1x1x100xi32, #tpu.memory_space<vmem>>
        %dma_start3A_1163 = tpu.memref_squeeze %dma_start3A_1162 : memref<1x1x1x100xi32, #tpu.memory_space<vmem>> -> memref<100xi32, #tpu.memory_space<vmem>>
        %dma_start3A_1164 = arith.constant 0 : i32
        %dma_start3A_1165 = arith.constant 0 : i32
        %dma_start3A_1166 = tpu.memref_slice %arg3[%dma_start3A_1164, %dma_start3A_1165] : memref<30522x32xf32, #tpu.memory_space<hbm>> -> memref<30522x32xf32, #tpu.memory_space<hbm>>
        tpu.enqueue_indirect_dma source(%dma_start3A_1166 : memref<30522x32xf32, #tpu.memory_space<hbm>>) target(%dma_start3A_1160 : memref<100x32xf32, #tpu.memory_space<vmem>>) offsets(%dma_start3A_1163 : memref<100xi32, #tpu.memory_space<vmem>>) semaphore(%arg8 : memref<!tpu.dma_semaphore, #tpu.memory_space<semaphore_mem>>)
      } else {
      }
      %dma_wait3A_703 = arith.constant 1 : i32
      %dma_wait3A_704 = arith.constant 0 : i32
      %dma_wait3A_705 = arith.constant 0 : i32
      %dma_wait3A_706 = arith.constant 1 : i32
      %dma_wait3A_707 = arith.constant 0 : i32
      %dma_wait3A_708 = arith.constant 0 : i32
      %dma_wait3A_709 = tpu.memref_slice %arg6[%dma_wait3A_706, %dma_wait3A_707, %dma_wait3A_708] : memref<2x1600x32xf32, #tpu.memory_space<vmem>> -> memref<1x100x32xf32, #tpu.memory_space<vmem>>
      %dma_wait3A_710 = tpu.memref_squeeze %dma_wait3A_709 : memref<1x100x32xf32, #tpu.memory_space<vmem>> -> memref<100x32xf32, #tpu.memory_space<vmem>>
      %dma_wait3A_711 = arith.constant 0 : i32
      %dma_wait3A_712 = tpu.memref_slice %arg5[%dma_wait3A_703, %dma_wait3A_704, %dma_wait3A_705, %dma_wait3A_711] : memref<2x8x2x100xi32, #tpu.memory_space<vmem>> -> memref<1x1x1x100xi32, #tpu.memory_space<vmem>>
      %dma_wait3A_713 = tpu.memref_squeeze %dma_wait3A_712 : memref<1x1x1x100xi32, #tpu.memory_space<vmem>> -> memref<100xi32, #tpu.memory_space<vmem>>
      %dma_wait3A_714 = arith.constant 0 : i32
      %dma_wait3A_715 = arith.constant 0 : i32
      %dma_wait3A_716 = tpu.memref_slice %arg3[%dma_wait3A_714, %dma_wait3A_715] : memref<30522x32xf32, #tpu.memory_space<hbm>> -> memref<30522x32xf32, #tpu.memory_space<hbm>>
      tpu.wait_indirect_dma semaphore(%arg9 : memref<!tpu.dma_semaphore, #tpu.memory_space<semaphore_mem>>) src(%dma_wait3A_716 : memref<30522x32xf32, #tpu.memory_space<hbm>>) dst(%dma_wait3A_710 : memref<100x32xf32, #tpu.memory_space<vmem>>)
      %dma_wait3A_717 = arith.constant 1 : i32
      %dma_wait3A_718 = arith.constant 0 : i32
      %dma_wait3A_719 = arith.constant 1 : i32
      %dma_wait3A_720 = arith.constant 1 : i32
      %dma_wait3A_721 = arith.constant 100 : i32
      %dma_wait3A_722 = arith.constant 0 : i32
      %dma_wait3A_723 = tpu.memref_slice %arg6[%dma_wait3A_720, %dma_wait3A_721, %dma_wait3A_722] : memref<2x1600x32xf32, #tpu.memory_space<vmem>> -> memref<1x100x32xf32, #tpu.memory_space<vmem>>
      %dma_wait3A_724 = tpu.memref_squeeze %dma_wait3A_723 : memref<1x100x32xf32, #tpu.memory_space<vmem>> -> memref<100x32xf32, #tpu.memory_space<vmem>>
      %dma_wait3A_725 = arith.constant 0 : i32
      %dma_wait3A_726 = tpu.memref_slice %arg5[%dma_wait3A_717, %dma_wait3A_718, %dma_wait3A_719, %dma_wait3A_725] : memref<2x8x2x100xi32, #tpu.memory_space<vmem>> -> memref<1x1x1x100xi32, #tpu.memory_space<vmem>>
      %dma_wait3A_727 = tpu.memref_squeeze %dma_wait3A_726 : memref<1x1x1x100xi32, #tpu.memory_space<vmem>> -> memref<100xi32, #tpu.memory_space<vmem>>
      %dma_wait3A_728 = arith.constant 0 : i32
      %dma_wait3A_729 = arith.constant 0 : i32
      %dma_wait3A_730 = tpu.memref_slice %arg3[%dma_wait3A_728, %dma_wait3A_729] : memref<30522x32xf32, #tpu.memory_space<hbm>> -> memref<30522x32xf32, #tpu.memory_space<hbm>>
      tpu.wait_indirect_dma semaphore(%arg9 : memref<!tpu.dma_semaphore, #tpu.memory_space<semaphore_mem>>) src(%dma_wait3A_730 : memref<30522x32xf32, #tpu.memory_space<hbm>>) dst(%dma_wait3A_724 : memref<100x32xf32, #tpu.memory_space<vmem>>)
      %dma_wait3A_731 = arith.constant 1 : i32
      %dma_wait3A_732 = arith.constant 1 : i32
      %dma_wait3A_733 = arith.constant 0 : i32
      %dma_wait3A_734 = arith.constant 1 : i32
      %dma_wait3A_735 = arith.constant 200 : i32
      %dma_wait3A_736 = arith.constant 0 : i32
      %dma_wait3A_737 = tpu.memref_slice %arg6[%dma_wait3A_734, %dma_wait3A_735, %dma_wait3A_736] : memref<2x1600x32xf32, #tpu.memory_space<vmem>> -> memref<1x100x32xf32, #tpu.memory_space<vmem>>
      %dma_wait3A_738 = tpu.memref_squeeze %dma_wait3A_737 : memref<1x100x32xf32, #tpu.memory_space<vmem>> -> memref<100x32xf32, #tpu.memory_space<vmem>>
      %dma_wait3A_739 = arith.constant 0 : i32
      %dma_wait3A_740 = tpu.memref_slice %arg5[%dma_wait3A_731, %dma_wait3A_732, %dma_wait3A_733, %dma_wait3A_739] : memref<2x8x2x100xi32, #tpu.memory_space<vmem>> -> memref<1x1x1x100xi32, #tpu.memory_space<vmem>>
      %dma_wait3A_741 = tpu.memref_squeeze %dma_wait3A_740 : memref<1x1x1x100xi32, #tpu.memory_space<vmem>> -> memref<100xi32, #tpu.memory_space<vmem>>
      %dma_wait3A_742 = arith.constant 0 : i32
      %dma_wait3A_743 = arith.constant 0 : i32
      %dma_wait3A_744 = tpu.memref_slice %arg3[%dma_wait3A_742, %dma_wait3A_743] : memref<30522x32xf32, #tpu.memory_space<hbm>> -> memref<30522x32xf32, #tpu.memory_space<hbm>>
      tpu.wait_indirect_dma semaphore(%arg9 : memref<!tpu.dma_semaphore, #tpu.memory_space<semaphore_mem>>) src(%dma_wait3A_744 : memref<30522x32xf32, #tpu.memory_space<hbm>>) dst(%dma_wait3A_738 : memref<100x32xf32, #tpu.memory_space<vmem>>)
      %dma_wait3A_745 = arith.constant 1 : i32
      %dma_wait3A_746 = arith.constant 1 : i32
      %dma_wait3A_747 = arith.constant 1 : i32
      %dma_wait3A_748 = arith.constant 1 : i32
      %dma_wait3A_749 = arith.constant 300 : i32
      %dma_wait3A_750 = arith.constant 0 : i32
      %dma_wait3A_751 = tpu.memref_slice %arg6[%dma_wait3A_748, %dma_wait3A_749, %dma_wait3A_750] : memref<2x1600x32xf32, #tpu.memory_space<vmem>> -> memref<1x100x32xf32, #tpu.memory_space<vmem>>
      %dma_wait3A_752 = tpu.memref_squeeze %dma_wait3A_751 : memref<1x100x32xf32, #tpu.memory_space<vmem>> -> memref<100x32xf32, #tpu.memory_space<vmem>>
      %dma_wait3A_753 = arith.constant 0 : i32
      %dma_wait3A_754 = tpu.memref_slice %arg5[%dma_wait3A_745, %dma_wait3A_746, %dma_wait3A_747, %dma_wait3A_753] : memref<2x8x2x100xi32, #tpu.memory_space<vmem>> -> memref<1x1x1x100xi32, #tpu.memory_space<vmem>>
      %dma_wait3A_755 = tpu.memref_squeeze %dma_wait3A_754 : memref<1x1x1x100xi32, #tpu.memory_space<vmem>> -> memref<100xi32, #tpu.memory_space<vmem>>
      %dma_wait3A_756 = arith.constant 0 : i32
      %dma_wait3A_757 = arith.constant 0 : i32
      %dma_wait3A_758 = tpu.memref_slice %arg3[%dma_wait3A_756, %dma_wait3A_757] : memref<30522x32xf32, #tpu.memory_space<hbm>> -> memref<30522x32xf32, #tpu.memory_space<hbm>>
      tpu.wait_indirect_dma semaphore(%arg9 : memref<!tpu.dma_semaphore, #tpu.memory_space<semaphore_mem>>) src(%dma_wait3A_758 : memref<30522x32xf32, #tpu.memory_space<hbm>>) dst(%dma_wait3A_752 : memref<100x32xf32, #tpu.memory_space<vmem>>)
      %dma_wait3A_759 = arith.constant 1 : i32
      %dma_wait3A_760 = arith.constant 2 : i32
      %dma_wait3A_761 = arith.constant 0 : i32
      %dma_wait3A_762 = arith.constant 1 : i32
      %dma_wait3A_763 = arith.constant 400 : i32
      %dma_wait3A_764 = arith.constant 0 : i32
      %dma_wait3A_765 = tpu.memref_slice %arg6[%dma_wait3A_762, %dma_wait3A_763, %dma_wait3A_764] : memref<2x1600x32xf32, #tpu.memory_space<vmem>> -> memref<1x100x32xf32, #tpu.memory_space<vmem>>
      %dma_wait3A_766 = tpu.memref_squeeze %dma_wait3A_765 : memref<1x100x32xf32, #tpu.memory_space<vmem>> -> memref<100x32xf32, #tpu.memory_space<vmem>>
      %dma_wait3A_767 = arith.constant 0 : i32
      %dma_wait3A_768 = tpu.memref_slice %arg5[%dma_wait3A_759, %dma_wait3A_760, %dma_wait3A_761, %dma_wait3A_767] : memref<2x8x2x100xi32, #tpu.memory_space<vmem>> -> memref<1x1x1x100xi32, #tpu.memory_space<vmem>>
      %dma_wait3A_769 = tpu.memref_squeeze %dma_wait3A_768 : memref<1x1x1x100xi32, #tpu.memory_space<vmem>> -> memref<100xi32, #tpu.memory_space<vmem>>
      %dma_wait3A_770 = arith.constant 0 : i32
      %dma_wait3A_771 = arith.constant 0 : i32
      %dma_wait3A_772 = tpu.memref_slice %arg3[%dma_wait3A_770, %dma_wait3A_771] : memref<30522x32xf32, #tpu.memory_space<hbm>> -> memref<30522x32xf32, #tpu.memory_space<hbm>>
      tpu.wait_indirect_dma semaphore(%arg9 : memref<!tpu.dma_semaphore, #tpu.memory_space<semaphore_mem>>) src(%dma_wait3A_772 : memref<30522x32xf32, #tpu.memory_space<hbm>>) dst(%dma_wait3A_766 : memref<100x32xf32, #tpu.memory_space<vmem>>)
      %dma_wait3A_773 = arith.constant 1 : i32
      %dma_wait3A_774 = arith.constant 2 : i32
      %dma_wait3A_775 = arith.constant 1 : i32
      %dma_wait3A_776 = arith.constant 1 : i32
      %dma_wait3A_777 = arith.constant 500 : i32
      %dma_wait3A_778 = arith.constant 0 : i32
      %dma_wait3A_779 = tpu.memref_slice %arg6[%dma_wait3A_776, %dma_wait3A_777, %dma_wait3A_778] : memref<2x1600x32xf32, #tpu.memory_space<vmem>> -> memref<1x100x32xf32, #tpu.memory_space<vmem>>
      %dma_wait3A_780 = tpu.memref_squeeze %dma_wait3A_779 : memref<1x100x32xf32, #tpu.memory_space<vmem>> -> memref<100x32xf32, #tpu.memory_space<vmem>>
      %dma_wait3A_781 = arith.constant 0 : i32
      %dma_wait3A_782 = tpu.memref_slice %arg5[%dma_wait3A_773, %dma_wait3A_774, %dma_wait3A_775, %dma_wait3A_781] : memref<2x8x2x100xi32, #tpu.memory_space<vmem>> -> memref<1x1x1x100xi32, #tpu.memory_space<vmem>>
      %dma_wait3A_783 = tpu.memref_squeeze %dma_wait3A_782 : memref<1x1x1x100xi32, #tpu.memory_space<vmem>> -> memref<100xi32, #tpu.memory_space<vmem>>
      %dma_wait3A_784 = arith.constant 0 : i32
      %dma_wait3A_785 = arith.constant 0 : i32
      %dma_wait3A_786 = tpu.memref_slice %arg3[%dma_wait3A_784, %dma_wait3A_785] : memref<30522x32xf32, #tpu.memory_space<hbm>> -> memref<30522x32xf32, #tpu.memory_space<hbm>>
      tpu.wait_indirect_dma semaphore(%arg9 : memref<!tpu.dma_semaphore, #tpu.memory_space<semaphore_mem>>) src(%dma_wait3A_786 : memref<30522x32xf32, #tpu.memory_space<hbm>>) dst(%dma_wait3A_780 : memref<100x32xf32, #tpu.memory_space<vmem>>)
      %dma_wait3A_787 = arith.constant 1 : i32
      %dma_wait3A_788 = arith.constant 3 : i32
      %dma_wait3A_789 = arith.constant 0 : i32
      %dma_wait3A_790 = arith.constant 1 : i32
      %dma_wait3A_791 = arith.constant 600 : i32
      %dma_wait3A_792 = arith.constant 0 : i32
      %dma_wait3A_793 = tpu.memref_slice %arg6[%dma_wait3A_790, %dma_wait3A_791, %dma_wait3A_792] : memref<2x1600x32xf32, #tpu.memory_space<vmem>> -> memref<1x100x32xf32, #tpu.memory_space<vmem>>
      %dma_wait3A_794 = tpu.memref_squeeze %dma_wait3A_793 : memref<1x100x32xf32, #tpu.memory_space<vmem>> -> memref<100x32xf32, #tpu.memory_space<vmem>>
      %dma_wait3A_795 = arith.constant 0 : i32
      %dma_wait3A_796 = tpu.memref_slice %arg5[%dma_wait3A_787, %dma_wait3A_788, %dma_wait3A_789, %dma_wait3A_795] : memref<2x8x2x100xi32, #tpu.memory_space<vmem>> -> memref<1x1x1x100xi32, #tpu.memory_space<vmem>>
      %dma_wait3A_797 = tpu.memref_squeeze %dma_wait3A_796 : memref<1x1x1x100xi32, #tpu.memory_space<vmem>> -> memref<100xi32, #tpu.memory_space<vmem>>
      %dma_wait3A_798 = arith.constant 0 : i32
      %dma_wait3A_799 = arith.constant 0 : i32
      %dma_wait3A_800 = tpu.memref_slice %arg3[%dma_wait3A_798, %dma_wait3A_799] : memref<30522x32xf32, #tpu.memory_space<hbm>> -> memref<30522x32xf32, #tpu.memory_space<hbm>>
      tpu.wait_indirect_dma semaphore(%arg9 : memref<!tpu.dma_semaphore, #tpu.memory_space<semaphore_mem>>) src(%dma_wait3A_800 : memref<30522x32xf32, #tpu.memory_space<hbm>>) dst(%dma_wait3A_794 : memref<100x32xf32, #tpu.memory_space<vmem>>)
      %dma_wait3A_801 = arith.constant 1 : i32
      %dma_wait3A_802 = arith.constant 3 : i32
      %dma_wait3A_803 = arith.constant 1 : i32
      %dma_wait3A_804 = arith.constant 1 : i32
      %dma_wait3A_805 = arith.constant 700 : i32
      %dma_wait3A_806 = arith.constant 0 : i32
      %dma_wait3A_807 = tpu.memref_slice %arg6[%dma_wait3A_804, %dma_wait3A_805, %dma_wait3A_806] : memref<2x1600x32xf32, #tpu.memory_space<vmem>> -> memref<1x100x32xf32, #tpu.memory_space<vmem>>
      %dma_wait3A_808 = tpu.memref_squeeze %dma_wait3A_807 : memref<1x100x32xf32, #tpu.memory_space<vmem>> -> memref<100x32xf32, #tpu.memory_space<vmem>>
      %dma_wait3A_809 = arith.constant 0 : i32
      %dma_wait3A_810 = tpu.memref_slice %arg5[%dma_wait3A_801, %dma_wait3A_802, %dma_wait3A_803, %dma_wait3A_809] : memref<2x8x2x100xi32, #tpu.memory_space<vmem>> -> memref<1x1x1x100xi32, #tpu.memory_space<vmem>>
      %dma_wait3A_811 = tpu.memref_squeeze %dma_wait3A_810 : memref<1x1x1x100xi32, #tpu.memory_space<vmem>> -> memref<100xi32, #tpu.memory_space<vmem>>
      %dma_wait3A_812 = arith.constant 0 : i32
      %dma_wait3A_813 = arith.constant 0 : i32
      %dma_wait3A_814 = tpu.memref_slice %arg3[%dma_wait3A_812, %dma_wait3A_813] : memref<30522x32xf32, #tpu.memory_space<hbm>> -> memref<30522x32xf32, #tpu.memory_space<hbm>>
      tpu.wait_indirect_dma semaphore(%arg9 : memref<!tpu.dma_semaphore, #tpu.memory_space<semaphore_mem>>) src(%dma_wait3A_814 : memref<30522x32xf32, #tpu.memory_space<hbm>>) dst(%dma_wait3A_808 : memref<100x32xf32, #tpu.memory_space<vmem>>)
      %dma_wait3A_815 = arith.constant 1 : i32
      %dma_wait3A_816 = arith.constant 4 : i32
      %dma_wait3A_817 = arith.constant 0 : i32
      %dma_wait3A_818 = arith.constant 1 : i32
      %dma_wait3A_819 = arith.constant 800 : i32
      %dma_wait3A_820 = arith.constant 0 : i32
      %dma_wait3A_821 = tpu.memref_slice %arg6[%dma_wait3A_818, %dma_wait3A_819, %dma_wait3A_820] : memref<2x1600x32xf32, #tpu.memory_space<vmem>> -> memref<1x100x32xf32, #tpu.memory_space<vmem>>
      %dma_wait3A_822 = tpu.memref_squeeze %dma_wait3A_821 : memref<1x100x32xf32, #tpu.memory_space<vmem>> -> memref<100x32xf32, #tpu.memory_space<vmem>>
      %dma_wait3A_823 = arith.constant 0 : i32
      %dma_wait3A_824 = tpu.memref_slice %arg5[%dma_wait3A_815, %dma_wait3A_816, %dma_wait3A_817, %dma_wait3A_823] : memref<2x8x2x100xi32, #tpu.memory_space<vmem>> -> memref<1x1x1x100xi32, #tpu.memory_space<vmem>>
      %dma_wait3A_825 = tpu.memref_squeeze %dma_wait3A_824 : memref<1x1x1x100xi32, #tpu.memory_space<vmem>> -> memref<100xi32, #tpu.memory_space<vmem>>
      %dma_wait3A_826 = arith.constant 0 : i32
      %dma_wait3A_827 = arith.constant 0 : i32
      %dma_wait3A_828 = tpu.memref_slice %arg3[%dma_wait3A_826, %dma_wait3A_827] : memref<30522x32xf32, #tpu.memory_space<hbm>> -> memref<30522x32xf32, #tpu.memory_space<hbm>>
      tpu.wait_indirect_dma semaphore(%arg9 : memref<!tpu.dma_semaphore, #tpu.memory_space<semaphore_mem>>) src(%dma_wait3A_828 : memref<30522x32xf32, #tpu.memory_space<hbm>>) dst(%dma_wait3A_822 : memref<100x32xf32, #tpu.memory_space<vmem>>)
      %dma_wait3A_829 = arith.constant 1 : i32
      %dma_wait3A_830 = arith.constant 4 : i32
      %dma_wait3A_831 = arith.constant 1 : i32
      %dma_wait3A_832 = arith.constant 1 : i32
      %dma_wait3A_833 = arith.constant 900 : i32
      %dma_wait3A_834 = arith.constant 0 : i32
      %dma_wait3A_835 = tpu.memref_slice %arg6[%dma_wait3A_832, %dma_wait3A_833, %dma_wait3A_834] : memref<2x1600x32xf32, #tpu.memory_space<vmem>> -> memref<1x100x32xf32, #tpu.memory_space<vmem>>
      %dma_wait3A_836 = tpu.memref_squeeze %dma_wait3A_835 : memref<1x100x32xf32, #tpu.memory_space<vmem>> -> memref<100x32xf32, #tpu.memory_space<vmem>>
      %dma_wait3A_837 = arith.constant 0 : i32
      %dma_wait3A_838 = tpu.memref_slice %arg5[%dma_wait3A_829, %dma_wait3A_830, %dma_wait3A_831, %dma_wait3A_837] : memref<2x8x2x100xi32, #tpu.memory_space<vmem>> -> memref<1x1x1x100xi32, #tpu.memory_space<vmem>>
      %dma_wait3A_839 = tpu.memref_squeeze %dma_wait3A_838 : memref<1x1x1x100xi32, #tpu.memory_space<vmem>> -> memref<100xi32, #tpu.memory_space<vmem>>
      %dma_wait3A_840 = arith.constant 0 : i32
      %dma_wait3A_841 = arith.constant 0 : i32
      %dma_wait3A_842 = tpu.memref_slice %arg3[%dma_wait3A_840, %dma_wait3A_841] : memref<30522x32xf32, #tpu.memory_space<hbm>> -> memref<30522x32xf32, #tpu.memory_space<hbm>>
      tpu.wait_indirect_dma semaphore(%arg9 : memref<!tpu.dma_semaphore, #tpu.memory_space<semaphore_mem>>) src(%dma_wait3A_842 : memref<30522x32xf32, #tpu.memory_space<hbm>>) dst(%dma_wait3A_836 : memref<100x32xf32, #tpu.memory_space<vmem>>)
      %dma_wait3A_843 = arith.constant 1 : i32
      %dma_wait3A_844 = arith.constant 5 : i32
      %dma_wait3A_845 = arith.constant 0 : i32
      %dma_wait3A_846 = arith.constant 1 : i32
      %dma_wait3A_847 = arith.constant 1000 : i32
      %dma_wait3A_848 = arith.constant 0 : i32
      %dma_wait3A_849 = tpu.memref_slice %arg6[%dma_wait3A_846, %dma_wait3A_847, %dma_wait3A_848] : memref<2x1600x32xf32, #tpu.memory_space<vmem>> -> memref<1x100x32xf32, #tpu.memory_space<vmem>>
      %dma_wait3A_850 = tpu.memref_squeeze %dma_wait3A_849 : memref<1x100x32xf32, #tpu.memory_space<vmem>> -> memref<100x32xf32, #tpu.memory_space<vmem>>
      %dma_wait3A_851 = arith.constant 0 : i32
      %dma_wait3A_852 = tpu.memref_slice %arg5[%dma_wait3A_843, %dma_wait3A_844, %dma_wait3A_845, %dma_wait3A_851] : memref<2x8x2x100xi32, #tpu.memory_space<vmem>> -> memref<1x1x1x100xi32, #tpu.memory_space<vmem>>
      %dma_wait3A_853 = tpu.memref_squeeze %dma_wait3A_852 : memref<1x1x1x100xi32, #tpu.memory_space<vmem>> -> memref<100xi32, #tpu.memory_space<vmem>>
      %dma_wait3A_854 = arith.constant 0 : i32
      %dma_wait3A_855 = arith.constant 0 : i32
      %dma_wait3A_856 = tpu.memref_slice %arg3[%dma_wait3A_854, %dma_wait3A_855] : memref<30522x32xf32, #tpu.memory_space<hbm>> -> memref<30522x32xf32, #tpu.memory_space<hbm>>
      tpu.wait_indirect_dma semaphore(%arg9 : memref<!tpu.dma_semaphore, #tpu.memory_space<semaphore_mem>>) src(%dma_wait3A_856 : memref<30522x32xf32, #tpu.memory_space<hbm>>) dst(%dma_wait3A_850 : memref<100x32xf32, #tpu.memory_space<vmem>>)
      %dma_wait3A_857 = arith.constant 1 : i32
      %dma_wait3A_858 = arith.constant 5 : i32
      %dma_wait3A_859 = arith.constant 1 : i32
      %dma_wait3A_860 = arith.constant 1 : i32
      %dma_wait3A_861 = arith.constant 1100 : i32
      %dma_wait3A_862 = arith.constant 0 : i32
      %dma_wait3A_863 = tpu.memref_slice %arg6[%dma_wait3A_860, %dma_wait3A_861, %dma_wait3A_862] : memref<2x1600x32xf32, #tpu.memory_space<vmem>> -> memref<1x100x32xf32, #tpu.memory_space<vmem>>
      %dma_wait3A_864 = tpu.memref_squeeze %dma_wait3A_863 : memref<1x100x32xf32, #tpu.memory_space<vmem>> -> memref<100x32xf32, #tpu.memory_space<vmem>>
      %dma_wait3A_865 = arith.constant 0 : i32
      %dma_wait3A_866 = tpu.memref_slice %arg5[%dma_wait3A_857, %dma_wait3A_858, %dma_wait3A_859, %dma_wait3A_865] : memref<2x8x2x100xi32, #tpu.memory_space<vmem>> -> memref<1x1x1x100xi32, #tpu.memory_space<vmem>>
      %dma_wait3A_867 = tpu.memref_squeeze %dma_wait3A_866 : memref<1x1x1x100xi32, #tpu.memory_space<vmem>> -> memref<100xi32, #tpu.memory_space<vmem>>
      %dma_wait3A_868 = arith.constant 0 : i32
      %dma_wait3A_869 = arith.constant 0 : i32
      %dma_wait3A_870 = tpu.memref_slice %arg3[%dma_wait3A_868, %dma_wait3A_869] : memref<30522x32xf32, #tpu.memory_space<hbm>> -> memref<30522x32xf32, #tpu.memory_space<hbm>>
      tpu.wait_indirect_dma semaphore(%arg9 : memref<!tpu.dma_semaphore, #tpu.memory_space<semaphore_mem>>) src(%dma_wait3A_870 : memref<30522x32xf32, #tpu.memory_space<hbm>>) dst(%dma_wait3A_864 : memref<100x32xf32, #tpu.memory_space<vmem>>)
      %dma_wait3A_871 = arith.constant 1 : i32
      %dma_wait3A_872 = arith.constant 6 : i32
      %dma_wait3A_873 = arith.constant 0 : i32
      %dma_wait3A_874 = arith.constant 1 : i32
      %dma_wait3A_875 = arith.constant 1200 : i32
      %dma_wait3A_876 = arith.constant 0 : i32
      %dma_wait3A_877 = tpu.memref_slice %arg6[%dma_wait3A_874, %dma_wait3A_875, %dma_wait3A_876] : memref<2x1600x32xf32, #tpu.memory_space<vmem>> -> memref<1x100x32xf32, #tpu.memory_space<vmem>>
      %dma_wait3A_878 = tpu.memref_squeeze %dma_wait3A_877 : memref<1x100x32xf32, #tpu.memory_space<vmem>> -> memref<100x32xf32, #tpu.memory_space<vmem>>
      %dma_wait3A_879 = arith.constant 0 : i32
      %dma_wait3A_880 = tpu.memref_slice %arg5[%dma_wait3A_871, %dma_wait3A_872, %dma_wait3A_873, %dma_wait3A_879] : memref<2x8x2x100xi32, #tpu.memory_space<vmem>> -> memref<1x1x1x100xi32, #tpu.memory_space<vmem>>
      %dma_wait3A_881 = tpu.memref_squeeze %dma_wait3A_880 : memref<1x1x1x100xi32, #tpu.memory_space<vmem>> -> memref<100xi32, #tpu.memory_space<vmem>>
      %dma_wait3A_882 = arith.constant 0 : i32
      %dma_wait3A_883 = arith.constant 0 : i32
      %dma_wait3A_884 = tpu.memref_slice %arg3[%dma_wait3A_882, %dma_wait3A_883] : memref<30522x32xf32, #tpu.memory_space<hbm>> -> memref<30522x32xf32, #tpu.memory_space<hbm>>
      tpu.wait_indirect_dma semaphore(%arg9 : memref<!tpu.dma_semaphore, #tpu.memory_space<semaphore_mem>>) src(%dma_wait3A_884 : memref<30522x32xf32, #tpu.memory_space<hbm>>) dst(%dma_wait3A_878 : memref<100x32xf32, #tpu.memory_space<vmem>>)
      %dma_wait3A_885 = arith.constant 1 : i32
      %dma_wait3A_886 = arith.constant 6 : i32
      %dma_wait3A_887 = arith.constant 1 : i32
      %dma_wait3A_888 = arith.constant 1 : i32
      %dma_wait3A_889 = arith.constant 1300 : i32
      %dma_wait3A_890 = arith.constant 0 : i32
      %dma_wait3A_891 = tpu.memref_slice %arg6[%dma_wait3A_888, %dma_wait3A_889, %dma_wait3A_890] : memref<2x1600x32xf32, #tpu.memory_space<vmem>> -> memref<1x100x32xf32, #tpu.memory_space<vmem>>
      %dma_wait3A_892 = tpu.memref_squeeze %dma_wait3A_891 : memref<1x100x32xf32, #tpu.memory_space<vmem>> -> memref<100x32xf32, #tpu.memory_space<vmem>>
      %dma_wait3A_893 = arith.constant 0 : i32
      %dma_wait3A_894 = tpu.memref_slice %arg5[%dma_wait3A_885, %dma_wait3A_886, %dma_wait3A_887, %dma_wait3A_893] : memref<2x8x2x100xi32, #tpu.memory_space<vmem>> -> memref<1x1x1x100xi32, #tpu.memory_space<vmem>>
      %dma_wait3A_895 = tpu.memref_squeeze %dma_wait3A_894 : memref<1x1x1x100xi32, #tpu.memory_space<vmem>> -> memref<100xi32, #tpu.memory_space<vmem>>
      %dma_wait3A_896 = arith.constant 0 : i32
      %dma_wait3A_897 = arith.constant 0 : i32
      %dma_wait3A_898 = tpu.memref_slice %arg3[%dma_wait3A_896, %dma_wait3A_897] : memref<30522x32xf32, #tpu.memory_space<hbm>> -> memref<30522x32xf32, #tpu.memory_space<hbm>>
      tpu.wait_indirect_dma semaphore(%arg9 : memref<!tpu.dma_semaphore, #tpu.memory_space<semaphore_mem>>) src(%dma_wait3A_898 : memref<30522x32xf32, #tpu.memory_space<hbm>>) dst(%dma_wait3A_892 : memref<100x32xf32, #tpu.memory_space<vmem>>)
      %dma_wait3A_899 = arith.constant 1 : i32
      %dma_wait3A_900 = arith.constant 7 : i32
      %dma_wait3A_901 = arith.constant 0 : i32
      %dma_wait3A_902 = arith.constant 1 : i32
      %dma_wait3A_903 = arith.constant 1400 : i32
      %dma_wait3A_904 = arith.constant 0 : i32
      %dma_wait3A_905 = tpu.memref_slice %arg6[%dma_wait3A_902, %dma_wait3A_903, %dma_wait3A_904] : memref<2x1600x32xf32, #tpu.memory_space<vmem>> -> memref<1x100x32xf32, #tpu.memory_space<vmem>>
      %dma_wait3A_906 = tpu.memref_squeeze %dma_wait3A_905 : memref<1x100x32xf32, #tpu.memory_space<vmem>> -> memref<100x32xf32, #tpu.memory_space<vmem>>
      %dma_wait3A_907 = arith.constant 0 : i32
      %dma_wait3A_908 = tpu.memref_slice %arg5[%dma_wait3A_899, %dma_wait3A_900, %dma_wait3A_901, %dma_wait3A_907] : memref<2x8x2x100xi32, #tpu.memory_space<vmem>> -> memref<1x1x1x100xi32, #tpu.memory_space<vmem>>
      %dma_wait3A_909 = tpu.memref_squeeze %dma_wait3A_908 : memref<1x1x1x100xi32, #tpu.memory_space<vmem>> -> memref<100xi32, #tpu.memory_space<vmem>>
      %dma_wait3A_910 = arith.constant 0 : i32
      %dma_wait3A_911 = arith.constant 0 : i32
      %dma_wait3A_912 = tpu.memref_slice %arg3[%dma_wait3A_910, %dma_wait3A_911] : memref<30522x32xf32, #tpu.memory_space<hbm>> -> memref<30522x32xf32, #tpu.memory_space<hbm>>
      tpu.wait_indirect_dma semaphore(%arg9 : memref<!tpu.dma_semaphore, #tpu.memory_space<semaphore_mem>>) src(%dma_wait3A_912 : memref<30522x32xf32, #tpu.memory_space<hbm>>) dst(%dma_wait3A_906 : memref<100x32xf32, #tpu.memory_space<vmem>>)
      %dma_wait3A_913 = arith.constant 1 : i32
      %dma_wait3A_914 = arith.constant 7 : i32
      %dma_wait3A_915 = arith.constant 1 : i32
      %dma_wait3A_916 = arith.constant 1 : i32
      %dma_wait3A_917 = arith.constant 1500 : i32
      %dma_wait3A_918 = arith.constant 0 : i32
      %dma_wait3A_919 = tpu.memref_slice %arg6[%dma_wait3A_916, %dma_wait3A_917, %dma_wait3A_918] : memref<2x1600x32xf32, #tpu.memory_space<vmem>> -> memref<1x100x32xf32, #tpu.memory_space<vmem>>
      %dma_wait3A_920 = tpu.memref_squeeze %dma_wait3A_919 : memref<1x100x32xf32, #tpu.memory_space<vmem>> -> memref<100x32xf32, #tpu.memory_space<vmem>>
      %dma_wait3A_921 = arith.constant 0 : i32
      %dma_wait3A_922 = tpu.memref_slice %arg5[%dma_wait3A_913, %dma_wait3A_914, %dma_wait3A_915, %dma_wait3A_921] : memref<2x8x2x100xi32, #tpu.memory_space<vmem>> -> memref<1x1x1x100xi32, #tpu.memory_space<vmem>>
      %dma_wait3A_923 = tpu.memref_squeeze %dma_wait3A_922 : memref<1x1x1x100xi32, #tpu.memory_space<vmem>> -> memref<100xi32, #tpu.memory_space<vmem>>
      %dma_wait3A_924 = arith.constant 0 : i32
      %dma_wait3A_925 = arith.constant 0 : i32
      %dma_wait3A_926 = tpu.memref_slice %arg3[%dma_wait3A_924, %dma_wait3A_925] : memref<30522x32xf32, #tpu.memory_space<hbm>> -> memref<30522x32xf32, #tpu.memory_space<hbm>>
      tpu.wait_indirect_dma semaphore(%arg9 : memref<!tpu.dma_semaphore, #tpu.memory_space<semaphore_mem>>) src(%dma_wait3A_926 : memref<30522x32xf32, #tpu.memory_space<hbm>>) dst(%dma_wait3A_920 : memref<100x32xf32, #tpu.memory_space<vmem>>)
      %mul3A_927 = arith.constant 2 : i32
      %mul3A_928 = arith.muli %mul3A_927, %scan3A_235 : i32
      %add3A_929 = arith.constant 1 : i32
      %add3A_930 = arith.addi %mul3A_928, %add3A_929 : i32
      %scan3A_931 = arith.constant 0 : i32
      %scan3A_932 = arith.constant 0 : i32
      %scan3A_933 = arith.constant 8 : i32
      %scan3A_934 = arith.addi %scan3A_932, %scan3A_933 : i32
      %scan3A_935 = arith.constant 1 : i32
      scf.for %scan3A_937 = %scan3A_932 to %scan3A_934 step %scan3A_935  : i32 {
        %broadcast_in_dim3A = arith.constant 0.000000e+00 : f32
        %broadcast_in_dim3A_938 = vector.broadcast %broadcast_in_dim3A : f32 to vector<16xf32>
        %scan3A_939 = arith.constant 0 : i32
        %scan3A_940 = arith.constant 25 : i32
        %scan3A_941 = arith.addi %scan3A_939, %scan3A_940 : i32
        %scan3A_942 = arith.constant 1 : i32
        %scan3A_943:8 = scf.for %scan3A_972 = %scan3A_939 to %scan3A_941 step %scan3A_942 iter_args(%scan3A_973 = %broadcast_in_dim3A_938, %scan3A_974 = %broadcast_in_dim3A_938, %scan3A_975 = %broadcast_in_dim3A_938, %scan3A_976 = %broadcast_in_dim3A_938, %scan3A_977 = %broadcast_in_dim3A_938, %scan3A_978 = %broadcast_in_dim3A_938, %scan3A_979 = %broadcast_in_dim3A_938, %scan3A_980 = %broadcast_in_dim3A_938) -> (vector<16xf32>, vector<16xf32>, vector<16xf32>, vector<16xf32>, vector<16xf32>, vector<16xf32>, vector<16xf32>, vector<16xf32>)  : i32 {
          %mul3A_981 = arith.constant 200 : i32
          %mul3A_982 = arith.muli %scan3A_937, %mul3A_981 : i32
          %mul3A_983 = arith.constant 8 : i32
          %mul3A_984 = arith.muli %scan3A_972, %mul3A_983 : i32
          %add3A_985 = arith.addi %mul3A_982, %mul3A_984 : i32
          %add3A_986 = arith.constant 0 : i32
          %add3A_987 = arith.addi %add3A_985, %add3A_986 : i32
          %get3A = arith.constant 1 : i32
          %get3A_988 = arith.index_cast %get3A : i32 to index
          %get3A_989 = arith.index_cast %add3A_987 : i32 to index
          %get3A_990 = arith.constant 0 : index
          %get3A_991 = tpu.vector_load %arg6[%get3A_988, %get3A_989, %get3A_990] {strides = array<i32>} : memref<2x1600x32xf32, #tpu.memory_space<vmem>>, vector<1x1x16xf32>,
          %get3A_992 = vector.shape_cast %get3A_991 : vector<1x1x16xf32> to vector<16xf32>
          %add3A_993 = arith.addf %scan3A_973, %get3A_992 : vector<16xf32>
          %get3A_994 = arith.constant 1 : i32
          %get3A_995 = arith.index_cast %get3A_994 : i32 to index
          %get3A_996 = arith.index_cast %add3A_987 : i32 to index
          %get3A_997 = arith.constant 16 : index
          %get3A_998 = tpu.vector_load %arg6[%get3A_995, %get3A_996, %get3A_997] {strides = array<i32>} : memref<2x1600x32xf32, #tpu.memory_space<vmem>>, vector<1x1x16xf32>,
          %get3A_999 = vector.shape_cast %get3A_998 : vector<1x1x16xf32> to vector<16xf32>
          %add3A_1000 = arith.addf %scan3A_974, %get3A_999 : vector<16xf32>
          %mul3A_1001 = arith.constant 200 : i32
          %mul3A_1002 = arith.muli %scan3A_937, %mul3A_1001 : i32
          %mul3A_1003 = arith.constant 8 : i32
          %mul3A_1004 = arith.muli %scan3A_972, %mul3A_1003 : i32
          %add3A_1005 = arith.addi %mul3A_1002, %mul3A_1004 : i32
          %add3A_1006 = arith.constant 1 : i32
          %add3A_1007 = arith.addi %add3A_1005, %add3A_1006 : i32
          %get3A_1008 = arith.constant 1 : i32
          %get3A_1009 = arith.index_cast %get3A_1008 : i32 to index
          %get3A_1010 = arith.index_cast %add3A_1007 : i32 to index
          %get3A_1011 = arith.constant 0 : index
          %get3A_1012 = tpu.vector_load %arg6[%get3A_1009, %get3A_1010, %get3A_1011] {strides = array<i32>} : memref<2x1600x32xf32, #tpu.memory_space<vmem>>, vector<1x1x16xf32>,
          %get3A_1013 = vector.shape_cast %get3A_1012 : vector<1x1x16xf32> to vector<16xf32>
          %add3A_1014 = arith.addf %scan3A_975, %get3A_1013 : vector<16xf32>
          %get3A_1015 = arith.constant 1 : i32
          %get3A_1016 = arith.index_cast %get3A_1015 : i32 to index
          %get3A_1017 = arith.index_cast %add3A_1007 : i32 to index
          %get3A_1018 = arith.constant 16 : index
          %get3A_1019 = tpu.vector_load %arg6[%get3A_1016, %get3A_1017, %get3A_1018] {strides = array<i32>} : memref<2x1600x32xf32, #tpu.memory_space<vmem>>, vector<1x1x16xf32>,
          %get3A_1020 = vector.shape_cast %get3A_1019 : vector<1x1x16xf32> to vector<16xf32>
          %add3A_1021 = arith.addf %scan3A_976, %get3A_1020 : vector<16xf32>
          %mul3A_1022 = arith.constant 200 : i32
          %mul3A_1023 = arith.muli %scan3A_937, %mul3A_1022 : i32
          %mul3A_1024 = arith.constant 8 : i32
          %mul3A_1025 = arith.muli %scan3A_972, %mul3A_1024 : i32
          %add3A_1026 = arith.addi %mul3A_1023, %mul3A_1025 : i32
          %add3A_1027 = arith.constant 2 : i32
          %add3A_1028 = arith.addi %add3A_1026, %add3A_1027 : i32
          %get3A_1029 = arith.constant 1 : i32
          %get3A_1030 = arith.index_cast %get3A_1029 : i32 to index
          %get3A_1031 = arith.index_cast %add3A_1028 : i32 to index
          %get3A_1032 = arith.constant 0 : index
          %get3A_1033 = tpu.vector_load %arg6[%get3A_1030, %get3A_1031, %get3A_1032] {strides = array<i32>} : memref<2x1600x32xf32, #tpu.memory_space<vmem>>, vector<1x1x16xf32>,
          %get3A_1034 = vector.shape_cast %get3A_1033 : vector<1x1x16xf32> to vector<16xf32>
          %add3A_1035 = arith.addf %scan3A_977, %get3A_1034 : vector<16xf32>
          %get3A_1036 = arith.constant 1 : i32
          %get3A_1037 = arith.index_cast %get3A_1036 : i32 to index
          %get3A_1038 = arith.index_cast %add3A_1028 : i32 to index
          %get3A_1039 = arith.constant 16 : index
          %get3A_1040 = tpu.vector_load %arg6[%get3A_1037, %get3A_1038, %get3A_1039] {strides = array<i32>} : memref<2x1600x32xf32, #tpu.memory_space<vmem>>, vector<1x1x16xf32>,
          %get3A_1041 = vector.shape_cast %get3A_1040 : vector<1x1x16xf32> to vector<16xf32>
          %add3A_1042 = arith.addf %scan3A_978, %get3A_1041 : vector<16xf32>
          %mul3A_1043 = arith.constant 200 : i32
          %mul3A_1044 = arith.muli %scan3A_937, %mul3A_1043 : i32
          %mul3A_1045 = arith.constant 8 : i32
          %mul3A_1046 = arith.muli %scan3A_972, %mul3A_1045 : i32
          %add3A_1047 = arith.addi %mul3A_1044, %mul3A_1046 : i32
          %add3A_1048 = arith.constant 3 : i32
          %add3A_1049 = arith.addi %add3A_1047, %add3A_1048 : i32
          %get3A_1050 = arith.constant 1 : i32
          %get3A_1051 = arith.index_cast %get3A_1050 : i32 to index
          %get3A_1052 = arith.index_cast %add3A_1049 : i32 to index
          %get3A_1053 = arith.constant 0 : index
          %get3A_1054 = tpu.vector_load %arg6[%get3A_1051, %get3A_1052, %get3A_1053] {strides = array<i32>} : memref<2x1600x32xf32, #tpu.memory_space<vmem>>, vector<1x1x16xf32>,
          %get3A_1055 = vector.shape_cast %get3A_1054 : vector<1x1x16xf32> to vector<16xf32>
          %add3A_1056 = arith.addf %scan3A_979, %get3A_1055 : vector<16xf32>
          %get3A_1057 = arith.constant 1 : i32
          %get3A_1058 = arith.index_cast %get3A_1057 : i32 to index
          %get3A_1059 = arith.index_cast %add3A_1049 : i32 to index
          %get3A_1060 = arith.constant 16 : index
          %get3A_1061 = tpu.vector_load %arg6[%get3A_1058, %get3A_1059, %get3A_1060] {strides = array<i32>} : memref<2x1600x32xf32, #tpu.memory_space<vmem>>, vector<1x1x16xf32>,
          %get3A_1062 = vector.shape_cast %get3A_1061 : vector<1x1x16xf32> to vector<16xf32>
          %add3A_1063 = arith.addf %scan3A_980, %get3A_1062 : vector<16xf32>
          %mul3A_1064 = arith.constant 200 : i32
          %mul3A_1065 = arith.muli %scan3A_937, %mul3A_1064 : i32
          %mul3A_1066 = arith.constant 8 : i32
          %mul3A_1067 = arith.muli %scan3A_972, %mul3A_1066 : i32
          %add3A_1068 = arith.addi %mul3A_1065, %mul3A_1067 : i32
          %add3A_1069 = arith.constant 4 : i32
          %add3A_1070 = arith.addi %add3A_1068, %add3A_1069 : i32
          %get3A_1071 = arith.constant 1 : i32
          %get3A_1072 = arith.index_cast %get3A_1071 : i32 to index
          %get3A_1073 = arith.index_cast %add3A_1070 : i32 to index
          %get3A_1074 = arith.constant 0 : index
          %get3A_1075 = tpu.vector_load %arg6[%get3A_1072, %get3A_1073, %get3A_1074] {strides = array<i32>} : memref<2x1600x32xf32, #tpu.memory_space<vmem>>, vector<1x1x16xf32>,
          %get3A_1076 = vector.shape_cast %get3A_1075 : vector<1x1x16xf32> to vector<16xf32>
          %add3A_1077 = arith.addf %add3A_993, %get3A_1076 : vector<16xf32>
          %get3A_1078 = arith.constant 1 : i32
          %get3A_1079 = arith.index_cast %get3A_1078 : i32 to index
          %get3A_1080 = arith.index_cast %add3A_1070 : i32 to index
          %get3A_1081 = arith.constant 16 : index
          %get3A_1082 = tpu.vector_load %arg6[%get3A_1079, %get3A_1080, %get3A_1081] {strides = array<i32>} : memref<2x1600x32xf32, #tpu.memory_space<vmem>>, vector<1x1x16xf32>,
          %get3A_1083 = vector.shape_cast %get3A_1082 : vector<1x1x16xf32> to vector<16xf32>
          %add3A_1084 = arith.addf %add3A_1000, %get3A_1083 : vector<16xf32>
          %mul3A_1085 = arith.constant 200 : i32
          %mul3A_1086 = arith.muli %scan3A_937, %mul3A_1085 : i32
          %mul3A_1087 = arith.constant 8 : i32
          %mul3A_1088 = arith.muli %scan3A_972, %mul3A_1087 : i32
          %add3A_1089 = arith.addi %mul3A_1086, %mul3A_1088 : i32
          %add3A_1090 = arith.constant 5 : i32
          %add3A_1091 = arith.addi %add3A_1089, %add3A_1090 : i32
          %get3A_1092 = arith.constant 1 : i32
          %get3A_1093 = arith.index_cast %get3A_1092 : i32 to index
          %get3A_1094 = arith.index_cast %add3A_1091 : i32 to index
          %get3A_1095 = arith.constant 0 : index
          %get3A_1096 = tpu.vector_load %arg6[%get3A_1093, %get3A_1094, %get3A_1095] {strides = array<i32>} : memref<2x1600x32xf32, #tpu.memory_space<vmem>>, vector<1x1x16xf32>,
          %get3A_1097 = vector.shape_cast %get3A_1096 : vector<1x1x16xf32> to vector<16xf32>
          %add3A_1098 = arith.addf %add3A_1014, %get3A_1097 : vector<16xf32>
          %get3A_1099 = arith.constant 1 : i32
          %get3A_1100 = arith.index_cast %get3A_1099 : i32 to index
          %get3A_1101 = arith.index_cast %add3A_1091 : i32 to index
          %get3A_1102 = arith.constant 16 : index
          %get3A_1103 = tpu.vector_load %arg6[%get3A_1100, %get3A_1101, %get3A_1102] {strides = array<i32>} : memref<2x1600x32xf32, #tpu.memory_space<vmem>>, vector<1x1x16xf32>,
          %get3A_1104 = vector.shape_cast %get3A_1103 : vector<1x1x16xf32> to vector<16xf32>
          %add3A_1105 = arith.addf %add3A_1021, %get3A_1104 : vector<16xf32>
          %mul3A_1106 = arith.constant 200 : i32
          %mul3A_1107 = arith.muli %scan3A_937, %mul3A_1106 : i32
          %mul3A_1108 = arith.constant 8 : i32
          %mul3A_1109 = arith.muli %scan3A_972, %mul3A_1108 : i32
          %add3A_1110 = arith.addi %mul3A_1107, %mul3A_1109 : i32
          %add3A_1111 = arith.constant 6 : i32
          %add3A_1112 = arith.addi %add3A_1110, %add3A_1111 : i32
          %get3A_1113 = arith.constant 1 : i32
          %get3A_1114 = arith.index_cast %get3A_1113 : i32 to index
          %get3A_1115 = arith.index_cast %add3A_1112 : i32 to index
          %get3A_1116 = arith.constant 0 : index
          %get3A_1117 = tpu.vector_load %arg6[%get3A_1114, %get3A_1115, %get3A_1116] {strides = array<i32>} : memref<2x1600x32xf32, #tpu.memory_space<vmem>>, vector<1x1x16xf32>,
          %get3A_1118 = vector.shape_cast %get3A_1117 : vector<1x1x16xf32> to vector<16xf32>
          %add3A_1119 = arith.addf %add3A_1035, %get3A_1118 : vector<16xf32>
          %get3A_1120 = arith.constant 1 : i32
          %get3A_1121 = arith.index_cast %get3A_1120 : i32 to index
          %get3A_1122 = arith.index_cast %add3A_1112 : i32 to index
          %get3A_1123 = arith.constant 16 : index
          %get3A_1124 = tpu.vector_load %arg6[%get3A_1121, %get3A_1122, %get3A_1123] {strides = array<i32>} : memref<2x1600x32xf32, #tpu.memory_space<vmem>>, vector<1x1x16xf32>,
          %get3A_1125 = vector.shape_cast %get3A_1124 : vector<1x1x16xf32> to vector<16xf32>
          %add3A_1126 = arith.addf %add3A_1042, %get3A_1125 : vector<16xf32>
          %mul3A_1127 = arith.constant 200 : i32
          %mul3A_1128 = arith.muli %scan3A_937, %mul3A_1127 : i32
          %mul3A_1129 = arith.constant 8 : i32
          %mul3A_1130 = arith.muli %scan3A_972, %mul3A_1129 : i32
          %add3A_1131 = arith.addi %mul3A_1128, %mul3A_1130 : i32
          %add3A_1132 = arith.constant 7 : i32
          %add3A_1133 = arith.addi %add3A_1131, %add3A_1132 : i32
          %get3A_1134 = arith.constant 1 : i32
          %get3A_1135 = arith.index_cast %get3A_1134 : i32 to index
          %get3A_1136 = arith.index_cast %add3A_1133 : i32 to index
          %get3A_1137 = arith.constant 0 : index
          %get3A_1138 = tpu.vector_load %arg6[%get3A_1135, %get3A_1136, %get3A_1137] {strides = array<i32>} : memref<2x1600x32xf32, #tpu.memory_space<vmem>>, vector<1x1x16xf32>,
          %get3A_1139 = vector.shape_cast %get3A_1138 : vector<1x1x16xf32> to vector<16xf32>
          %add3A_1140 = arith.addf %add3A_1056, %get3A_1139 : vector<16xf32>
          %get3A_1141 = arith.constant 1 : i32
          %get3A_1142 = arith.index_cast %get3A_1141 : i32 to index
          %get3A_1143 = arith.index_cast %add3A_1133 : i32 to index
          %get3A_1144 = arith.constant 16 : index
          %get3A_1145 = tpu.vector_load %arg6[%get3A_1142, %get3A_1143, %get3A_1144] {strides = array<i32>} : memref<2x1600x32xf32, #tpu.memory_space<vmem>>, vector<1x1x16xf32>,
          %get3A_1146 = vector.shape_cast %get3A_1145 : vector<1x1x16xf32> to vector<16xf32>
          %add3A_1147 = arith.addf %add3A_1063, %get3A_1146 : vector<16xf32>
          scf.yield %add3A_1077, %add3A_1084, %add3A_1098, %add3A_1105, %add3A_1119, %add3A_1126, %add3A_1140, %add3A_1147 : vector<16xf32>, vector<16xf32>, vector<16xf32>, vector<16xf32>, vector<16xf32>, vector<16xf32>, vector<16xf32>, vector<16xf32>
        }
        %scan3A_944 = arith.constant 25 : i32
        %add3A_945 = arith.addf %scan3A_943#0, %scan3A_943#2 : vector<16xf32>
        %add3A_946 = arith.addf %scan3A_943#4, %scan3A_943#6 : vector<16xf32>
        %add3A_947 = arith.addf %add3A_945, %add3A_946 : vector<16xf32>
        %add3A_948 = arith.addf %scan3A_943#1, %scan3A_943#3 : vector<16xf32>
        %add3A_949 = arith.addf %scan3A_943#5, %scan3A_943#7 : vector<16xf32>
        %add3A_950 = arith.addf %add3A_948, %add3A_949 : vector<16xf32>
        %mul3A_951 = arith.constant 5.000000e-03 : f32
        %mul3A_952 = vector.broadcast %mul3A_951 : f32 to vector<16xf32>
        %mul3A_953 = arith.mulf %add3A_947, %mul3A_952 : vector<16xf32>
        %mul3A_954 = arith.constant 8 : i32
        %mul3A_955 = arith.muli %add3A_930, %mul3A_954 : i32
        %add3A_956 = arith.addi %mul3A_955, %scan3A_937 : i32
        %swap3A = arith.index_cast %add3A_956 : i32 to index
        %swap3A_957 = arith.constant 0 : index
        %swap3A_958 = tpu.vector_load %arg7[%swap3A, %swap3A_957] {strides = array<i32>} : memref<512x32xf32, #tpu.memory_space<vmem>>, vector<1x16xf32>,
        %swap3A_959 = vector.shape_cast %swap3A_958 : vector<1x16xf32> to vector<16xf32>
        %swap3A_960 = vector.shape_cast %mul3A_953 : vector<16xf32> to vector<1x16xf32>
        tpu.vector_store %arg7[%swap3A, %swap3A_957], %swap3A_960 {strides = array<i32>} : memref<512x32xf32, #tpu.memory_space<vmem>>, vector<1x16xf32>,
        %mul3A_961 = arith.constant 5.000000e-03 : f32
        %mul3A_962 = vector.broadcast %mul3A_961 : f32 to vector<16xf32>
        %mul3A_963 = arith.mulf %add3A_950, %mul3A_962 : vector<16xf32>
        %mul3A_964 = arith.constant 8 : i32
        %mul3A_965 = arith.muli %add3A_930, %mul3A_964 : i32
        %add3A_966 = arith.addi %mul3A_965, %scan3A_937 : i32
        %swap3A_967 = arith.index_cast %add3A_966 : i32 to index
        %swap3A_968 = arith.constant 16 : index
        %swap3A_969 = tpu.vector_load %arg7[%swap3A_967, %swap3A_968] {strides = array<i32>} : memref<512x32xf32, #tpu.memory_space<vmem>>, vector<1x16xf32>,
        %swap3A_970 = vector.shape_cast %swap3A_969 : vector<1x16xf32> to vector<16xf32>
        %swap3A_971 = vector.shape_cast %mul3A_963 : vector<16xf32> to vector<1x16xf32>
        tpu.vector_store %arg7[%swap3A_967, %swap3A_968], %swap3A_971 {strides = array<i32>} : memref<512x32xf32, #tpu.memory_space<vmem>>, vector<1x16xf32>,
      }
      %scan3A_936 = arith.constant 8 : i32
    }
    %scan3A_232 = arith.constant 32 : i32
    %mul3A_233 = arith.constant 512 : i32
    %mul3A_234 = arith.muli %add3A, %mul3A_233 : i32
    "tpu.region"() ({
      %run_scoped3A_235 = tpu.sem_alloc : memref<!tpu.dma_semaphore, #tpu.memory_space<semaphore_mem>>
      %dma_start3A_236 = arith.constant 0 : i32
      %dma_start3A_237 = tpu.memref_slice %arg4[%mul3A_234, %dma_start3A_236] : memref<16384x32xf32, #tpu.memory_space<hbm>> -> memref<512x32xf32, #tpu.memory_space<hbm>>
      %dma_start3A_238 = arith.constant 0 : i32
      %dma_start3A_239 = tpu.memref_slice %arg4[%mul3A_234, %dma_start3A_238] : memref<16384x32xf32, #tpu.memory_space<hbm>> -> memref<512x32xf32, #tpu.memory_space<hbm>>
      tpu.enqueue_dma source(%arg7 : memref<512x32xf32, #tpu.memory_space<vmem>>) target(%dma_start3A_239 : memref<512x32xf32, #tpu.memory_space<hbm>>) target_semaphore(%run_scoped3A_235 : memref<!tpu.dma_semaphore, #tpu.memory_space<semaphore_mem>>)
      %dma_wait3A = arith.constant 0 : i32
      %dma_wait3A_240 = tpu.memref_slice %arg4[%mul3A_234, %dma_wait3A] : memref<16384x32xf32, #tpu.memory_space<hbm>> -> memref<512x32xf32, #tpu.memory_space<hbm>>
      %dma_wait3A_241 = arith.constant 0 : i32
      %dma_wait3A_242 = tpu.memref_slice %arg4[%mul3A_234, %dma_wait3A_241] : memref<16384x32xf32, #tpu.memory_space<hbm>> -> memref<512x32xf32, #tpu.memory_space<hbm>>
      tpu.wait_dma2 semaphore(%run_scoped3A_235 : memref<!tpu.dma_semaphore, #tpu.memory_space<semaphore_mem>>) src(%arg7 : memref<512x32xf32, #tpu.memory_space<vmem>>) dst(%dma_wait3A_242 : memref<512x32xf32, #tpu.memory_space<hbm>>)
      tpu.yield
    }) : () -> ()
    return
  }
}

</mosaic_0001>

<sc_bundles>
// kernel: kernel.3.cloned.1.call-start
scs
__scs_entry_jumppad:
0x0: {  	(pc) =	sbr.rel $0x88, $3  }
0x1: {  	(tag) =	ssettag $0x0;
	lr =	simm.s32 $0x1  }
0x2: {  	[smem:$0x3F9F] =	sst lr;
	_ =	strace $0xD0000000  }
0x3: {  	_ = 	snop  }
0x4: {  	_ = 	snop  }
0x5: {  	_ = 	snop  }
0x6: {  	_ = 	snop  }
0x7: {  	_ = 	snop  }
__scs_overlays_trampoline_lowered:
0x8: {  	[smem:$0x3FAE] =	sst s0  }
0x9: {  	[smem:$0x3FAF] =	sst s1  }
0xa: {  	[smem:$0x3FB0] =	sst s2  }
0xb: {  	[smem:$0x3FB1] =	sst s3  }
0xc: {  	[smem:$0x3FB2] =	sst s4  }
0xd: {  	[smem:$0x3FB3] =	sst s5  }
0xe: {  	[smem:$0x3FB4] =	sst s6  }
0xf: {  	[smem:$0x3FB5] =	sst s7  }
0x10: {  	[smem:$0x3FB6] =	sst s8  }
0x11: {  	[smem:$0x3FB7] =	sst s9;
	s0 =	simm.s32 @!p0 $0x0  }
0x12: {  	s1 =	sld [smem:$0x3F9D];
	s0 =	simm.s32 @p0 $0x1  }
0x13: {  	[smem:$0x3FB8] =	sst s0;
	s0 =	simm.s32 @!p1 $0x0  }
0x14: {  	s2 =	sld [smem:$0x3F9C];
	s0 =	simm.s32 @p1 $0x1  }
0x15: {  	[smem:$0x3FB9] =	sst s0;
	s0 =	simm.s32 @!p2 $0x0  }
0x16: {  	s3 =	sld [smem:$0x3FDB];
	s0 =	simm.s32 @p2 $0x1  }
0x17: {  	s4 =	simm.s32 $0x1BF5;
	[smem:$0x3FBB] =	sst s0  }
0x18: {  	s0 =	sld [smem:$0x3F9E];
	_ =	swait.ge [sflag:s4], $0x0  }
0x19: {  	s7 =	sld [smem:$0x3F9F]  }
0x1a: {  	s8 =	sadd.s32 $0xFFFFE003, lr  }
0x1b: {  	s9 =	sadd.s32 $0xFFFFFEF7, lr;
	s5 =	simm.s32 $0xFFFFFFFF;
	p2 =	slt.u32 s8, $0xFFFFF086  }
0x1c: {  	p1 =	slt.u32 s9, $0xF7A;
	s5 =	simm.s32 @!p2 $0x0  }
0x1d: {  	s5 =	simm.s32 @p1 $0x1;
	p0 =	seq.s32 s7, s2  }
0x1e: {  	s7 =	smul.u32 @!p0 $0xF7A, s2;
	p2 =	seq.s32 @!p0 s5, $0x0  }
0x1f: {  	s9 =	smul.u32 $0xF7A, s1;
	s8 =	simm.s32 @!p0 $0x1BF5;
	p2 =	por !p2, p0  }
0x20: {  	[sflag:s8] =	ssyncset.s32 @!p0 $0xFFFFF086;
	s6 =	sadd.s32 @!p0 s3, s7;
	s7 =	simm.s32 @!p0 $0x108  }
0x21: {  	s3 =	sadd.s32 s3, s9;
	s6 =	sadd.s32 @!p0 $0x88, s6;
	s7 =	simm.s32 @p2 $0x1082  }
0x22: {  	[simem:s7], [sflag:s8] =	dma.local @!p0 [hbm:s6], $0xF7A  }
0x23: {  	s9 =	sor.u32 $0xD0000000, s2;
	s6 =	simm.s32 $0x108;
	_ =	swait.ge @!p0 [sflag:s8], $0x0  }
0x24: {  	s3 =	sadd.s32 $0x88, s3;
	s6 =	simm.s32 @!p1 $0x1082;
	[sflag:s4] =	ssyncset.s32 $0xFFFFF086  }
0x25: {  	[simem:s6], [sflag:s4] =	dma.local [hbm:s3], $0xF7A  }
0x26: {  	[smem:$0x3F9F] =	sst s1;
	(tag) =	ssettag s2;
	_ =	strace s9  }
0x27: {  	s1 =	sld [smem:$0x3FAF]  }
0x28: {  	s2 =	sld [smem:$0x3FB0]  }
0x29: {  	s4 =	sld [smem:$0x3FB2]  }
0x2a: {  	p0 =	seq.s32 s5, $0x0;
	s5 =	sld [smem:$0x3FB3]  }
0x2b: {  	s6 =	sld [smem:$0x3FB4]  }
0x2c: {  	s7 =	sld [smem:$0x3FB5]  }
0x2d: {  	s3 =	simm.s32 $0x108;
	s8 =	sld [smem:$0x3FB6]  }
0x2e: {  	s3 =	simm.s32 @!p0 $0x1082;
	s9 =	sld [smem:$0x3FB7]  }
0x2f: {  	lr =	sadd.s32 s0, s3;
	s0 =	sld [smem:$0x3FAE]  }
0x30: {  	s3 =	sld [smem:$0x3FB1]  }
0x31: {  	[smem:$0x3FBA] =	sst s10  }
0x32: {  	s10 =	sld [smem:$0x3FB8];
	_ =	sdelay $0x3  }
0x33: {  	p0 =	seq.s32 s10, $0x1;
	s10 =	sld [smem:$0x3FBA];
	_ =	sdelay $0x3  }
0x34: {  	[smem:$0x3FBA] =	sst s10  }
0x35: {  	s10 =	sld [smem:$0x3FB9];
	_ =	sdelay $0x3  }
0x36: {  	p1 =	seq.s32 s10, $0x1;
	s10 =	sld [smem:$0x3FBA];
	_ =	sdelay $0x3  }
0x37: {  	[smem:$0x3FBA] =	sst s10  }
0x38: {  	s10 =	sld [smem:$0x3FBB]  }
0x39: {  	_ = 	snop;
	(pc) =	sbr.ind lr, $3  }
0x3a: {  	_ = 	snop  }
0x3b: {  	_ = 	snop  }
0x3c: {  	p2 =	seq.s32 s10, $0x1;
	s10 =	sld [smem:$0x3FBA]  }
0x3d: {  	_ =	shalt  }
0x3e: {  	_ =	shalt  }
0x3f: {  	_ =	shalt  }
0x40: {  	_ =	shalt  }
0x41: {  	_ =	shalt  }
0x42: {  	_ =	shalt  }
0x43: {  	_ =	shalt  }
0x44: {  	_ =	shalt  }
0x45: {  	_ =	shalt  }
0x46: {  	_ =	shalt  }
0x47: {  	_ =	shalt  }
0x48: {  	_ =	shalt  }
0x49: {  	_ =	shalt  }
0x4a: {  	_ =	shalt  }
0x4b: {  	_ =	shalt  }
0x4c: {  	_ =	shalt  }
0x4d: {  	_ =	shalt  }
0x4e: {  	_ =	shalt  }
0x4f: {  	_ =	shalt  }
0x50: {  	_ =	shalt  }
0x51: {  	_ =	shalt  }
0x52: {  	_ =	shalt  }
0x53: {  	_ =	shalt  }
0x54: {  	_ =	shalt  }
0x55: {  	_ =	shalt  }
0x56: {  	_ =	shalt  }
0x57: {  	_ =	shalt  }
0x58: {  	_ =	shalt  }
0x59: {  	_ =	shalt  }
0x5a: {  	_ =	shalt  }
0x5b: {  	_ =	shalt  }
0x5c: {  	_ =	shalt  }
0x5d: {  	_ =	shalt  }
0x5e: {  	_ =	shalt  }
0x5f: {  	_ =	shalt  }
0x60: {  	_ =	shalt  }
0x61: {  	_ =	shalt  }
0x62: {  	_ =	shalt  }
0x63: {  	_ =	shalt  }
0x64: {  	_ =	shalt  }
0x65: {  	_ =	shalt  }
0x66: {  	_ =	shalt  }
0x67: {  	_ =	shalt  }
0x68: {  	_ =	shalt  }
0x69: {  	_ =	shalt  }
0x6a: {  	_ =	shalt  }
0x6b: {  	_ =	shalt  }
0x6c: {  	_ =	shalt  }
0x6d: {  	_ =	shalt  }
0x6e: {  	_ =	shalt  }
0x6f: {  	_ =	shalt  }
0x70: {  	_ =	shalt  }
0x71: {  	_ =	shalt  }
0x72: {  	_ =	shalt  }
0x73: {  	_ =	shalt  }
0x74: {  	_ =	shalt  }
0x75: {  	_ =	shalt  }
0x76: {  	_ =	shalt  }
0x77: {  	_ =	shalt  }
0x78: {  	_ =	shalt  }
0x79: {  	_ =	shalt  }
0x7a: {  	_ =	shalt  }
0x7b: {  	_ =	shalt  }
0x7c: {  	_ =	shalt  }
0x7d: {  	_ =	shalt  }
0x7e: {  	_ =	shalt  }
0x7f: {  	_ =	shalt  }
0x80: {  	_ =	shalt  }
0x81: {  	_ =	shalt  }
0x82: {  	_ =	shalt  }
0x83: {  	_ =	shalt  }
0x84: {  	_ =	shalt  }
0x85: {  	_ =	shalt  }
0x86: {  	_ =	shalt  }
0x87: {  	_ =	shalt  }
.Lfunc_end0:
.L_simem_size_0:
called_computation_lowered:
.L_overlay_start_0:
0x88: {  	s2 =	sld [smem:$0x3FD9]  }
0x89: {  	s3 =	sld [smem:$0x3FFE];
	_ =	sdelay $0x1  }
0x8a: {  	s1 =	srdreg.scid  }
0x8b: {  	s0 =	sand.u32 $0x1, s1  }
0x8c: {  	s17 =	sshll.u32 s0, $0xA;
	s2 =	sadd.s32 s3, s2  }
0x8d: {  	s2 =	sadd.s32 s2, s17  }
0x8e: {  	[smem:$0x3FC6] =	sst s2  }
0x8f: {  	_ = 	snop  }
0x90: {  	s2 =	sld [smem:$0x3FD0];
	(tm) =	ssettm $0x1  }
0x91: {  	s18 =	sld [smem:$0x3FFB];
	_ =	sdelay $0x3  }
0x92: {  	_ =	strace s18  }
0x93: {  	s3 =	sld [smem:$0x3FFC];
	_ =	sdelay $0x3  }
0x94: {  	_ =	strace s3  }
0x95: {  	s3 =	sld [smem:$0x3FFD];
	_ =	sdelay $0x3  }
0x96: {  	_ =	strace s3  }
0x97: {  	_ =	strace $0x8FFFFFFF  }
0x98: {  	s19 =	sld [smem:$0x3FDB];
	_ =	sdelay $0x1  }
0x99: {  	s4 =	simm.s32 $_scs_section_size  }
0x9a: {  	s5 =	simm.s32 $_size__tile_overlayer_lowered;
	s6 =	simm.s32 $_tile_overlayer_lowered  }
0x9b: {  	s22 =	simm.s32 $0x1BFF;
	s21 =	sshll.u32 s6, $0x1;
	s3 =	sadd.s32 s4, s19  }
0x9c: {  	s7 =	simm.s32 $0x0;
	s20 =	sshll.u32 s5, $0x1;
	s5 =	sadd.s32 s21, s3  }
0x9d: {  	[timem:s7], [sflag:s22] =	dma.local [hbm:s5], s20  }
0x9e: {  	_ =	swait.ge [sflag:s22], s20  }
0x9f: {  	s4 =	ssub.s32 $0x0, s20;
	[sflag:s22] =	ssyncset.done $0x0  }
0xa0: {  	[sflag:s22] =	ssyncadd.s32 s4;
	_ =	sdelay $0x1  }
0xa1: {  	s23 =	simm.s32 $0x1B8B  }
0xa2: {  	_ =	swait.ge [sflag:s23], $0x1  }
0xa3: {  	[sflag:s23] =	ssyncset.done $0x0  }
0xa4: {  	s25 =	simm.s32 $0x1B8E;
	s24 =	sld [smem:$0x3FFE];
	[sflag:s23] =	ssyncadd.s32 $0xFFFFFFFF  }
0xa5: {  	s26 =	simm.s32 $execute0_lowered;
	[smem:$0x3FD2] =	sst s25  }
0xa6: {  	s5 =	sshll.u32 s26, $0x1;
	_ =	strace $0x80000046;
	[dreg:$0x1] =	wrdreg $0xFFFFFFFF  }
0xa7: {  	s28 =	simm.s32 $_size_execute0_lowered;
	s3 =	sadd.s32 s3, s5;
	[dreg:$0x0] =	wrdreg $0x0  }
0xa8: {  	s5 =	sshll.u32 s28, $0x1;
	[dreg:$0x2] =	wrdreg s3  }
0xa9: {  	[dreg:$0x3] =	wrdreg s5  }
0xaa: {  	[dreg:$0x4] =	wrdreg $0xC0  }
0xab: {  	_ =	task [dreg:s7], $0x5FFFF  }
0xac: {  	[dreg:$0x1] =	wrdreg $0xFFFFFFFF  }
0xad: {  	[dreg:$0x0] =	wrdreg $0x60  }
0xae: {  	[dreg:$0x2] =	wrdreg s24  }
0xaf: {  	[dreg:$0x3] =	wrdreg s2  }
0xb0: {  	[dreg:$0x4] =	wrdreg $0x9  }
0xb1: {  	_ =	task.clear_ibuf [dreg:s7], $0x5FFFF;
	_ =	strace $0x90000046  }
0xb2: {  	s29 =	simm.s32 $0x9;
	_ =	strace $0x80000048  }
0xb3: {  	_ =	swait.ge [sflag:s29], $0x1  }
0xb4: {  	[sflag:s29] =	ssyncadd.s32 $0xFFFFFFFF  }
0xb5: {  	_ =	strace $0x90000048  }
0xb6: {  	_ =	sfence  }
0xb7: {  	s30 =	sld [smem:$0x0];
	_ =	sdelay $0x2  }
0xb8: {  	s31 =	sshll.u32 s1, $0xD;
	s1 =	sshrl.u32 s1, $0x2  }
0xb9: {  	s3 =	sand.u32 $0x4000, s31;
	s1 =	sadd.s32 s1, s30  }
0xba: {  	s0 =	sor.u32 s3, s0;
	s1 =	sshll.u32 s1, $0x11  }
0xbb: {  	s0 =	sor.u32 s1, s0  }
0xbc: {  	s0 =	sadd.s32 $0x8F2B, s0  }
0xbd: {  	[sflag:s0] =	ssyncadd.remote.s32 $0x1  }
0xbe: {  	_ =	sfence.sel $0xFFFF  }
0xbf: {  	[dreg:$0x0] =	wrdreg $0xFFFFFFFF;
	(pc) =	sbr.abs _section_cstart, $3  }
0xc0: {  	[dreg:$0x1] =	wrdreg $0xFFFFFFFF  }
0xc1: {  	_ =	task.clear_ibuf [dreg:s7], $0x2FFFF;
	_ =	strace $0x9FFFFFFF  }
0xc2: {  	(tm) =	ssettm $0x7FFFFFFF  }
0xc3: {  	_ =	shalt  }
tec
execute0_lowered:
.L_overlay_start_1:
0x0: {  	(tag) =	ssettag $0x1  }
0x1: {  	s0 =	rddreg [dreg:$0x0]  }
0x2: {  	s1 =	rddreg [dreg:$0x1]  }
0x3: {  	s2 =	srdreg.scid;
	s3 =	stileid.u32  }
0x4: {  	s12 =	simm.s32 $0x0;
	s10 =	simm.s32 $0x3;
	s11 =	simm.s32 $0x64  }
0x5: {  	s22 =	simm.s32 $0x680;
	s18 =	simm.s32 $0x13900;
	s19 =	simm.s32 $0xA28  }
0x6: {  	s20 =	simm.s32 $0x14580;
	s21 =	simm.s32 $0xA90;
	s8 =	simm.s32 $0xAF8  }
0x7: {  	s9 =	simm.s32 $0x15E80;
	s23 =	simm.s32 $0x16B00;
	s24 =	simm.s32 $0xBC8  }
0x8: {  	s28 =	simm.s32 $0x18400;
	s29 =	simm.s32 $0xC98;
	s30 =	simm.s32 $0x19080  }
0x9: {  	s31 =	simm.s32 $0x1;
	s13 =	simm.s32 $0x0;
	s2 =	sand.u32 $0x1, s2  }
0xa: {  	s3 =	sshll.u32 s3, $0x1;
	[smem:$0x7FF] =	sst s12;
	s4 =	sadd.s32 $0x68600, s0  }
0xb: {  	s5 =	ssub.s32 $0x2, s2;
	s2 =	sor.u32 s2, s3;
	_ =	strace $0x80000047  }
0xc: {  	s3 =	sadd.s32 $0x600, s0;
	s6 =	sshrl.u32 s5, $0x1;
	s7 =	smul.u32 $0x3400, s2  }
0xd: {  	s25 =	ssub.s32 s5, s6;
	s5 =	sshll.u32 s2, $0x6;
	s2 =	sshll.u32 s2, $0xB  }
0xe: {  	s6 =	simm.s32 $0x15200;
	s26 =	sadd.s32 s3, s7;
	s7 =	sor.u32 $0x2, s5  }
0xf: {  	s1 =	sadd.s32 s1, s2;
	s0 =	smax.u32 s25, $0x1;
	[dreg:$0x3] =	wrdreg s26  }
0x10: {  	s2 =	simm.s32 $0xB60;
	s25 =	simm.s32 $0x17780;
	[dreg:$0x4] =	wrdreg s1  }
0x11: {  	[dreg:$0x5] =	wrdreg s0;
	s26 =	simm.s32 $0xC30;
	s0 =	simm.s32 $0x2  }
.LBB2_1:
0x12: {  	[dreg:$0x6] =	wrdreg s13  }
0x13: {  	s1 =	rddreg [dreg:$0x3]  }
0x14: {  	[tilespmem:s12], [sflag:$0x3] =	stream.linear.gather [hbm4b:s1+s12], $0x680, $0x38;
	[tilespmem:$0x1DD00] =	vst v63  }
0x15: {  	_ =	swait.ge [sflag:s10], $0x680  }
0x16: {  	[sflag:s10] =	ssyncset.done $0x0  }
0x17: {  	s17 =	simm.s32 $0xD00;
	[sflag:s10] =	ssyncadd.s32 $0xFFFFF980  }
0x18: {  	[tilespmem:s17], [sflag:$0x1] =	stream.indirect.gather [hbm4b:s4+s11], $0x20, s12, s11, $0xb8;
	[tilespmem:$0x1DD00] =	vst v63  }
0x19: {  	s13 =	simm.s32 $0x1980;
	s12 =	simm.s32 $0x68  }
0x1a: {  	[tilespmem:s13], [sflag:$0x1] =	stream.indirect.gather [hbm4b:s4+s11], $0x20, s12, s11, $0xb8;
	[tilespmem:$0x1DD00] =	vst v63  }
0x1b: {  	s14 =	simm.s32 $0xD0;
	s15 =	simm.s32 $0x2600  }
0x1c: {  	[tilespmem:s15], [sflag:$0x1] =	stream.indirect.gather [hbm4b:s4+s11], $0x20, s14, s11, $0xb8;
	[tilespmem:$0x1DD00] =	vst v63  }
0x1d: {  	s16 =	simm.s32 $0x138;
	s17 =	simm.s32 $0x3280  }
0x1e: {  	[tilespmem:s17], [sflag:$0x1] =	stream.indirect.gather [hbm4b:s4+s11], $0x20, s16, s11, $0xb8;
	[tilespmem:$0x1DD00] =	vst v63  }
0x1f: {  	s12 =	simm.s32 $0x1A0;
	s13 =	simm.s32 $0x3F00  }
0x20: {  	[tilespmem:s13], [sflag:$0x1] =	stream.indirect.gather [hbm4b:s4+s11], $0x20, s12, s11, $0xb8;
	[tilespmem:$0x1DD00] =	vst v63  }
0x21: {  	s14 =	simm.s32 $0x208;
	s15 =	simm.s32 $0x4B80  }
0x22: {  	[tilespmem:s15], [sflag:$0x1] =	stream.indirect.gather [hbm4b:s4+s11], $0x20, s14, s11, $0xb8;
	[tilespmem:$0x1DD00] =	vst v63  }
0x23: {  	s16 =	simm.s32 $0x270;
	s17 =	simm.s32 $0x5800  }
0x24: {  	[tilespmem:s17], [sflag:$0x1] =	stream.indirect.gather [hbm4b:s4+s11], $0x20, s16, s11, $0xb8;
	[tilespmem:$0x1DD00] =	vst v63  }
0x25: {  	s12 =	simm.s32 $0x2D8;
	s13 =	simm.s32 $0x6480  }
0x26: {  	[tilespmem:s13], [sflag:$0x1] =	stream.indirect.gather [hbm4b:s4+s11], $0x20, s12, s11, $0xb8;
	[tilespmem:$0x1DD00] =	vst v63  }
0x27: {  	s14 =	simm.s32 $0x340;
	s15 =	simm.s32 $0x7100  }
0x28: {  	[tilespmem:s15], [sflag:$0x1] =	stream.indirect.gather [hbm4b:s4+s11], $0x20, s14, s11, $0xb8;
	[tilespmem:$0x1DD00] =	vst v63  }
0x29: {  	s16 =	simm.s32 $0x3A8;
	s17 =	simm.s32 $0x7D80  }
0x2a: {  	[tilespmem:s17], [sflag:$0x1] =	stream.indirect.gather [hbm4b:s4+s11], $0x20, s16, s11, $0xb8;
	[tilespmem:$0x1DD00] =	vst v63  }
0x2b: {  	s12 =	simm.s32 $0x410;
	s13 =	simm.s32 $0x8A00  }
0x2c: {  	[tilespmem:s13], [sflag:$0x1] =	stream.indirect.gather [hbm4b:s4+s11], $0x20, s12, s11, $0xb8;
	[tilespmem:$0x1DD00] =	vst v63  }
0x2d: {  	s14 =	simm.s32 $0x478;
	s15 =	simm.s32 $0x9680  }
0x2e: {  	[tilespmem:s15], [sflag:$0x1] =	stream.indirect.gather [hbm4b:s4+s11], $0x20, s14, s11, $0xb8;
	[tilespmem:$0x1DD00] =	vst v63  }
0x2f: {  	s16 =	simm.s32 $0x4E0;
	s17 =	simm.s32 $0xA300  }
0x30: {  	[tilespmem:s17], [sflag:$0x1] =	stream.indirect.gather [hbm4b:s4+s11], $0x20, s16, s11, $0xb8;
	[tilespmem:$0x1DD00] =	vst v63  }
0x31: {  	s12 =	simm.s32 $0x548;
	s13 =	simm.s32 $0xAF80  }
0x32: {  	[tilespmem:s13], [sflag:$0x1] =	stream.indirect.gather [hbm4b:s4+s11], $0x20, s12, s11, $0xb8;
	[tilespmem:$0x1DD00] =	vst v63  }
0x33: {  	s14 =	simm.s32 $0x5B0;
	s15 =	simm.s32 $0xBC00  }
0x34: {  	[tilespmem:s15], [sflag:$0x1] =	stream.indirect.gather [hbm4b:s4+s11], $0x20, s14, s11, $0xb8;
	[tilespmem:$0x1DD00] =	vst v63  }
0x35: {  	s1 =	simm.s32 $0x0;
	s16 =	simm.s32 $0x618;
	s17 =	simm.s32 $0xC880  }
0x36: {  	[tilespmem:s17], [sflag:$0x1] =	stream.indirect.gather [hbm4b:s4+s11], $0x20, s16, s11, $0xb8;
	[tilespmem:$0x1DD00] =	vst v63  }
.LBB2_2:
0x37: {  	s12 =	sshllo.u32 s1, $0x1  }
0x38: {  	s13 =	sadd.s32 s5, s12  }
0x39: {  	s13 =	smul.u32 $0xD0, s13;
	_ =	sdelay $0x1  }
0x3a: {  	s14 =	sadd.s32 s3, s13;
	s13 =	simm.s32 $0x0  }
0x3b: {  	[tilespmem:s22], [sflag:$0x3] =	stream.linear.gather [hbm4b:s14+s13], $0x680, $0x38;
	[tilespmem:$0x1DD00] =	vst v63  }
0x3c: {  	_ =	swait.ge [sflag:s10], $0x680  }
0x3d: {  	[sflag:s10] =	ssyncset.done $0x0  }
0x3e: {  	s16 =	simm.s32 $0xD500;
	[sflag:s10] =	ssyncadd.s32 $0xFFFFF980  }
0x3f: {  	[tilespmem:s16], [sflag:$0x2] =	stream.indirect.gather [hbm4b:s4+s11], $0x20, s22, s11, $0xb8;
	[tilespmem:$0x1DD00] =	vst v63  }
0x40: {  	s17 =	simm.s32 $0x6E8;
	s15 =	simm.s32 $0xE180  }
0x41: {  	[tilespmem:s15], [sflag:$0x2] =	stream.indirect.gather [hbm4b:s4+s11], $0x20, s17, s11, $0xb8;
	[tilespmem:$0x1DD00] =	vst v63  }
0x42: {  	s16 =	simm.s32 $0x750;
	s17 =	simm.s32 $0xEE00  }
0x43: {  	[tilespmem:s17], [sflag:$0x2] =	stream.indirect.gather [hbm4b:s4+s11], $0x20, s16, s11, $0xb8;
	[tilespmem:$0x1DD00] =	vst v63  }
0x44: {  	s16 =	simm.s32 $0x7B8;
	s17 =	simm.s32 $0xFA80  }
0x45: {  	[tilespmem:s17], [sflag:$0x2] =	stream.indirect.gather [hbm4b:s4+s11], $0x20, s16, s11, $0xb8;
	[tilespmem:$0x1DD00] =	vst v63  }
0x46: {  	s16 =	simm.s32 $0x820;
	s17 =	simm.s32 $0x10700  }
0x47: {  	[tilespmem:s17], [sflag:$0x2] =	stream.indirect.gather [hbm4b:s4+s11], $0x20, s16, s11, $0xb8;
	[tilespmem:$0x1DD00] =	vst v63  }
0x48: {  	s16 =	simm.s32 $0x888;
	s17 =	simm.s32 $0x11380  }
0x49: {  	[tilespmem:s17], [sflag:$0x2] =	stream.indirect.gather [hbm4b:s4+s11], $0x20, s16, s11, $0xb8;
	[tilespmem:$0x1DD00] =	vst v63  }
0x4a: {  	s16 =	simm.s32 $0x8F0;
	s17 =	simm.s32 $0x12000  }
0x4b: {  	[tilespmem:s17], [sflag:$0x2] =	stream.indirect.gather [hbm4b:s4+s11], $0x20, s16, s11, $0xb8;
	[tilespmem:$0x1DD00] =	vst v63  }
0x4c: {  	s16 =	simm.s32 $0x958;
	s17 =	simm.s32 $0x12C80  }
0x4d: {  	[tilespmem:s17], [sflag:$0x2] =	stream.indirect.gather [hbm4b:s4+s11], $0x20, s16, s11, $0xb8;
	[tilespmem:$0x1DD00] =	vst v63  }
0x4e: {  	s15 =	simm.s32 $0x9C0  }
0x4f: {  	[tilespmem:s18], [sflag:$0x2] =	stream.indirect.gather [hbm4b:s4+s11], $0x20, s15, s11, $0xb8;
	[tilespmem:$0x1DD00] =	vst v63  }
0x50: {  	_ = 	snop  }
0x51: {  	[tilespmem:s20], [sflag:$0x2] =	stream.indirect.gather [hbm4b:s4+s11], $0x20, s19, s11, $0xb8;
	[tilespmem:$0x1DD00] =	vst v63  }
0x52: {  	_ = 	snop  }
0x53: {  	[tilespmem:s6], [sflag:$0x2] =	stream.indirect.gather [hbm4b:s4+s11], $0x20, s21, s11, $0xb8;
	[tilespmem:$0x1DD00] =	vst v63  }
0x54: {  	_ = 	snop  }
0x55: {  	[tilespmem:s9], [sflag:$0x2] =	stream.indirect.gather [hbm4b:s4+s11], $0x20, s8, s11, $0xb8;
	[tilespmem:$0x1DD00] =	vst v63  }
0x56: {  	_ = 	snop  }
0x57: {  	[tilespmem:s23], [sflag:$0x2] =	stream.indirect.gather [hbm4b:s4+s11], $0x20, s2, s11, $0xb8;
	[tilespmem:$0x1DD00] =	vst v63  }
0x58: {  	_ = 	snop  }
0x59: {  	[tilespmem:s25], [sflag:$0x2] =	stream.indirect.gather [hbm4b:s4+s11], $0x20, s24, s11, $0xb8;
	[tilespmem:$0x1DD00] =	vst v63  }
0x5a: {  	_ = 	snop  }
0x5b: {  	[tilespmem:s28], [sflag:$0x2] =	stream.indirect.gather [hbm4b:s4+s11], $0x20, s26, s11, $0xb8;
	[tilespmem:$0x1DD00] =	vst v63  }
0x5c: {  	_ = 	snop  }
0x5d: {  	[tilespmem:s30], [sflag:$0x2] =	stream.indirect.gather [hbm4b:s4+s11], $0x20, s29, s11, $0xb8;
	[tilespmem:$0x1DD00] =	vst v63  }
0x5e: {  	_ =	swait.ge [sflag:s31], $0xC80  }
0x5f: {  	[sflag:s31] =	ssyncset.done $0x0  }
0x60: {  	[sflag:s31] =	ssyncadd.s32 $0xFFFFF380  }
0x61: {  	_ =	swait.ge [sflag:s31], $0xC80  }
0x62: {  	[sflag:s31] =	ssyncset.done $0x0  }
0x63: {  	[sflag:s31] =	ssyncadd.s32 $0xFFFFF380  }
0x64: {  	_ =	swait.ge [sflag:s31], $0xC80  }
0x65: {  	[sflag:s31] =	ssyncset.done $0x0  }
0x66: {  	[sflag:s31] =	ssyncadd.s32 $0xFFFFF380  }
0x67: {  	_ =	swait.ge [sflag:s31], $0xC80  }
0x68: {  	[sflag:s31] =	ssyncset.done $0x0  }
0x69: {  	[sflag:s31] =	ssyncadd.s32 $0xFFFFF380  }
0x6a: {  	_ =	swait.ge [sflag:s31], $0xC80  }
0x6b: {  	[sflag:s31] =	ssyncset.done $0x0  }
0x6c: {  	[sflag:s31] =	ssyncadd.s32 $0xFFFFF380  }
0x6d: {  	_ =	swait.ge [sflag:s31], $0xC80  }
0x6e: {  	[sflag:s31] =	ssyncset.done $0x0  }
0x6f: {  	[sflag:s31] =	ssyncadd.s32 $0xFFFFF380  }
0x70: {  	_ =	swait.ge [sflag:s31], $0xC80  }
0x71: {  	[sflag:s31] =	ssyncset.done $0x0  }
0x72: {  	[sflag:s31] =	ssyncadd.s32 $0xFFFFF380  }
0x73: {  	_ =	swait.ge [sflag:s31], $0xC80  }
0x74: {  	[sflag:s31] =	ssyncset.done $0x0  }
0x75: {  	[sflag:s31] =	ssyncadd.s32 $0xFFFFF380  }
0x76: {  	_ =	swait.ge [sflag:s31], $0xC80  }
0x77: {  	[sflag:s31] =	ssyncset.done $0x0  }
0x78: {  	[sflag:s31] =	ssyncadd.s32 $0xFFFFF380  }
0x79: {  	_ =	swait.ge [sflag:s31], $0xC80  }
0x7a: {  	[sflag:s31] =	ssyncset.done $0x0  }
0x7b: {  	[sflag:s31] =	ssyncadd.s32 $0xFFFFF380  }
0x7c: {  	_ =	swait.ge [sflag:s31], $0xC80  }
0x7d: {  	[sflag:s31] =	ssyncset.done $0x0  }
0x7e: {  	[sflag:s31] =	ssyncadd.s32 $0xFFFFF380  }
0x7f: {  	_ =	swait.ge [sflag:s31], $0xC80  }
0x80: {  	[sflag:s31] =	ssyncset.done $0x0  }
0x81: {  	[sflag:s31] =	ssyncadd.s32 $0xFFFFF380  }
0x82: {  	_ =	swait.ge [sflag:s31], $0xC80  }
0x83: {  	[sflag:s31] =	ssyncset.done $0x0  }
0x84: {  	[sflag:s31] =	ssyncadd.s32 $0xFFFFF380  }
0x85: {  	_ =	swait.ge [sflag:s31], $0xC80  }
0x86: {  	[sflag:s31] =	ssyncset.done $0x0  }
0x87: {  	[sflag:s31] =	ssyncadd.s32 $0xFFFFF380  }
0x88: {  	_ =	swait.ge [sflag:s31], $0xC80  }
0x89: {  	[sflag:s31] =	ssyncset.done $0x0  }
0x8a: {  	s16 =	sshll.u32 s1, $0x9;
	[sflag:s31] =	ssyncadd.s32 $0xFFFFF380  }
0x8b: {  	s14 =	sand.u32 $0x3FFFFE00, s16;
	_ =	swait.ge [sflag:s31], $0xC80  }
0x8c: {  	s17 =	sadd.s32 $0x19D00, s14;
	[sflag:s31] =	ssyncset.done $0x0  }
0x8d: {  	s14 =	sshll.u32 s1, $0x1;
	s15 =	simm.s32 $0xD80;
	v0 =	vmov s17;
	[sflag:s31] =	ssyncadd.s32 $0xFFFFF380  }
.LBB2_3:
0x8e: {  	v3 =	vmov s15;
	_ =	sdelay $0x3  }
0x8f: {  	s16 =	simm.s32 $0x0  }
0x90: {  	v4 =	vld.idx.msk [tilespmem:v3+s16+$0x0 ss:$0x1], $0xffff  }
0x91: {  	v5 =	vld.idx.msk [tilespmem:v3+s16+$0x10 ss:$0x1], $0xffff  }
0x92: {  	v6 =	vld.idx.msk [tilespmem:v3+s16+$0x20 ss:$0x1], $0xffff  }
0x93: {  	v7 =	vld.idx.msk [tilespmem:v3+s16+$0x30 ss:$0x1], $0xffff  }
0x94: {  	v1 =	vld.idx.msk [tilespmem:v3+s16+$0x40 ss:$0x1], $0xffff  }
0x95: {  	v2 =	vld.idx.msk [tilespmem:v3+s16+$0x50 ss:$0x1], $0xffff  }
0x96: {  	v20 =	vld.idx.msk [tilespmem:v3+s16+$0xFFFFFF80 ss:$0x1], $0xffff  }
0x97: {  	v22 =	vld.idx.msk [tilespmem:v3+s16+$0xFFFFFF90 ss:$0x1], $0xffff  }
0x98: {  	v19 =	vld.idx.msk [tilespmem:v3+s16+$0xFFFFFFA0 ss:$0x1], $0xffff  }
0x99: {  	v21 =	vld.idx.msk [tilespmem:v3+s16+$0xFFFFFFB0 ss:$0x1], $0xffff  }
0x9a: {  	v12 =	vimm.f32 $0.0e+00;
	v13 =	vimm.f32 $0.0e+00;
	v16 =	vld.idx.msk [tilespmem:v3+s16+$0xFFFFFFC0 ss:$0x1], $0xffff  }
0x9b: {  	v14 =	vimm.f32 $0.0e+00;
	v15 =	vimm.f32 $0.0e+00;
	v8 =	vimm.f32 $0.0e+00;
	v17 =	vld.idx.msk [tilespmem:v3+s16+$0xFFFFFFD0 ss:$0x1], $0xffff  }
0x9c: {  	s17 =	simm.s32 $0x400;
	v9 =	vimm.f32 $0.0e+00;
	v11 =	vimm.f32 $0.0e+00;
	v10 =	vimm.f32 $0.0e+00;
	v18 =	vld.idx.msk [tilespmem:v3+s16+$0xFFFFFFE0 ss:$0x1], $0xffff  }
.LBB2_4:
0x9d: {  	p0 =	sne.s32 s17, $0x6000;
	v23 =	vld.idx.msk [tilespmem:v3+s16+$0xFFFFFFF0 ss:$0x1], $0xffff  }
0x9e: {  	v12 =	vadd.f32 v20, v12;
	v13 =	vadd.f32 v22, v13;
	v20 =	vld.idx.msk [tilespmem:v3+s16+$0x60 ss:$0x1], $0xffff  }
0x9f: {  	v14 =	vadd.f32 v19, v14;
	v15 =	vadd.f32 v21, v15;
	v19 =	vld.idx.msk [tilespmem:v3+s16+$0x70 ss:$0x1], $0xffff;
	s16 =	sshra.s32 s17, $0x2  }
0xa0: {  	v12 =	vadd.f32 v4, v12;
	v13 =	vadd.f32 v5, v13;
	v4 =	vld.idx.msk [tilespmem:v3+s16+$0x0 ss:$0x1], $0xffff  }
0xa1: {  	v14 =	vadd.f32 v6, v14;
	v15 =	vadd.f32 v7, v15;
	v5 =	vld.idx.msk [tilespmem:v3+s16+$0x10 ss:$0x1], $0xffff  }
0xa2: {  	v8 =	vadd.f32 v16, v8;
	v9 =	vadd.f32 v17, v9;
	v6 =	vld.idx.msk [tilespmem:v3+s16+$0x20 ss:$0x1], $0xffff  }
0xa3: {  	v11 =	vadd.f32 v18, v11;
	v10 =	vadd.f32 v23, v10;
	v7 =	vld.idx.msk [tilespmem:v3+s16+$0x30 ss:$0x1], $0xffff  }
0xa4: {  	v8 =	vadd.f32 v1, v8;
	v9 =	vadd.f32 v2, v9;
	v1 =	vld.idx.msk [tilespmem:v3+s16+$0x40 ss:$0x1], $0xffff  }
0xa5: {  	v11 =	vadd.f32 v20, v11;
	v10 =	vadd.f32 v19, v10;
	v2 =	vld.idx.msk [tilespmem:v3+s16+$0x50 ss:$0x1], $0xffff  }
0xa6: {  	v20 =	vld.idx.msk [tilespmem:v3+s16+$0xFFFFFF80 ss:$0x1], $0xffff  }
0xa7: {  	v22 =	vld.idx.msk [tilespmem:v3+s16+$0xFFFFFF90 ss:$0x1], $0xffff  }
.Ltmp0:
0xa8: {  	v19 =	vld.idx.msk [tilespmem:v3+s16+$0xFFFFFFA0 ss:$0x1], $0xffff;
	(pc) =	sbr.rel @p0 .LBB2_4-.Ltmp0, $4  }
0xa9: {  	v21 =	vld.idx.msk [tilespmem:v3+s16+$0xFFFFFFB0 ss:$0x1], $0xffff  }
0xaa: {  	v16 =	vld.idx.msk [tilespmem:v3+s16+$0xFFFFFFC0 ss:$0x1], $0xffff  }
0xab: {  	v17 =	vld.idx.msk [tilespmem:v3+s16+$0xFFFFFFD0 ss:$0x1], $0xffff  }
0xac: {  	s17 =	sadd.s32 $0x400, s17;
	v18 =	vld.idx.msk [tilespmem:v3+s16+$0xFFFFFFE0 ss:$0x1], $0xffff  }
0xad: {  	_ =	sdelay $0x3  }
0xae: {  	v23 =	vld.idx.msk [tilespmem:v3+s16+$0xFFFFFFF0 ss:$0x1], $0xffff;
	v12 =	vadd.f32 v20, v12;
	v13 =	vadd.f32 v22, v13  }
0xaf: {  	v62 =	vld.idx.msk [tilespmem:v3+s16+$0x60 ss:$0x1], $0xffff;
	v14 =	vadd.f32 v19, v14;
	v15 =	vadd.f32 v21, v15  }
0xb0: {  	v3 =	vld.idx.msk [tilespmem:v3+s16+$0x70 ss:$0x1], $0xffff;
	v4 =	vadd.f32 v4, v12;
	v5 =	vadd.f32 v5, v13  }
0xb1: {  	v6 =	vadd.f32 v6, v14;
	v8 =	vadd.f32 v16, v8  }
0xb2: {  	v7 =	vadd.f32 v7, v15;
	v11 =	vadd.f32 v18, v11  }
0xb3: {  	v9 =	vadd.f32 v17, v9;
	v10 =	vadd.f32 v23, v10  }
0xb4: {  	v1 =	vadd.f32 v1, v8;
	v63 =	vadd.f32 v62, v11  }
0xb5: {  	v2 =	vadd.f32 v2, v9;
	v3 =	vadd.f32 v3, v10  }
0xb6: {  	v4 =	vadd.f32 v6, v4;
	v1 =	vadd.f32 v63, v1  }
0xb7: {  	s17 =	sshll.u32 s13, $0x5;
	s13 =	sadd.s32 $0x1, s13;
	v5 =	vadd.f32 v7, v5;
	v2 =	vadd.f32 v3, v2  }
0xb8: {  	p0 =	sne.s32 s13, $0x8;
	v1 =	vadd.f32 v1, v4  }
.Ltmp1:
0xb9: {  	v2 =	vadd.f32 v2, v5;
	(pc) =	sbr.rel @p0 .LBB2_3-.Ltmp1, $4  }
0xba: {  	v1 =	vmul.f32 $4.999999890e-03, v1  }
0xbb: {  	s16 =	sand.u32 $0x3FFFFFE0, s17;
	v2 =	vmul.f32 $4.999999890e-03, v2  }
0xbc: {  	[tilespmem:v0+s16+$0x0 ss:$0x1] =	vst.idx.msk $0xffff, v1  }
0xbd: {  	s15 =	sadd.s32 $0x1900, s15;
	[tilespmem:v0+s16+$0x10 ss:$0x1] =	vst.idx.msk $0xffff, v2  }
0xbe: {  	p0 =	seq.s32 s1, $0x1F  }
0xbf: {  	s13 =	sadd.s32 @!p0 s14, s7  }
0xc0: {  	s13 =	smul.u32 @!p0 $0xD0, s13;
	_ =	sdelay $0x1  }
0xc1: {  	s14 =	simm.s32 @!p0 $0x0;
	s13 =	sadd.s32 @!p0 s3, s13  }
0xc2: {  	[tilespmem:s14], [sflag:$0x3] =	stream.linear.gather @!p0 [hbm4b:s13+s14], $0x680, $0x38;
	[tilespmem:$0x1DD00] =	vst v63  }
0xc3: {  	s13 =	simm.s32 @!p0 $0x3  }
0xc4: {  	_ =	swait.ge @!p0 [sflag:s13], $0x680  }
0xc5: {  	[sflag:s13] =	ssyncset.done @!p0 $0x0  }
0xc6: {  	s15 =	simm.s32 @!p0 $0xD00;
	[sflag:s13] =	ssyncadd.s32 @!p0 $0xFFFFF980;
	s13 =	simm.s32 @!p0 $0x64  }
0xc7: {  	[tilespmem:s15], [sflag:$0x1] =	stream.indirect.gather @!p0 [hbm4b:s4+s13], $0x20, s14, s13, $0xb8;
	[tilespmem:$0x1DD00] =	vst v63  }
0xc8: {  	s14 =	simm.s32 @!p0 $0x68;
	s15 =	simm.s32 @!p0 $0x1980  }
0xc9: {  	[tilespmem:s15], [sflag:$0x1] =	stream.indirect.gather @!p0 [hbm4b:s4+s13], $0x20, s14, s13, $0xb8;
	[tilespmem:$0x1DD00] =	vst v63  }
0xca: {  	s14 =	simm.s32 @!p0 $0xD0;
	s15 =	simm.s32 @!p0 $0x2600  }
0xcb: {  	[tilespmem:s15], [sflag:$0x1] =	stream.indirect.gather @!p0 [hbm4b:s4+s13], $0x20, s14, s13, $0xb8;
	[tilespmem:$0x1DD00] =	vst v63  }
0xcc: {  	s14 =	simm.s32 @!p0 $0x138;
	s15 =	simm.s32 @!p0 $0x3280  }
0xcd: {  	[tilespmem:s15], [sflag:$0x1] =	stream.indirect.gather @!p0 [hbm4b:s4+s13], $0x20, s14, s13, $0xb8;
	[tilespmem:$0x1DD00] =	vst v63  }
0xce: {  	s14 =	simm.s32 @!p0 $0x1A0;
	s15 =	simm.s32 @!p0 $0x3F00  }
0xcf: {  	[tilespmem:s15], [sflag:$0x1] =	stream.indirect.gather @!p0 [hbm4b:s4+s13], $0x20, s14, s13, $0xb8;
	[tilespmem:$0x1DD00] =	vst v63  }
0xd0: {  	s14 =	simm.s32 @!p0 $0x208;
	s15 =	simm.s32 @!p0 $0x4B80  }
0xd1: {  	[tilespmem:s15], [sflag:$0x1] =	stream.indirect.gather @!p0 [hbm4b:s4+s13], $0x20, s14, s13, $0xb8;
	[tilespmem:$0x1DD00] =	vst v63  }
0xd2: {  	s14 =	simm.s32 @!p0 $0x270;
	s15 =	simm.s32 @!p0 $0x5800  }
0xd3: {  	[tilespmem:s15], [sflag:$0x1] =	stream.indirect.gather @!p0 [hbm4b:s4+s13], $0x20, s14, s13, $0xb8;
	[tilespmem:$0x1DD00] =	vst v63  }
0xd4: {  	s14 =	simm.s32 @!p0 $0x2D8;
	s15 =	simm.s32 @!p0 $0x6480  }
0xd5: {  	[tilespmem:s15], [sflag:$0x1] =	stream.indirect.gather @!p0 [hbm4b:s4+s13], $0x20, s14, s13, $0xb8;
	[tilespmem:$0x1DD00] =	vst v63  }
0xd6: {  	s14 =	simm.s32 @!p0 $0x340;
	s15 =	simm.s32 @!p0 $0x7100  }
0xd7: {  	[tilespmem:s15], [sflag:$0x1] =	stream.indirect.gather @!p0 [hbm4b:s4+s13], $0x20, s14, s13, $0xb8;
	[tilespmem:$0x1DD00] =	vst v63  }
0xd8: {  	s14 =	simm.s32 @!p0 $0x3A8;
	s15 =	simm.s32 @!p0 $0x7D80  }
0xd9: {  	[tilespmem:s15], [sflag:$0x1] =	stream.indirect.gather @!p0 [hbm4b:s4+s13], $0x20, s14, s13, $0xb8;
	[tilespmem:$0x1DD00] =	vst v63  }
0xda: {  	s14 =	simm.s32 @!p0 $0x410;
	s15 =	simm.s32 @!p0 $0x8A00  }
0xdb: {  	[tilespmem:s15], [sflag:$0x1] =	stream.indirect.gather @!p0 [hbm4b:s4+s13], $0x20, s14, s13, $0xb8;
	[tilespmem:$0x1DD00] =	vst v63  }
0xdc: {  	s14 =	simm.s32 @!p0 $0x478;
	s15 =	simm.s32 @!p0 $0x9680  }
0xdd: {  	[tilespmem:s15], [sflag:$0x1] =	stream.indirect.gather @!p0 [hbm4b:s4+s13], $0x20, s14, s13, $0xb8;
	[tilespmem:$0x1DD00] =	vst v63  }
0xde: {  	s14 =	simm.s32 @!p0 $0x4E0;
	s15 =	simm.s32 @!p0 $0xA300  }
0xdf: {  	[tilespmem:s15], [sflag:$0x1] =	stream.indirect.gather @!p0 [hbm4b:s4+s13], $0x20, s14, s13, $0xb8;
	[tilespmem:$0x1DD00] =	vst v63  }
0xe0: {  	s14 =	simm.s32 @!p0 $0x548;
	s15 =	simm.s32 @!p0 $0xAF80  }
0xe1: {  	[tilespmem:s15], [sflag:$0x1] =	stream.indirect.gather @!p0 [hbm4b:s4+s13], $0x20, s14, s13, $0xb8;
	[tilespmem:$0x1DD00] =	vst v63  }
0xe2: {  	s14 =	simm.s32 @!p0 $0x5B0;
	s15 =	simm.s32 @!p0 $0xBC00  }
0xe3: {  	[tilespmem:s15], [sflag:$0x1] =	stream.indirect.gather @!p0 [hbm4b:s4+s13], $0x20, s14, s13, $0xb8;
	[tilespmem:$0x1DD00] =	vst v63  }
0xe4: {  	s14 =	simm.s32 @!p0 $0x618;
	s15 =	simm.s32 @!p0 $0xC880  }
0xe5: {  	[tilespmem:s15], [sflag:$0x1] =	stream.indirect.gather @!p0 [hbm4b:s4+s13], $0x20, s14, s13, $0xb8;
	[tilespmem:$0x1DD00] =	vst v63  }
0xe6: {  	_ =	swait.ge [sflag:s0], $0xC80  }
0xe7: {  	[sflag:s0] =	ssyncset.done $0x0  }
0xe8: {  	[sflag:s0] =	ssyncadd.s32 $0xFFFFF380  }
0xe9: {  	_ =	swait.ge [sflag:s0], $0xC80  }
0xea: {  	[sflag:s0] =	ssyncset.done $0x0  }
0xeb: {  	[sflag:s0] =	ssyncadd.s32 $0xFFFFF380  }
0xec: {  	_ =	swait.ge [sflag:s0], $0xC80  }
0xed: {  	[sflag:s0] =	ssyncset.done $0x0  }
0xee: {  	[sflag:s0] =	ssyncadd.s32 $0xFFFFF380  }
0xef: {  	_ =	swait.ge [sflag:s0], $0xC80  }
0xf0: {  	[sflag:s0] =	ssyncset.done $0x0  }
0xf1: {  	[sflag:s0] =	ssyncadd.s32 $0xFFFFF380  }
0xf2: {  	_ =	swait.ge [sflag:s0], $0xC80  }
0xf3: {  	[sflag:s0] =	ssyncset.done $0x0  }
0xf4: {  	[sflag:s0] =	ssyncadd.s32 $0xFFFFF380  }
0xf5: {  	_ =	swait.ge [sflag:s0], $0xC80  }
0xf6: {  	[sflag:s0] =	ssyncset.done $0x0  }
0xf7: {  	[sflag:s0] =	ssyncadd.s32 $0xFFFFF380  }
0xf8: {  	_ =	swait.ge [sflag:s0], $0xC80  }
0xf9: {  	[sflag:s0] =	ssyncset.done $0x0  }
0xfa: {  	[sflag:s0] =	ssyncadd.s32 $0xFFFFF380  }
0xfb: {  	_ =	swait.ge [sflag:s0], $0xC80  }
0xfc: {  	[sflag:s0] =	ssyncset.done $0x0  }
0xfd: {  	[sflag:s0] =	ssyncadd.s32 $0xFFFFF380  }
0xfe: {  	_ =	swait.ge [sflag:s0], $0xC80  }
0xff: {  	[sflag:s0] =	ssyncset.done $0x0  }
0x100: {  	[sflag:s0] =	ssyncadd.s32 $0xFFFFF380  }
0x101: {  	_ =	swait.ge [sflag:s0], $0xC80  }
0x102: {  	[sflag:s0] =	ssyncset.done $0x0  }
0x103: {  	[sflag:s0] =	ssyncadd.s32 $0xFFFFF380  }
0x104: {  	_ =	swait.ge [sflag:s0], $0xC80  }
0x105: {  	[sflag:s0] =	ssyncset.done $0x0  }
0x106: {  	[sflag:s0] =	ssyncadd.s32 $0xFFFFF380  }
0x107: {  	_ =	swait.ge [sflag:s0], $0xC80  }
0x108: {  	[sflag:s0] =	ssyncset.done $0x0  }
0x109: {  	[sflag:s0] =	ssyncadd.s32 $0xFFFFF380  }
0x10a: {  	_ =	swait.ge [sflag:s0], $0xC80  }
0x10b: {  	[sflag:s0] =	ssyncset.done $0x0  }
0x10c: {  	[sflag:s0] =	ssyncadd.s32 $0xFFFFF380  }
0x10d: {  	_ =	swait.ge [sflag:s0], $0xC80  }
0x10e: {  	[sflag:s0] =	ssyncset.done $0x0  }
0x10f: {  	[sflag:s0] =	ssyncadd.s32 $0xFFFFF380  }
0x110: {  	_ =	swait.ge [sflag:s0], $0xC80  }
0x111: {  	[sflag:s0] =	ssyncset.done $0x0  }
0x112: {  	s12 =	sshll.u32 s12, $0x8;
	[sflag:s0] =	ssyncadd.s32 $0xFFFFF380  }
0x113: {  	s12 =	sand.u32 $0x3FFFFF00, s12;
	_ =	swait.ge [sflag:s0], $0xC80  }
0x114: {  	s17 =	sadd.s32 $0x19D00, s12;
	[sflag:s0] =	ssyncset.done $0x0  }
0x115: {  	s12 =	simm.s32 $0x0;
	v0 =	vmov s17;
	s13 =	simm.s32 $0xD00;
	[sflag:s0] =	ssyncadd.s32 $0xFFFFF380  }
.LBB2_7:
0x116: {  	v3 =	vmov s13;
	_ =	sdelay $0x3  }
0x117: {  	s14 =	simm.s32 $0x0  }
0x118: {  	v4 =	vld.idx.msk [tilespmem:v3+s14+$0xC880 ss:$0x1], $0xffff  }
0x119: {  	v5 =	vld.idx.msk [tilespmem:v3+s14+$0xC890 ss:$0x1], $0xffff  }
0x11a: {  	v6 =	vld.idx.msk [tilespmem:v3+s14+$0xC8A0 ss:$0x1], $0xffff  }
0x11b: {  	v7 =	vld.idx.msk [tilespmem:v3+s14+$0xC8B0 ss:$0x1], $0xffff  }
0x11c: {  	v1 =	vld.idx.msk [tilespmem:v3+s14+$0xC8C0 ss:$0x1], $0xffff  }
0x11d: {  	v2 =	vld.idx.msk [tilespmem:v3+s14+$0xC8D0 ss:$0x1], $0xffff  }
0x11e: {  	v20 =	vld.idx.msk [tilespmem:v3+s14+$0xC800 ss:$0x1], $0xffff  }
0x11f: {  	v22 =	vld.idx.msk [tilespmem:v3+s14+$0xC810 ss:$0x1], $0xffff  }
0x120: {  	v19 =	vld.idx.msk [tilespmem:v3+s14+$0xC820 ss:$0x1], $0xffff  }
0x121: {  	v21 =	vld.idx.msk [tilespmem:v3+s14+$0xC830 ss:$0x1], $0xffff  }
0x122: {  	v12 =	vimm.f32 $0.0e+00;
	v13 =	vimm.f32 $0.0e+00;
	v16 =	vld.idx.msk [tilespmem:v3+s14+$0xC840 ss:$0x1], $0xffff  }
0x123: {  	v14 =	vimm.f32 $0.0e+00;
	v15 =	vimm.f32 $0.0e+00;
	v8 =	vimm.f32 $0.0e+00;
	v17 =	vld.idx.msk [tilespmem:v3+s14+$0xC850 ss:$0x1], $0xffff  }
0x124: {  	s15 =	simm.s32 $0x400;
	v9 =	vimm.f32 $0.0e+00;
	v11 =	vimm.f32 $0.0e+00;
	v10 =	vimm.f32 $0.0e+00;
	v18 =	vld.idx.msk [tilespmem:v3+s14+$0xC860 ss:$0x1], $0xffff  }
.LBB2_8:
0x125: {  	p0 =	sne.s32 s15, $0x6000;
	v23 =	vld.idx.msk [tilespmem:v3+s14+$0xC870 ss:$0x1], $0xffff  }
0x126: {  	v12 =	vadd.f32 v20, v12;
	v13 =	vadd.f32 v22, v13;
	v20 =	vld.idx.msk [tilespmem:v3+s14+$0xC8E0 ss:$0x1], $0xffff  }
0x127: {  	v14 =	vadd.f32 v19, v14;
	v15 =	vadd.f32 v21, v15;
	v19 =	vld.idx.msk [tilespmem:v3+s14+$0xC8F0 ss:$0x1], $0xffff;
	s14 =	sshra.s32 s15, $0x2  }
0x128: {  	v12 =	vadd.f32 v4, v12;
	v13 =	vadd.f32 v5, v13;
	v4 =	vld.idx.msk [tilespmem:v3+s14+$0xC880 ss:$0x1], $0xffff  }
0x129: {  	v14 =	vadd.f32 v6, v14;
	v15 =	vadd.f32 v7, v15;
	v5 =	vld.idx.msk [tilespmem:v3+s14+$0xC890 ss:$0x1], $0xffff  }
0x12a: {  	v8 =	vadd.f32 v16, v8;
	v9 =	vadd.f32 v17, v9;
	v6 =	vld.idx.msk [tilespmem:v3+s14+$0xC8A0 ss:$0x1], $0xffff  }
0x12b: {  	v11 =	vadd.f32 v18, v11;
	v10 =	vadd.f32 v23, v10;
	v7 =	vld.idx.msk [tilespmem:v3+s14+$0xC8B0 ss:$0x1], $0xffff  }
0x12c: {  	v8 =	vadd.f32 v1, v8;
	v9 =	vadd.f32 v2, v9;
	v1 =	vld.idx.msk [tilespmem:v3+s14+$0xC8C0 ss:$0x1], $0xffff  }
0x12d: {  	v11 =	vadd.f32 v20, v11;
	v10 =	vadd.f32 v19, v10;
	v2 =	vld.idx.msk [tilespmem:v3+s14+$0xC8D0 ss:$0x1], $0xffff  }
0x12e: {  	v20 =	vld.idx.msk [tilespmem:v3+s14+$0xC800 ss:$0x1], $0xffff  }
0x12f: {  	v22 =	vld.idx.msk [tilespmem:v3+s14+$0xC810 ss:$0x1], $0xffff  }
.Ltmp2:
0x130: {  	v19 =	vld.idx.msk [tilespmem:v3+s14+$0xC820 ss:$0x1], $0xffff;
	(pc) =	sbr.rel @p0 .LBB2_8-.Ltmp2, $4  }
0x131: {  	v21 =	vld.idx.msk [tilespmem:v3+s14+$0xC830 ss:$0x1], $0xffff  }
0x132: {  	v16 =	vld.idx.msk [tilespmem:v3+s14+$0xC840 ss:$0x1], $0xffff  }
0x133: {  	v17 =	vld.idx.msk [tilespmem:v3+s14+$0xC850 ss:$0x1], $0xffff  }
0x134: {  	s15 =	sadd.s32 $0x400, s15;
	v18 =	vld.idx.msk [tilespmem:v3+s14+$0xC860 ss:$0x1], $0xffff  }
0x135: {  	_ =	sdelay $0x3  }
0x136: {  	v23 =	vld.idx.msk [tilespmem:v3+s14+$0xC870 ss:$0x1], $0xffff;
	v12 =	vadd.f32 v20, v12;
	v13 =	vadd.f32 v22, v13  }
0x137: {  	v62 =	vld.idx.msk [tilespmem:v3+s14+$0xC8E0 ss:$0x1], $0xffff;
	v14 =	vadd.f32 v19, v14;
	v15 =	vadd.f32 v21, v15  }
0x138: {  	v3 =	vld.idx.msk [tilespmem:v3+s14+$0xC8F0 ss:$0x1], $0xffff;
	v4 =	vadd.f32 v4, v12;
	v5 =	vadd.f32 v5, v13  }
0x139: {  	v6 =	vadd.f32 v6, v14;
	v8 =	vadd.f32 v16, v8  }
0x13a: {  	v7 =	vadd.f32 v7, v15;
	v11 =	vadd.f32 v18, v11  }
0x13b: {  	v9 =	vadd.f32 v17, v9;
	v10 =	vadd.f32 v23, v10  }
0x13c: {  	v1 =	vadd.f32 v1, v8;
	v63 =	vadd.f32 v62, v11  }
0x13d: {  	v2 =	vadd.f32 v2, v9;
	v3 =	vadd.f32 v3, v10  }
0x13e: {  	v4 =	vadd.f32 v6, v4;
	v1 =	vadd.f32 v63, v1  }
0x13f: {  	s17 =	sshll.u32 s12, $0x5;
	s12 =	sadd.s32 $0x1, s12;
	v5 =	vadd.f32 v7, v5;
	v2 =	vadd.f32 v3, v2  }
0x140: {  	p0 =	sne.s32 s12, $0x8;
	v1 =	vadd.f32 v1, v4  }
.Ltmp3:
0x141: {  	v2 =	vadd.f32 v2, v5;
	(pc) =	sbr.rel @p0 .LBB2_7-.Ltmp3, $4  }
0x142: {  	v1 =	vmul.f32 $4.999999890e-03, v1  }
0x143: {  	s14 =	sand.u32 $0x3FFFFFE0, s17;
	v2 =	vmul.f32 $4.999999890e-03, v2  }
0x144: {  	[tilespmem:v0+s14+$0x0 ss:$0x1] =	vst.idx.msk $0xffff, v1  }
0x145: {  	s13 =	sadd.s32 $0x1900, s13;
	[tilespmem:v0+s14+$0x10 ss:$0x1] =	vst.idx.msk $0xffff, v2  }
0x146: {  	s1 =	sadd.s32 $0x1, s1  }
0x147: {  	p0 =	sne.s32 s1, $0x20  }
.Ltmp4:
0x148: {  	_ = 	snop;
	(pc) =	sbr.rel @p0 .LBB2_2-.Ltmp4, $1  }
0x149: {  	_ =	sdelay $0x3  }
0x14a: {  	s12 =	simm.s32 $0x0;
	s1 =	rddreg [dreg:$0x4];
	s13 =	simm.s32 $0x19D00  }
0x14b: {  	[hbm4b:s1+s12] =	stream.linear.scatter [tilespmem:s13], [sflag:$0x3], $0x4000, $0x38;
	[tilespmem:$0x1DD00] =	vst v63  }
0x14c: {  	_ =	swait.ge [sflag:s10], $0x4000  }
0x14d: {  	s16 =	rddreg [dreg:$0x6]  }
0x14e: {  	s17 =	rddreg [dreg:$0x5];
	s13 =	sadd.s32 $0x1, s16  }
0x14f: {  	p0 =	sne.s32 s13, s17  }
.Ltmp5:
0x150: {  	_ = 	snop;
	(pc) =	sbr.rel @p0 .LBB2_1-.Ltmp5, $3  }
0x151: {  	_ =	sdelay $0x1  }
0x152: {  	[sflag:s10] =	ssyncset.done $0x0  }
0x153: {  	[sflag:s10] =	ssyncadd.s32 $0xFFFFC000  }
0x154: {  	_ =	sfence.sel $0x180000  }
0x155: {  	[bflag:$0x0] =	sbarrier.arrive $0xFFFF  }
0x156: {  	_ =	strace $0x90000047  }
0x157: {  	s0 =	stileid.u32;
	[bflag:$0x2] =	sbarrier.arrive $0xFFFF  }
0x158: {  	p0 =	sne.s32 s0, $0x0;
	s0 =	rddreg [dreg:$0x2]  }
0x159: {  	s0 =	sadd.s32 @!p0 $0x100000, s0  }
0x15a: {  	[sflag:s0] =	ssyncadd.tile.s32 @!p0 $0x1;
	_ =	shalt  }
.Lfunc_end2:
_tile_overlayer_lowered:
.L_overlay_start_2:
0x15b: {  	(tag) =	ssettag $0x2  }
0x15c: {  	s0 =	rddreg [dreg:$0x0];
	s2 =	stileid.u32  }
0x15d: {  	s1 =	rddreg [dreg:$0x1];
	p0 =	sne.s32 s2, $0x0  }
0x15e: {  	s3 =	rddreg [dreg:$0x2];
	[bflag:$0x3] =	sbarrier.arrive $0xFFFF;
	s2 =	simm.s32 @!p0 $0x1C03  }
0x15f: {  	[timem:s3], [sflag:s2] =	dma.local @!p0 [hbm:s0], s1  }
0x160: {  	s0 =	simm.s32 @!p0 $0x3  }
0x161: {  	_ =	swait.ge @!p0 [sflag:s0], s1  }
0x162: {  	s1 =	ssub.s32 @!p0 $0x0, s1;
	[sflag:s0] =	ssyncset.done @!p0 $0x0  }
0x163: {  	[sflag:s0] =	ssyncadd.s32 @!p0 s1  }
0x164: {  	[bflag:$0x3] =	sbarrier.arrive $0xFFFF  }
0x165: {  	_ =	shalt  }

</sc_bundles>
